<compile_context>
chip_gen: v7x
topology: tpu7x:2x2x1
jax: 0.10.2.dev20260603
libtpu: 0.0.44.dev20260713+nightly
codegen_flags: <defaults>
</compile_context>

<pallas_src>
import functools

import jax
import jax.numpy as jnp
from jax import lax
from jax.experimental import pallas as pl
from jax.experimental.pallas import tpu as pltpu
from jax.experimental.pallas import tpu_sc as plsc

N = 10000
E = 320000
DIM = 128
MAX_DEG = 64

NC = 2
NS = 16
NW = NC * NS
N_PAD = 10240
RPT = N_PAD // NS

CCH = 128
CNCH = 80
CEPW = CCH * CNCH
E_PAD = NW * CEPW
NCELL = N_PAD * MAX_DEG

CH = 128
NCH = CNCH
EPW = NCH * CH
NLB = 8


def _sc_counts(deg_pad, src3, dst3, zeros):
  mesh = plsc.VectorSubcoreMesh(
      core_axis_name="c", subcore_axis_name="s", num_cores=NC, num_subcores=NS)

  @functools.partial(
      pl.kernel,
      out_type=jax.ShapeDtypeStruct((NC, NCELL), jnp.float32),
      mesh=mesh,
      scratch_types=[
          pltpu.VMEM((CNCH, CCH), jnp.int32),
          pltpu.VMEM((CNCH, CCH), jnp.int32),
          pltpu.VMEM((CNCH, CCH), jnp.int32),
          pltpu.VMEM((CCH,), jnp.float32),
          pltpu.VMEM((NCELL // NS,), jnp.float32),
          pltpu.VMEM_SHARED((NCELL,), jnp.float32),
          pltpu.SemaphoreType.DMA,
      ],
  )
  def body(deg_hbm, src_hbm, dst_hbm, zeros_hbm, out_hbm, src_v, dst_v,
           cidx_v, ones_v, vb, acc_sh, sem):
    c = lax.axis_index("c")
    s = lax.axis_index("s")
    wid = s * NC + c
    epb = NCELL // NS

    pltpu.sync_copy(src_hbm.at[wid], src_v)
    pltpu.sync_copy(dst_hbm.at[wid], dst_v)
    pltpu.sync_copy(zeros_hbm, vb)
    for j in range(CCH // 16):
      ones_v[pl.ds(j * 16, 16)] = jnp.ones((16,), jnp.float32)

    pltpu.sync_copy(vb, acc_sh.at[pl.ds(s * epb, epb)])

    def fire_deg(i, carry):
      pltpu.async_copy(deg_hbm.at[src_v.at[i]], cidx_v.at[i], sem)
      return carry

    lax.fori_loop(0, CNCH, fire_deg, 0)

    def drain_deg(i, carry):
      pltpu.make_async_copy(deg_hbm.at[src_v.at[i]], cidx_v.at[i], sem).wait()
      return carry

    lax.fori_loop(0, CNCH, drain_deg, 0)

    def cell(r, carry):
      for j in range(CCH // 16):
        col = j * 16
        cidx_v[r, pl.ds(col, 16)] = (dst_v[r, pl.ds(col, 16)] * MAX_DEG
                                     + cidx_v[r, pl.ds(col, 16)])
      return carry

    lax.fori_loop(0, CNCH, cell, 0)
    plsc.subcore_barrier()

    def fire(i, carry):
      pltpu.async_copy(ones_v, acc_sh.at[cidx_v.at[i]], sem, add=True)
      return carry

    lax.fori_loop(0, CNCH, fire, 0)

    def drain(i, carry):
      pltpu.make_async_copy(ones_v, acc_sh.at[cidx_v.at[i]], sem).wait()
      return carry

    lax.fori_loop(0, CNCH, drain, 0)
    plsc.subcore_barrier()

    pltpu.sync_copy(acc_sh.at[pl.ds(s * epb, epb)], vb)
    pltpu.sync_copy(vb, out_hbm.at[c, pl.ds(s * epb, epb)])

  return body(deg_pad, src3, dst3, zeros)


def _sc_scatter_rows(x, src3, dst3, zrows):
  mesh = plsc.VectorSubcoreMesh(
      core_axis_name="c", subcore_axis_name="s", num_cores=NC, num_subcores=NS)

  @functools.partial(
      pl.kernel,
      out_type=jax.ShapeDtypeStruct((NC, N_PAD, DIM), jnp.float32),
      mesh=mesh,
      scratch_types=[
          pltpu.VMEM((NCH, CH), jnp.int32),
          pltpu.VMEM((NLB, CH), jnp.int32),
          pltpu.VMEM((CH, DIM), jnp.float32),
          pltpu.VMEM((CH, DIM), jnp.float32),
          pltpu.VMEM_SHARED((N_PAD, DIM), jnp.float32),
          [pltpu.SemaphoreType.DMA] * NLB,
          [pltpu.SemaphoreType.DMA] * 2,
      ],
  )
  def body(x_hbm, src_hbm, dst_hbm, zrows_hbm, out_hbm, src_v, didx, rows0,
           rows1, acc_sh, isems, gsems):
    c = lax.axis_index("c")
    s = lax.axis_index("s")
    wid = s * NC + c
    rows = (rows0, rows1)

    def issue_didx(i, slot):
      pltpu.async_copy(dst_hbm.at[wid, i], didx.at[slot], isems[slot])

    def wait_didx(i, slot):
      pltpu.make_async_copy(dst_hbm.at[wid, i], didx.at[slot],
                            isems[slot]).wait()

    def issue_gather(i, br):
      pltpu.async_copy(x_hbm.at[src_v.at[i]], rows[br], gsems[br])

    def wait_gather(i, br):
      pltpu.make_async_copy(x_hbm.at[src_v.at[i]], rows[br],
                            gsems[br]).wait()

    def sync_scatter(slot, br):
      pltpu.sync_copy(rows[br], acc_sh.at[didx.at[slot]], add=True)

    pltpu.sync_copy(src_hbm.at[wid], src_v)
    for j in range(NLB):
      issue_didx(j, j)

    pltpu.sync_copy(zrows_hbm, rows0)
    for k in range(RPT // CH):
      pltpu.sync_copy(rows0, acc_sh.at[pl.ds(s * RPT + k * CH, CH)])
    plsc.subcore_barrier()

    def step(io, carry):
      for b in range(NLB):
        i = io * NLB + b
        br = b % 2

        issue_gather(i, br)
        wait_gather(i, br)
        wait_didx(i, b)
        sync_scatter(b, br)

        @pl.when(i + NLB < NCH)
        def _():
          issue_didx(i + NLB, b)

      return carry

    lax.fori_loop(0, NCH // NLB, step, 0)
    plsc.subcore_barrier()

    for k in range(RPT // CH):
      r0 = s * RPT + k * CH
      pltpu.sync_copy(acc_sh.at[pl.ds(r0, CH)], rows0)
      pltpu.sync_copy(rows0, out_hbm.at[c, pl.ds(r0, CH)])

  return body(x, src3, dst3, zrows)


def _lrelu(x):
  return jnp.where(x >= 0, x, 0.01 * x)


def _bn(x, g, b):
  m = jnp.mean(x, axis=0, keepdims=True)
  v = jnp.mean((x - m) ** 2, axis=0, keepdims=True)
  return (x - m) / jnp.sqrt(v + 1e-5) * g + b


def _onehot(deg_col):
  iot = lax.broadcasted_iota(jnp.int32, (1, MAX_DEG), 1)
  return (deg_col == iot).astype(jnp.float32)


def _tc_h1(deg2, embed_table, cnts, eps, W, b, g, be):

  def body(deg_ref, emb_ref, cnt_ref, eps_ref, w_ref, b_ref, g_ref, be_ref,
           out_ref):
    t1 = jnp.dot(emb_ref[:], w_ref[:], preferred_element_type=jnp.float32)
    m = (cnt_ref[0, :N, :] + cnt_ref[1, :N, :]
         + (1.0 + eps_ref[0, 0]) * _onehot(deg_ref[:]))
    pre = jnp.dot(m, t1, preferred_element_type=jnp.float32) + b_ref[:]
    out_ref[:] = _lrelu(_bn(pre, g_ref[:], be_ref[:]))

  return pl.pallas_call(
      body, out_shape=jax.ShapeDtypeStruct((N, DIM), jnp.float32))(
          deg2, embed_table, cnts, eps, W, b, g, be)


def _tc_head(deg2, embed_table, h1, aggp, eps2, W2, b2, g2, be2, Wf1, bf1, gf,
             bef, Wf2, bf2):
  def body(deg_ref, emb_ref, h1_ref, aggp_ref, eps_ref, w2_ref, b2_ref,
           g2_ref, be2_ref, wf1_ref, bf1_ref, gf_ref, bef_ref, wf2_ref,
           bf2_ref, out_ref):
    agg = aggp_ref[0, :N, :] + aggp_ref[1, :N, :]
    pre2 = jnp.dot((1.0 + eps_ref[0, 0]) * h1_ref[:] + agg, w2_ref[:],
                   preferred_element_type=jnp.float32) + b2_ref[:]
    h2 = _lrelu(_bn(pre2, g2_ref[:], be2_ref[:]))
    t3 = jnp.dot(emb_ref[:], wf1_ref[0:DIM, :],
                 preferred_element_type=jnp.float32)
    xw = (jnp.dot(_onehot(deg_ref[:]), t3, preferred_element_type=jnp.float32)
          + jnp.dot(h1_ref[:], wf1_ref[DIM:2 * DIM, :],
                    preferred_element_type=jnp.float32)
          + jnp.dot(h2, wf1_ref[2 * DIM:3 * DIM, :],
                    preferred_element_type=jnp.float32)
          + bf1_ref[:])
    h = _lrelu(_bn(xw, gf_ref[:], bef_ref[:]))
    o = jnp.dot(h, wf2_ref[:], preferred_element_type=jnp.float32) + bf2_ref[:]
    out_ref[:] = jax.nn.sigmoid(o)

  return pl.pallas_call(
      body, out_shape=jax.ShapeDtypeStruct((N, 1), jnp.float32))(
          deg2, embed_table, h1, aggp, eps2, W2, b2, g2, be2, Wf1, bf1, gf,
          bef, Wf2, bf2)


def kernel(node_deg, edge_index, embed_table, eps1, W1, b1, g1, be1, eps2, W2,
           b2, g2, be2, Wf1, bf1, gf, bef, Wf2, bf2):
  src = edge_index[0].astype(jnp.int32)
  dst = edge_index[1].astype(jnp.int32)
  deg = node_deg.astype(jnp.int32)
  src3 = jnp.concatenate(
      [src, jnp.zeros((E_PAD - E,), jnp.int32)]).reshape(NW, CNCH, CCH)
  dst3 = jnp.concatenate(
      [dst, jnp.full((E_PAD - E,), N_PAD - 1, jnp.int32)]).reshape(
          NW, CNCH, CCH)
  deg_pad = jnp.concatenate([deg, jnp.zeros((N_PAD - N,), jnp.int32)])
  deg2 = deg.reshape(N, 1)
  r1 = lambda a: a.reshape(1, -1)

  zeros = jnp.zeros((NCELL // NS,), jnp.float32)
  cnts = _sc_counts(deg_pad, src3, dst3, zeros).reshape(NC, N_PAD, MAX_DEG)
  h1 = _tc_h1(deg2, embed_table, cnts, eps1.reshape(1, 1), W1, r1(b1), r1(g1),
              r1(be1))
  zrows = jnp.zeros((CH, DIM), jnp.float32)
  agg2p = _sc_scatter_rows(h1, src3, dst3, zrows)
  out = _tc_head(deg2, embed_table, h1, agg2p, eps2.reshape(1, 1), W2, r1(b2),
                 r1(g2), r1(be2), Wf1, r1(bf1), r1(gf), r1(bef), Wf2, r1(bf2))
  return out[:, 0]

# --- scband reference (transcript-rebuilt; emitter-appended) ---
"""Pipeline reference for scband-filtration-31705448579348 (READ-ONLY COPY).

The authoritative reference and input builder live on the scoring server;
editing this copy changes nothing except your own understanding.
"""

import jax, jax.numpy as jnp
import numpy as np

N = 10000
E = 320000
DIM = 128
MAX_DEG = 64

def setup_inputs(seed: int = 0) -> dict:
    key = jax.random.key(seed)
    ks = [jax.random.fold_in(key, i) for i in range(10)]
    s = 1.0 / np.sqrt(DIM)
    s3 = 1.0 / np.sqrt(3 * DIM)
    return {
        "node_deg": jax.random.randint(ks[0], (N,), 0, MAX_DEG),
        "edge_index": jax.random.randint(ks[1], (2, E), 0, N),
        "embed_table": jax.random.normal(ks[2], (MAX_DEG, DIM), dtype=jnp.float32),
        "eps1": jnp.zeros((), dtype=jnp.float32),
        "W1": jax.random.normal(ks[3], (DIM, DIM), dtype=jnp.float32) * s,
        "b1": jnp.zeros((DIM,), dtype=jnp.float32),
        "g1": jnp.ones((DIM,), dtype=jnp.float32),
        "be1": jnp.zeros((DIM,), dtype=jnp.float32),
        "eps2": jnp.zeros((), dtype=jnp.float32),
        "W2": jax.random.normal(ks[4], (DIM, DIM), dtype=jnp.float32) * s,
        "b2": jnp.zeros((DIM,), dtype=jnp.float32),
        "g2": jnp.ones((DIM,), dtype=jnp.float32),
        "be2": jnp.zeros((DIM,), dtype=jnp.float32),
        "Wf1": jax.random.normal(ks[5], (3 * DIM, DIM), dtype=jnp.float32) * s3,
        "bf1": jnp.zeros((DIM,), dtype=jnp.float32),
        "gf": jnp.ones((DIM,), dtype=jnp.float32),
        "bef": jnp.zeros((DIM,), dtype=jnp.float32),
        "Wf2": jax.random.normal(ks[6], (DIM, 1), dtype=jnp.float32) * s,
        "bf2": jnp.zeros((1,), dtype=jnp.float32),
    }

def _bn(x, g, b):
    m = jnp.mean(x, axis=0)
    v = jnp.var(x, axis=0)
    return (x - m) / jnp.sqrt(v + 1e-5) * g + b

def _lrelu(x):
    return jnp.where(x >= 0, x, 0.01 * x)

def _gin(x, src, dst, eps, W, b):
    agg = jnp.zeros_like(x).at[dst].add(x[src])
    return ((1.0 + eps) * x + agg) @ W + b

def reference(node_deg, edge_index, embed_table, eps1, W1, b1, g1, be1, eps2, W2, b2, g2, be2, Wf1, bf1, gf, bef, Wf2, bf2):
    src = edge_index[0]
    dst = edge_index[1]
    z0 = jnp.take(embed_table, node_deg, axis=0)
    h1 = _lrelu(_bn(_gin(z0, src, dst, eps1, W1, b1), g1, be1))
    h2 = _lrelu(_bn(_gin(h1, src, dst, eps2, W2, b2), g2, be2))
    x = jnp.concatenate([z0, h1, h2], axis=1)
    h = _lrelu(_bn(x @ Wf1 + bf1, gf, bef))
    out = jax.nn.sigmoid(h @ Wf2 + bf2)
    return jnp.squeeze(out, axis=-1)

if __name__ == "__main__":
    import jax
    _d = setup_inputs()
    print(jax.jit(kernel)(*tuple(_d.values())))

</pallas_src>

<mosaic_0001>
#map = affine_map<(d0, d1) -> (0, 0)>
#map1 = affine_map<(d0, d1) -> (0, 0, 0)>
module attributes {stable_mosaic.version = 14 : i64} {
  func.func @body(%arg0: i32, %arg1: i32, %arg2: memref<10000x128xf32, #tpu.memory_space<hbm>>, %arg3: memref<32x80x128xi32, #tpu.memory_space<hbm>>, %arg4: memref<32x80x128xi32, #tpu.memory_space<hbm>>, %arg5: memref<128x128xf32, #tpu.memory_space<hbm>>, %arg6: memref<2x10240x128xf32, #tpu.memory_space<hbm>>, %arg7: memref<80x128xi32, #tpu.memory_space<vmem>>, %arg8: memref<8x128xi32, #tpu.memory_space<vmem>>, %arg9: memref<128x128xf32, #tpu.memory_space<vmem>>, %arg10: memref<128x128xf32, #tpu.memory_space<vmem>>, %arg11: memref<10240x128xf32, #tpu.memory_space<vmem_shared>>, %arg12: memref<!tpu.dma_semaphore, #tpu.memory_space<semaphore_mem>>, %arg13: memref<!tpu.dma_semaphore, #tpu.memory_space<semaphore_mem>>, %arg14: memref<!tpu.dma_semaphore, #tpu.memory_space<semaphore_mem>>, %arg15: memref<!tpu.dma_semaphore, #tpu.memory_space<semaphore_mem>>, %arg16: memref<!tpu.dma_semaphore, #tpu.memory_space<semaphore_mem>>, %arg17: memref<!tpu.dma_semaphore, #tpu.memory_space<semaphore_mem>>, %arg18: memref<!tpu.dma_semaphore, #tpu.memory_space<semaphore_mem>>, %arg19: memref<!tpu.dma_semaphore, #tpu.memory_space<semaphore_mem>>, %arg20: memref<!tpu.dma_semaphore, #tpu.memory_space<semaphore_mem>>, %arg21: memref<!tpu.dma_semaphore, #tpu.memory_space<semaphore_mem>>) attributes {dimension_semantics = [#tpu.dimension_semantics<core_parallel>, #tpu.dimension_semantics<subcore_parallel>], iteration_bounds = array<i64: 2, 16>, scalar_prefetch = 0 : i64, scratch_operands = 15 : i64, tpu.core_type = #tpu.core_type<sc_vector_subcore>, window_params = [{transform_indices = #map}, {transform_indices = #map1}, {transform_indices = #map1}, {transform_indices = #map}, {transform_indices = #map1}]} {
    %mul3A = arith.constant 2 : i32
    %mul3A_0 = arith.muli %arg1, %mul3A : i32
    %add3A = arith.addi %mul3A_0, %arg0 : i32
    "tpu.region"() ({
      %run_scoped3A = tpu.sem_alloc : memref<!tpu.dma_semaphore, #tpu.memory_space<semaphore_mem>>
      %dma_start3A_158 = arith.constant 0 : i32
      %dma_start3A_159 = arith.constant 0 : i32
      %dma_start3A_160 = tpu.memref_slice %arg3[%add3A, %dma_start3A_158, %dma_start3A_159] : memref<32x80x128xi32, #tpu.memory_space<hbm>> -> memref<1x80x128xi32, #tpu.memory_space<hbm>>
      %dma_start3A_161 = tpu.memref_squeeze %dma_start3A_160 : memref<1x80x128xi32, #tpu.memory_space<hbm>> -> memref<80x128xi32, #tpu.memory_space<hbm>>
      %dma_start3A_162 = arith.constant 0 : i32
      %dma_start3A_163 = arith.constant 0 : i32
      %dma_start3A_164 = tpu.memref_slice %arg3[%add3A, %dma_start3A_162, %dma_start3A_163] : memref<32x80x128xi32, #tpu.memory_space<hbm>> -> memref<1x80x128xi32, #tpu.memory_space<hbm>>
      %dma_start3A_165 = tpu.memref_squeeze %dma_start3A_164 : memref<1x80x128xi32, #tpu.memory_space<hbm>> -> memref<80x128xi32, #tpu.memory_space<hbm>>
      tpu.enqueue_dma source(%dma_start3A_165 : memref<80x128xi32, #tpu.memory_space<hbm>>) target(%arg7 : memref<80x128xi32, #tpu.memory_space<vmem>>) target_semaphore(%run_scoped3A : memref<!tpu.dma_semaphore, #tpu.memory_space<semaphore_mem>>)
      %dma_wait3A = arith.constant 0 : i32
      %dma_wait3A_166 = arith.constant 0 : i32
      %dma_wait3A_167 = tpu.memref_slice %arg3[%add3A, %dma_wait3A, %dma_wait3A_166] : memref<32x80x128xi32, #tpu.memory_space<hbm>> -> memref<1x80x128xi32, #tpu.memory_space<hbm>>
      %dma_wait3A_168 = tpu.memref_squeeze %dma_wait3A_167 : memref<1x80x128xi32, #tpu.memory_space<hbm>> -> memref<80x128xi32, #tpu.memory_space<hbm>>
      %dma_wait3A_169 = arith.constant 0 : i32
      %dma_wait3A_170 = arith.constant 0 : i32
      %dma_wait3A_171 = tpu.memref_slice %arg3[%add3A, %dma_wait3A_169, %dma_wait3A_170] : memref<32x80x128xi32, #tpu.memory_space<hbm>> -> memref<1x80x128xi32, #tpu.memory_space<hbm>>
      %dma_wait3A_172 = tpu.memref_squeeze %dma_wait3A_171 : memref<1x80x128xi32, #tpu.memory_space<hbm>> -> memref<80x128xi32, #tpu.memory_space<hbm>>
      tpu.wait_dma2 semaphore(%run_scoped3A : memref<!tpu.dma_semaphore, #tpu.memory_space<semaphore_mem>>) src(%dma_wait3A_172 : memref<80x128xi32, #tpu.memory_space<hbm>>) dst(%arg7 : memref<80x128xi32, #tpu.memory_space<vmem>>)
      tpu.yield
    }) : () -> ()
    %dma_start3A = arith.constant 0 : i32
    %dma_start3A_1 = arith.constant 0 : i32
    %dma_start3A_2 = arith.constant 0 : i32
    %dma_start3A_3 = tpu.memref_slice %arg8[%dma_start3A_1, %dma_start3A_2] : memref<8x128xi32, #tpu.memory_space<vmem>> -> memref<1x128xi32, #tpu.memory_space<vmem>>
    %dma_start3A_4 = tpu.memref_squeeze %dma_start3A_3 : memref<1x128xi32, #tpu.memory_space<vmem>> -> memref<128xi32, #tpu.memory_space<vmem>>
    %dma_start3A_5 = arith.constant 0 : i32
    %dma_start3A_6 = tpu.memref_slice %arg4[%add3A, %dma_start3A, %dma_start3A_5] : memref<32x80x128xi32, #tpu.memory_space<hbm>> -> memref<1x1x128xi32, #tpu.memory_space<hbm>>
    %dma_start3A_7 = tpu.memref_squeeze %dma_start3A_6 : memref<1x1x128xi32, #tpu.memory_space<hbm>> -> memref<128xi32, #tpu.memory_space<hbm>>
    %dma_start3A_8 = arith.constant 0 : i32
    %dma_start3A_9 = tpu.memref_slice %arg8[%dma_start3A_1, %dma_start3A_8] : memref<8x128xi32, #tpu.memory_space<vmem>> -> memref<1x128xi32, #tpu.memory_space<vmem>>
    %dma_start3A_10 = tpu.memref_squeeze %dma_start3A_9 : memref<1x128xi32, #tpu.memory_space<vmem>> -> memref<128xi32, #tpu.memory_space<vmem>>
    %dma_start3A_11 = arith.constant 0 : i32
    %dma_start3A_12 = tpu.memref_slice %arg4[%add3A, %dma_start3A, %dma_start3A_11] : memref<32x80x128xi32, #tpu.memory_space<hbm>> -> memref<1x1x128xi32, #tpu.memory_space<hbm>>
    %dma_start3A_13 = tpu.memref_squeeze %dma_start3A_12 : memref<1x1x128xi32, #tpu.memory_space<hbm>> -> memref<128xi32, #tpu.memory_space<hbm>>
    tpu.enqueue_dma source(%dma_start3A_13 : memref<128xi32, #tpu.memory_space<hbm>>) target(%dma_start3A_10 : memref<128xi32, #tpu.memory_space<vmem>>) target_semaphore(%arg12 : memref<!tpu.dma_semaphore, #tpu.memory_space<semaphore_mem>>)
    %dma_start3A_14 = arith.constant 1 : i32
    %dma_start3A_15 = arith.constant 1 : i32
    %dma_start3A_16 = arith.constant 0 : i32
    %dma_start3A_17 = tpu.memref_slice %arg8[%dma_start3A_15, %dma_start3A_16] : memref<8x128xi32, #tpu.memory_space<vmem>> -> memref<1x128xi32, #tpu.memory_space<vmem>>
    %dma_start3A_18 = tpu.memref_squeeze %dma_start3A_17 : memref<1x128xi32, #tpu.memory_space<vmem>> -> memref<128xi32, #tpu.memory_space<vmem>>
    %dma_start3A_19 = arith.constant 0 : i32
    %dma_start3A_20 = tpu.memref_slice %arg4[%add3A, %dma_start3A_14, %dma_start3A_19] : memref<32x80x128xi32, #tpu.memory_space<hbm>> -> memref<1x1x128xi32, #tpu.memory_space<hbm>>
    %dma_start3A_21 = tpu.memref_squeeze %dma_start3A_20 : memref<1x1x128xi32, #tpu.memory_space<hbm>> -> memref<128xi32, #tpu.memory_space<hbm>>
    %dma_start3A_22 = arith.constant 0 : i32
    %dma_start3A_23 = tpu.memref_slice %arg8[%dma_start3A_15, %dma_start3A_22] : memref<8x128xi32, #tpu.memory_space<vmem>> -> memref<1x128xi32, #tpu.memory_space<vmem>>
    %dma_start3A_24 = tpu.memref_squeeze %dma_start3A_23 : memref<1x128xi32, #tpu.memory_space<vmem>> -> memref<128xi32, #tpu.memory_space<vmem>>
    %dma_start3A_25 = arith.constant 0 : i32
    %dma_start3A_26 = tpu.memref_slice %arg4[%add3A, %dma_start3A_14, %dma_start3A_25] : memref<32x80x128xi32, #tpu.memory_space<hbm>> -> memref<1x1x128xi32, #tpu.memory_space<hbm>>
    %dma_start3A_27 = tpu.memref_squeeze %dma_start3A_26 : memref<1x1x128xi32, #tpu.memory_space<hbm>> -> memref<128xi32, #tpu.memory_space<hbm>>
    tpu.enqueue_dma source(%dma_start3A_27 : memref<128xi32, #tpu.memory_space<hbm>>) target(%dma_start3A_24 : memref<128xi32, #tpu.memory_space<vmem>>) target_semaphore(%arg13 : memref<!tpu.dma_semaphore, #tpu.memory_space<semaphore_mem>>)
    %dma_start3A_28 = arith.constant 2 : i32
    %dma_start3A_29 = arith.constant 2 : i32
    %dma_start3A_30 = arith.constant 0 : i32
    %dma_start3A_31 = tpu.memref_slice %arg8[%dma_start3A_29, %dma_start3A_30] : memref<8x128xi32, #tpu.memory_space<vmem>> -> memref<1x128xi32, #tpu.memory_space<vmem>>
    %dma_start3A_32 = tpu.memref_squeeze %dma_start3A_31 : memref<1x128xi32, #tpu.memory_space<vmem>> -> memref<128xi32, #tpu.memory_space<vmem>>
    %dma_start3A_33 = arith.constant 0 : i32
    %dma_start3A_34 = tpu.memref_slice %arg4[%add3A, %dma_start3A_28, %dma_start3A_33] : memref<32x80x128xi32, #tpu.memory_space<hbm>> -> memref<1x1x128xi32, #tpu.memory_space<hbm>>
    %dma_start3A_35 = tpu.memref_squeeze %dma_start3A_34 : memref<1x1x128xi32, #tpu.memory_space<hbm>> -> memref<128xi32, #tpu.memory_space<hbm>>
    %dma_start3A_36 = arith.constant 0 : i32
    %dma_start3A_37 = tpu.memref_slice %arg8[%dma_start3A_29, %dma_start3A_36] : memref<8x128xi32, #tpu.memory_space<vmem>> -> memref<1x128xi32, #tpu.memory_space<vmem>>
    %dma_start3A_38 = tpu.memref_squeeze %dma_start3A_37 : memref<1x128xi32, #tpu.memory_space<vmem>> -> memref<128xi32, #tpu.memory_space<vmem>>
    %dma_start3A_39 = arith.constant 0 : i32
    %dma_start3A_40 = tpu.memref_slice %arg4[%add3A, %dma_start3A_28, %dma_start3A_39] : memref<32x80x128xi32, #tpu.memory_space<hbm>> -> memref<1x1x128xi32, #tpu.memory_space<hbm>>
    %dma_start3A_41 = tpu.memref_squeeze %dma_start3A_40 : memref<1x1x128xi32, #tpu.memory_space<hbm>> -> memref<128xi32, #tpu.memory_space<hbm>>
    tpu.enqueue_dma source(%dma_start3A_41 : memref<128xi32, #tpu.memory_space<hbm>>) target(%dma_start3A_38 : memref<128xi32, #tpu.memory_space<vmem>>) target_semaphore(%arg14 : memref<!tpu.dma_semaphore, #tpu.memory_space<semaphore_mem>>)
    %dma_start3A_42 = arith.constant 3 : i32
    %dma_start3A_43 = arith.constant 3 : i32
    %dma_start3A_44 = arith.constant 0 : i32
    %dma_start3A_45 = tpu.memref_slice %arg8[%dma_start3A_43, %dma_start3A_44] : memref<8x128xi32, #tpu.memory_space<vmem>> -> memref<1x128xi32, #tpu.memory_space<vmem>>
    %dma_start3A_46 = tpu.memref_squeeze %dma_start3A_45 : memref<1x128xi32, #tpu.memory_space<vmem>> -> memref<128xi32, #tpu.memory_space<vmem>>
    %dma_start3A_47 = arith.constant 0 : i32
    %dma_start3A_48 = tpu.memref_slice %arg4[%add3A, %dma_start3A_42, %dma_start3A_47] : memref<32x80x128xi32, #tpu.memory_space<hbm>> -> memref<1x1x128xi32, #tpu.memory_space<hbm>>
    %dma_start3A_49 = tpu.memref_squeeze %dma_start3A_48 : memref<1x1x128xi32, #tpu.memory_space<hbm>> -> memref<128xi32, #tpu.memory_space<hbm>>
    %dma_start3A_50 = arith.constant 0 : i32
    %dma_start3A_51 = tpu.memref_slice %arg8[%dma_start3A_43, %dma_start3A_50] : memref<8x128xi32, #tpu.memory_space<vmem>> -> memref<1x128xi32, #tpu.memory_space<vmem>>
    %dma_start3A_52 = tpu.memref_squeeze %dma_start3A_51 : memref<1x128xi32, #tpu.memory_space<vmem>> -> memref<128xi32, #tpu.memory_space<vmem>>
    %dma_start3A_53 = arith.constant 0 : i32
    %dma_start3A_54 = tpu.memref_slice %arg4[%add3A, %dma_start3A_42, %dma_start3A_53] : memref<32x80x128xi32, #tpu.memory_space<hbm>> -> memref<1x1x128xi32, #tpu.memory_space<hbm>>
    %dma_start3A_55 = tpu.memref_squeeze %dma_start3A_54 : memref<1x1x128xi32, #tpu.memory_space<hbm>> -> memref<128xi32, #tpu.memory_space<hbm>>
    tpu.enqueue_dma source(%dma_start3A_55 : memref<128xi32, #tpu.memory_space<hbm>>) target(%dma_start3A_52 : memref<128xi32, #tpu.memory_space<vmem>>) target_semaphore(%arg15 : memref<!tpu.dma_semaphore, #tpu.memory_space<semaphore_mem>>)
    %dma_start3A_56 = arith.constant 4 : i32
    %dma_start3A_57 = arith.constant 4 : i32
    %dma_start3A_58 = arith.constant 0 : i32
    %dma_start3A_59 = tpu.memref_slice %arg8[%dma_start3A_57, %dma_start3A_58] : memref<8x128xi32, #tpu.memory_space<vmem>> -> memref<1x128xi32, #tpu.memory_space<vmem>>
    %dma_start3A_60 = tpu.memref_squeeze %dma_start3A_59 : memref<1x128xi32, #tpu.memory_space<vmem>> -> memref<128xi32, #tpu.memory_space<vmem>>
    %dma_start3A_61 = arith.constant 0 : i32
    %dma_start3A_62 = tpu.memref_slice %arg4[%add3A, %dma_start3A_56, %dma_start3A_61] : memref<32x80x128xi32, #tpu.memory_space<hbm>> -> memref<1x1x128xi32, #tpu.memory_space<hbm>>
    %dma_start3A_63 = tpu.memref_squeeze %dma_start3A_62 : memref<1x1x128xi32, #tpu.memory_space<hbm>> -> memref<128xi32, #tpu.memory_space<hbm>>
    %dma_start3A_64 = arith.constant 0 : i32
    %dma_start3A_65 = tpu.memref_slice %arg8[%dma_start3A_57, %dma_start3A_64] : memref<8x128xi32, #tpu.memory_space<vmem>> -> memref<1x128xi32, #tpu.memory_space<vmem>>
    %dma_start3A_66 = tpu.memref_squeeze %dma_start3A_65 : memref<1x128xi32, #tpu.memory_space<vmem>> -> memref<128xi32, #tpu.memory_space<vmem>>
    %dma_start3A_67 = arith.constant 0 : i32
    %dma_start3A_68 = tpu.memref_slice %arg4[%add3A, %dma_start3A_56, %dma_start3A_67] : memref<32x80x128xi32, #tpu.memory_space<hbm>> -> memref<1x1x128xi32, #tpu.memory_space<hbm>>
    %dma_start3A_69 = tpu.memref_squeeze %dma_start3A_68 : memref<1x1x128xi32, #tpu.memory_space<hbm>> -> memref<128xi32, #tpu.memory_space<hbm>>
    tpu.enqueue_dma source(%dma_start3A_69 : memref<128xi32, #tpu.memory_space<hbm>>) target(%dma_start3A_66 : memref<128xi32, #tpu.memory_space<vmem>>) target_semaphore(%arg16 : memref<!tpu.dma_semaphore, #tpu.memory_space<semaphore_mem>>)
    %dma_start3A_70 = arith.constant 5 : i32
    %dma_start3A_71 = arith.constant 5 : i32
    %dma_start3A_72 = arith.constant 0 : i32
    %dma_start3A_73 = tpu.memref_slice %arg8[%dma_start3A_71, %dma_start3A_72] : memref<8x128xi32, #tpu.memory_space<vmem>> -> memref<1x128xi32, #tpu.memory_space<vmem>>
    %dma_start3A_74 = tpu.memref_squeeze %dma_start3A_73 : memref<1x128xi32, #tpu.memory_space<vmem>> -> memref<128xi32, #tpu.memory_space<vmem>>
    %dma_start3A_75 = arith.constant 0 : i32
    %dma_start3A_76 = tpu.memref_slice %arg4[%add3A, %dma_start3A_70, %dma_start3A_75] : memref<32x80x128xi32, #tpu.memory_space<hbm>> -> memref<1x1x128xi32, #tpu.memory_space<hbm>>
    %dma_start3A_77 = tpu.memref_squeeze %dma_start3A_76 : memref<1x1x128xi32, #tpu.memory_space<hbm>> -> memref<128xi32, #tpu.memory_space<hbm>>
    %dma_start3A_78 = arith.constant 0 : i32
    %dma_start3A_79 = tpu.memref_slice %arg8[%dma_start3A_71, %dma_start3A_78] : memref<8x128xi32, #tpu.memory_space<vmem>> -> memref<1x128xi32, #tpu.memory_space<vmem>>
    %dma_start3A_80 = tpu.memref_squeeze %dma_start3A_79 : memref<1x128xi32, #tpu.memory_space<vmem>> -> memref<128xi32, #tpu.memory_space<vmem>>
    %dma_start3A_81 = arith.constant 0 : i32
    %dma_start3A_82 = tpu.memref_slice %arg4[%add3A, %dma_start3A_70, %dma_start3A_81] : memref<32x80x128xi32, #tpu.memory_space<hbm>> -> memref<1x1x128xi32, #tpu.memory_space<hbm>>
    %dma_start3A_83 = tpu.memref_squeeze %dma_start3A_82 : memref<1x1x128xi32, #tpu.memory_space<hbm>> -> memref<128xi32, #tpu.memory_space<hbm>>
    tpu.enqueue_dma source(%dma_start3A_83 : memref<128xi32, #tpu.memory_space<hbm>>) target(%dma_start3A_80 : memref<128xi32, #tpu.memory_space<vmem>>) target_semaphore(%arg17 : memref<!tpu.dma_semaphore, #tpu.memory_space<semaphore_mem>>)
    %dma_start3A_84 = arith.constant 6 : i32
    %dma_start3A_85 = arith.constant 6 : i32
    %dma_start3A_86 = arith.constant 0 : i32
    %dma_start3A_87 = tpu.memref_slice %arg8[%dma_start3A_85, %dma_start3A_86] : memref<8x128xi32, #tpu.memory_space<vmem>> -> memref<1x128xi32, #tpu.memory_space<vmem>>
    %dma_start3A_88 = tpu.memref_squeeze %dma_start3A_87 : memref<1x128xi32, #tpu.memory_space<vmem>> -> memref<128xi32, #tpu.memory_space<vmem>>
    %dma_start3A_89 = arith.constant 0 : i32
    %dma_start3A_90 = tpu.memref_slice %arg4[%add3A, %dma_start3A_84, %dma_start3A_89] : memref<32x80x128xi32, #tpu.memory_space<hbm>> -> memref<1x1x128xi32, #tpu.memory_space<hbm>>
    %dma_start3A_91 = tpu.memref_squeeze %dma_start3A_90 : memref<1x1x128xi32, #tpu.memory_space<hbm>> -> memref<128xi32, #tpu.memory_space<hbm>>
    %dma_start3A_92 = arith.constant 0 : i32
    %dma_start3A_93 = tpu.memref_slice %arg8[%dma_start3A_85, %dma_start3A_92] : memref<8x128xi32, #tpu.memory_space<vmem>> -> memref<1x128xi32, #tpu.memory_space<vmem>>
    %dma_start3A_94 = tpu.memref_squeeze %dma_start3A_93 : memref<1x128xi32, #tpu.memory_space<vmem>> -> memref<128xi32, #tpu.memory_space<vmem>>
    %dma_start3A_95 = arith.constant 0 : i32
    %dma_start3A_96 = tpu.memref_slice %arg4[%add3A, %dma_start3A_84, %dma_start3A_95] : memref<32x80x128xi32, #tpu.memory_space<hbm>> -> memref<1x1x128xi32, #tpu.memory_space<hbm>>
    %dma_start3A_97 = tpu.memref_squeeze %dma_start3A_96 : memref<1x1x128xi32, #tpu.memory_space<hbm>> -> memref<128xi32, #tpu.memory_space<hbm>>
    tpu.enqueue_dma source(%dma_start3A_97 : memref<128xi32, #tpu.memory_space<hbm>>) target(%dma_start3A_94 : memref<128xi32, #tpu.memory_space<vmem>>) target_semaphore(%arg18 : memref<!tpu.dma_semaphore, #tpu.memory_space<semaphore_mem>>)
    %dma_start3A_98 = arith.constant 7 : i32
    %dma_start3A_99 = arith.constant 7 : i32
    %dma_start3A_100 = arith.constant 0 : i32
    %dma_start3A_101 = tpu.memref_slice %arg8[%dma_start3A_99, %dma_start3A_100] : memref<8x128xi32, #tpu.memory_space<vmem>> -> memref<1x128xi32, #tpu.memory_space<vmem>>
    %dma_start3A_102 = tpu.memref_squeeze %dma_start3A_101 : memref<1x128xi32, #tpu.memory_space<vmem>> -> memref<128xi32, #tpu.memory_space<vmem>>
    %dma_start3A_103 = arith.constant 0 : i32
    %dma_start3A_104 = tpu.memref_slice %arg4[%add3A, %dma_start3A_98, %dma_start3A_103] : memref<32x80x128xi32, #tpu.memory_space<hbm>> -> memref<1x1x128xi32, #tpu.memory_space<hbm>>
    %dma_start3A_105 = tpu.memref_squeeze %dma_start3A_104 : memref<1x1x128xi32, #tpu.memory_space<hbm>> -> memref<128xi32, #tpu.memory_space<hbm>>
    %dma_start3A_106 = arith.constant 0 : i32
    %dma_start3A_107 = tpu.memref_slice %arg8[%dma_start3A_99, %dma_start3A_106] : memref<8x128xi32, #tpu.memory_space<vmem>> -> memref<1x128xi32, #tpu.memory_space<vmem>>
    %dma_start3A_108 = tpu.memref_squeeze %dma_start3A_107 : memref<1x128xi32, #tpu.memory_space<vmem>> -> memref<128xi32, #tpu.memory_space<vmem>>
    %dma_start3A_109 = arith.constant 0 : i32
    %dma_start3A_110 = tpu.memref_slice %arg4[%add3A, %dma_start3A_98, %dma_start3A_109] : memref<32x80x128xi32, #tpu.memory_space<hbm>> -> memref<1x1x128xi32, #tpu.memory_space<hbm>>
    %dma_start3A_111 = tpu.memref_squeeze %dma_start3A_110 : memref<1x1x128xi32, #tpu.memory_space<hbm>> -> memref<128xi32, #tpu.memory_space<hbm>>
    tpu.enqueue_dma source(%dma_start3A_111 : memref<128xi32, #tpu.memory_space<hbm>>) target(%dma_start3A_108 : memref<128xi32, #tpu.memory_space<vmem>>) target_semaphore(%arg19 : memref<!tpu.dma_semaphore, #tpu.memory_space<semaphore_mem>>)
    "tpu.region"() ({
      %run_scoped3A = tpu.sem_alloc : memref<!tpu.dma_semaphore, #tpu.memory_space<semaphore_mem>>
      tpu.enqueue_dma source(%arg5 : memref<128x128xf32, #tpu.memory_space<hbm>>) target(%arg9 : memref<128x128xf32, #tpu.memory_space<vmem>>) target_semaphore(%run_scoped3A : memref<!tpu.dma_semaphore, #tpu.memory_space<semaphore_mem>>)
      tpu.wait_dma2 semaphore(%run_scoped3A : memref<!tpu.dma_semaphore, #tpu.memory_space<semaphore_mem>>) src(%arg5 : memref<128x128xf32, #tpu.memory_space<hbm>>) dst(%arg9 : memref<128x128xf32, #tpu.memory_space<vmem>>)
      tpu.yield
    }) : () -> ()
    %mul3A_112 = arith.constant 640 : i32
    %mul3A_113 = arith.muli %arg1, %mul3A_112 : i32
    %add3A_114 = arith.constant 0 : i32
    %add3A_115 = arith.addi %mul3A_113, %add3A_114 : i32
    "tpu.region"() ({
      %run_scoped3A = tpu.sem_alloc : memref<!tpu.dma_semaphore, #tpu.memory_space<semaphore_mem>>
      %dma_start3A_158 = arith.constant 0 : i32
      %dma_start3A_159 = tpu.memref_slice %arg11[%add3A_115, %dma_start3A_158] : memref<10240x128xf32, #tpu.memory_space<vmem_shared>> -> memref<128x128xf32, #tpu.memory_space<vmem_shared>>
      %dma_start3A_160 = arith.constant 0 : i32
      %dma_start3A_161 = tpu.memref_slice %arg11[%add3A_115, %dma_start3A_160] : memref<10240x128xf32, #tpu.memory_space<vmem_shared>> -> memref<128x128xf32, #tpu.memory_space<vmem_shared>>
      tpu.enqueue_dma source(%arg9 : memref<128x128xf32, #tpu.memory_space<vmem>>) target(%dma_start3A_161 : memref<128x128xf32, #tpu.memory_space<vmem_shared>>) target_semaphore(%run_scoped3A : memref<!tpu.dma_semaphore, #tpu.memory_space<semaphore_mem>>)
      %dma_wait3A = arith.constant 0 : i32
      %dma_wait3A_162 = tpu.memref_slice %arg11[%add3A_115, %dma_wait3A] : memref<10240x128xf32, #tpu.memory_space<vmem_shared>> -> memref<128x128xf32, #tpu.memory_space<vmem_shared>>
      %dma_wait3A_163 = arith.constant 0 : i32
      %dma_wait3A_164 = tpu.memref_slice %arg11[%add3A_115, %dma_wait3A_163] : memref<10240x128xf32, #tpu.memory_space<vmem_shared>> -> memref<128x128xf32, #tpu.memory_space<vmem_shared>>
      tpu.wait_dma2 semaphore(%run_scoped3A : memref<!tpu.dma_semaphore, #tpu.memory_space<semaphore_mem>>) src(%arg9 : memref<128x128xf32, #tpu.memory_space<vmem>>) dst(%dma_wait3A_164 : memref<128x128xf32, #tpu.memory_space<vmem_shared>>)
      tpu.yield
    }) : () -> ()
    %mul3A_116 = arith.constant 640 : i32
    %mul3A_117 = arith.muli %arg1, %mul3A_116 : i32
    %add3A_118 = arith.constant 128 : i32
    %add3A_119 = arith.addi %mul3A_117, %add3A_118 : i32
    "tpu.region"() ({
      %run_scoped3A = tpu.sem_alloc : memref<!tpu.dma_semaphore, #tpu.memory_space<semaphore_mem>>
      %dma_start3A_158 = arith.constant 0 : i32
      %dma_start3A_159 = tpu.memref_slice %arg11[%add3A_119, %dma_start3A_158] : memref<10240x128xf32, #tpu.memory_space<vmem_shared>> -> memref<128x128xf32, #tpu.memory_space<vmem_shared>>
      %dma_start3A_160 = arith.constant 0 : i32
      %dma_start3A_161 = tpu.memref_slice %arg11[%add3A_119, %dma_start3A_160] : memref<10240x128xf32, #tpu.memory_space<vmem_shared>> -> memref<128x128xf32, #tpu.memory_space<vmem_shared>>
      tpu.enqueue_dma source(%arg9 : memref<128x128xf32, #tpu.memory_space<vmem>>) target(%dma_start3A_161 : memref<128x128xf32, #tpu.memory_space<vmem_shared>>) target_semaphore(%run_scoped3A : memref<!tpu.dma_semaphore, #tpu.memory_space<semaphore_mem>>)
      %dma_wait3A = arith.constant 0 : i32
      %dma_wait3A_162 = tpu.memref_slice %arg11[%add3A_119, %dma_wait3A] : memref<10240x128xf32, #tpu.memory_space<vmem_shared>> -> memref<128x128xf32, #tpu.memory_space<vmem_shared>>
      %dma_wait3A_163 = arith.constant 0 : i32
      %dma_wait3A_164 = tpu.memref_slice %arg11[%add3A_119, %dma_wait3A_163] : memref<10240x128xf32, #tpu.memory_space<vmem_shared>> -> memref<128x128xf32, #tpu.memory_space<vmem_shared>>
      tpu.wait_dma2 semaphore(%run_scoped3A : memref<!tpu.dma_semaphore, #tpu.memory_space<semaphore_mem>>) src(%arg9 : memref<128x128xf32, #tpu.memory_space<vmem>>) dst(%dma_wait3A_164 : memref<128x128xf32, #tpu.memory_space<vmem_shared>>)
      tpu.yield
    }) : () -> ()
    %mul3A_120 = arith.constant 640 : i32
    %mul3A_121 = arith.muli %arg1, %mul3A_120 : i32
    %add3A_122 = arith.constant 256 : i32
    %add3A_123 = arith.addi %mul3A_121, %add3A_122 : i32
    "tpu.region"() ({
      %run_scoped3A = tpu.sem_alloc : memref<!tpu.dma_semaphore, #tpu.memory_space<semaphore_mem>>
      %dma_start3A_158 = arith.constant 0 : i32
      %dma_start3A_159 = tpu.memref_slice %arg11[%add3A_123, %dma_start3A_158] : memref<10240x128xf32, #tpu.memory_space<vmem_shared>> -> memref<128x128xf32, #tpu.memory_space<vmem_shared>>
      %dma_start3A_160 = arith.constant 0 : i32
      %dma_start3A_161 = tpu.memref_slice %arg11[%add3A_123, %dma_start3A_160] : memref<10240x128xf32, #tpu.memory_space<vmem_shared>> -> memref<128x128xf32, #tpu.memory_space<vmem_shared>>
      tpu.enqueue_dma source(%arg9 : memref<128x128xf32, #tpu.memory_space<vmem>>) target(%dma_start3A_161 : memref<128x128xf32, #tpu.memory_space<vmem_shared>>) target_semaphore(%run_scoped3A : memref<!tpu.dma_semaphore, #tpu.memory_space<semaphore_mem>>)
      %dma_wait3A = arith.constant 0 : i32
      %dma_wait3A_162 = tpu.memref_slice %arg11[%add3A_123, %dma_wait3A] : memref<10240x128xf32, #tpu.memory_space<vmem_shared>> -> memref<128x128xf32, #tpu.memory_space<vmem_shared>>
      %dma_wait3A_163 = arith.constant 0 : i32
      %dma_wait3A_164 = tpu.memref_slice %arg11[%add3A_123, %dma_wait3A_163] : memref<10240x128xf32, #tpu.memory_space<vmem_shared>> -> memref<128x128xf32, #tpu.memory_space<vmem_shared>>
      tpu.wait_dma2 semaphore(%run_scoped3A : memref<!tpu.dma_semaphore, #tpu.memory_space<semaphore_mem>>) src(%arg9 : memref<128x128xf32, #tpu.memory_space<vmem>>) dst(%dma_wait3A_164 : memref<128x128xf32, #tpu.memory_space<vmem_shared>>)
      tpu.yield
    }) : () -> ()
    %mul3A_124 = arith.constant 640 : i32
    %mul3A_125 = arith.muli %arg1, %mul3A_124 : i32
    %add3A_126 = arith.constant 384 : i32
    %add3A_127 = arith.addi %mul3A_125, %add3A_126 : i32
    "tpu.region"() ({
      %run_scoped3A = tpu.sem_alloc : memref<!tpu.dma_semaphore, #tpu.memory_space<semaphore_mem>>
      %dma_start3A_158 = arith.constant 0 : i32
      %dma_start3A_159 = tpu.memref_slice %arg11[%add3A_127, %dma_start3A_158] : memref<10240x128xf32, #tpu.memory_space<vmem_shared>> -> memref<128x128xf32, #tpu.memory_space<vmem_shared>>
      %dma_start3A_160 = arith.constant 0 : i32
      %dma_start3A_161 = tpu.memref_slice %arg11[%add3A_127, %dma_start3A_160] : memref<10240x128xf32, #tpu.memory_space<vmem_shared>> -> memref<128x128xf32, #tpu.memory_space<vmem_shared>>
      tpu.enqueue_dma source(%arg9 : memref<128x128xf32, #tpu.memory_space<vmem>>) target(%dma_start3A_161 : memref<128x128xf32, #tpu.memory_space<vmem_shared>>) target_semaphore(%run_scoped3A : memref<!tpu.dma_semaphore, #tpu.memory_space<semaphore_mem>>)
      %dma_wait3A = arith.constant 0 : i32
      %dma_wait3A_162 = tpu.memref_slice %arg11[%add3A_127, %dma_wait3A] : memref<10240x128xf32, #tpu.memory_space<vmem_shared>> -> memref<128x128xf32, #tpu.memory_space<vmem_shared>>
      %dma_wait3A_163 = arith.constant 0 : i32
      %dma_wait3A_164 = tpu.memref_slice %arg11[%add3A_127, %dma_wait3A_163] : memref<10240x128xf32, #tpu.memory_space<vmem_shared>> -> memref<128x128xf32, #tpu.memory_space<vmem_shared>>
      tpu.wait_dma2 semaphore(%run_scoped3A : memref<!tpu.dma_semaphore, #tpu.memory_space<semaphore_mem>>) src(%arg9 : memref<128x128xf32, #tpu.memory_space<vmem>>) dst(%dma_wait3A_164 : memref<128x128xf32, #tpu.memory_space<vmem_shared>>)
      tpu.yield
    }) : () -> ()
    %mul3A_128 = arith.constant 640 : i32
    %mul3A_129 = arith.muli %arg1, %mul3A_128 : i32
    %add3A_130 = arith.constant 512 : i32
    %add3A_131 = arith.addi %mul3A_129, %add3A_130 : i32
    "tpu.region"() ({
      %run_scoped3A = tpu.sem_alloc : memref<!tpu.dma_semaphore, #tpu.memory_space<semaphore_mem>>
      %dma_start3A_158 = arith.constant 0 : i32
      %dma_start3A_159 = tpu.memref_slice %arg11[%add3A_131, %dma_start3A_158] : memref<10240x128xf32, #tpu.memory_space<vmem_shared>> -> memref<128x128xf32, #tpu.memory_space<vmem_shared>>
      %dma_start3A_160 = arith.constant 0 : i32
      %dma_start3A_161 = tpu.memref_slice %arg11[%add3A_131, %dma_start3A_160] : memref<10240x128xf32, #tpu.memory_space<vmem_shared>> -> memref<128x128xf32, #tpu.memory_space<vmem_shared>>
      tpu.enqueue_dma source(%arg9 : memref<128x128xf32, #tpu.memory_space<vmem>>) target(%dma_start3A_161 : memref<128x128xf32, #tpu.memory_space<vmem_shared>>) target_semaphore(%run_scoped3A : memref<!tpu.dma_semaphore, #tpu.memory_space<semaphore_mem>>)
      %dma_wait3A = arith.constant 0 : i32
      %dma_wait3A_162 = tpu.memref_slice %arg11[%add3A_131, %dma_wait3A] : memref<10240x128xf32, #tpu.memory_space<vmem_shared>> -> memref<128x128xf32, #tpu.memory_space<vmem_shared>>
      %dma_wait3A_163 = arith.constant 0 : i32
      %dma_wait3A_164 = tpu.memref_slice %arg11[%add3A_131, %dma_wait3A_163] : memref<10240x128xf32, #tpu.memory_space<vmem_shared>> -> memref<128x128xf32, #tpu.memory_space<vmem_shared>>
      tpu.wait_dma2 semaphore(%run_scoped3A : memref<!tpu.dma_semaphore, #tpu.memory_space<semaphore_mem>>) src(%arg9 : memref<128x128xf32, #tpu.memory_space<vmem>>) dst(%dma_wait3A_164 : memref<128x128xf32, #tpu.memory_space<vmem_shared>>)
      tpu.yield
    }) : () -> ()
    %barrier3A = arith.constant 0 : index
    tpu.barrier barrier_id(%barrier3A)
    %scan3A = arith.constant 0 : i32
    %scan3A_132 = arith.constant 0 : i32
    %scan3A_133 = arith.constant 10 : i32
    %scan3A_134 = arith.addi %scan3A_132, %scan3A_133 : i32
    %scan3A_135 = arith.constant 1 : i32
    scf.for %scan3A_158 = %scan3A_132 to %scan3A_134 step %scan3A_135  : i32 {
      %mul3A_159 = arith.constant 8 : i32
      %mul3A_160 = arith.muli %scan3A_158, %mul3A_159 : i32
      %add3A_161 = arith.constant 0 : i32
      %add3A_162 = arith.addi %mul3A_160, %add3A_161 : i32
      %dma_start3A_163 = arith.constant 0 : i32
      %dma_start3A_164 = tpu.memref_slice %arg7[%add3A_162, %dma_start3A_163] : memref<80x128xi32, #tpu.memory_space<vmem>> -> memref<1x128xi32, #tpu.memory_space<vmem>>
      %dma_start3A_165 = tpu.memref_squeeze %dma_start3A_164 : memref<1x128xi32, #tpu.memory_space<vmem>> -> memref<128xi32, #tpu.memory_space<vmem>>
      %dma_start3A_166 = arith.constant 0 : i32
      %dma_start3A_167 = arith.constant 0 : i32
      %dma_start3A_168 = tpu.memref_slice %arg2[%dma_start3A_166, %dma_start3A_167] : memref<10000x128xf32, #tpu.memory_space<hbm>> -> memref<10000x128xf32, #tpu.memory_space<hbm>>
      tpu.enqueue_indirect_dma source(%dma_start3A_168 : memref<10000x128xf32, #tpu.memory_space<hbm>>) target(%arg9 : memref<128x128xf32, #tpu.memory_space<vmem>>) offsets(%dma_start3A_165 : memref<128xi32, #tpu.memory_space<vmem>>) semaphore(%arg20 : memref<!tpu.dma_semaphore, #tpu.memory_space<semaphore_mem>>)
      %dma_wait3A = arith.constant 0 : i32
      %dma_wait3A_169 = tpu.memref_slice %arg7[%add3A_162, %dma_wait3A] : memref<80x128xi32, #tpu.memory_space<vmem>> -> memref<1x128xi32, #tpu.memory_space<vmem>>
      %dma_wait3A_170 = tpu.memref_squeeze %dma_wait3A_169 : memref<1x128xi32, #tpu.memory_space<vmem>> -> memref<128xi32, #tpu.memory_space<vmem>>
      %dma_wait3A_171 = arith.constant 0 : i32
      %dma_wait3A_172 = arith.constant 0 : i32
      %dma_wait3A_173 = tpu.memref_slice %arg2[%dma_wait3A_171, %dma_wait3A_172] : memref<10000x128xf32, #tpu.memory_space<hbm>> -> memref<10000x128xf32, #tpu.memory_space<hbm>>
      tpu.wait_indirect_dma semaphore(%arg20 : memref<!tpu.dma_semaphore, #tpu.memory_space<semaphore_mem>>) src(%dma_wait3A_173 : memref<10000x128xf32, #tpu.memory_space<hbm>>) dst(%arg9 : memref<128x128xf32, #tpu.memory_space<vmem>>)
      %dma_wait3A_174 = arith.constant 0 : i32
      %dma_wait3A_175 = arith.constant 0 : i32
      %dma_wait3A_176 = tpu.memref_slice %arg8[%dma_wait3A_174, %dma_wait3A_175] : memref<8x128xi32, #tpu.memory_space<vmem>> -> memref<1x128xi32, #tpu.memory_space<vmem>>
      %dma_wait3A_177 = tpu.memref_squeeze %dma_wait3A_176 : memref<1x128xi32, #tpu.memory_space<vmem>> -> memref<128xi32, #tpu.memory_space<vmem>>
      %dma_wait3A_178 = arith.constant 0 : i32
      %dma_wait3A_179 = tpu.memref_slice %arg4[%add3A, %add3A_162, %dma_wait3A_178] : memref<32x80x128xi32, #tpu.memory_space<hbm>> -> memref<1x1x128xi32, #tpu.memory_space<hbm>>
      %dma_wait3A_180 = tpu.memref_squeeze %dma_wait3A_179 : memref<1x1x128xi32, #tpu.memory_space<hbm>> -> memref<128xi32, #tpu.memory_space<hbm>>
      %dma_wait3A_181 = arith.constant 0 : i32
      %dma_wait3A_182 = tpu.memref_slice %arg8[%dma_wait3A_174, %dma_wait3A_181] : memref<8x128xi32, #tpu.memory_space<vmem>> -> memref<1x128xi32, #tpu.memory_space<vmem>>
      %dma_wait3A_183 = tpu.memref_squeeze %dma_wait3A_182 : memref<1x128xi32, #tpu.memory_space<vmem>> -> memref<128xi32, #tpu.memory_space<vmem>>
      %dma_wait3A_184 = arith.constant 0 : i32
      %dma_wait3A_185 = tpu.memref_slice %arg4[%add3A, %add3A_162, %dma_wait3A_184] : memref<32x80x128xi32, #tpu.memory_space<hbm>> -> memref<1x1x128xi32, #tpu.memory_space<hbm>>
      %dma_wait3A_186 = tpu.memref_squeeze %dma_wait3A_185 : memref<1x1x128xi32, #tpu.memory_space<hbm>> -> memref<128xi32, #tpu.memory_space<hbm>>
      tpu.wait_dma2 semaphore(%arg12 : memref<!tpu.dma_semaphore, #tpu.memory_space<semaphore_mem>>) src(%dma_wait3A_186 : memref<128xi32, #tpu.memory_space<hbm>>) dst(%dma_wait3A_183 : memref<128xi32, #tpu.memory_space<vmem>>)
      %run_scoped3A = arith.constant 0 : i32
      "tpu.region"() ({
        %run_scoped3A_450 = tpu.sem_alloc : memref<!tpu.dma_semaphore, #tpu.memory_space<semaphore_mem>>
        %dma_start3A_451 = arith.constant 0 : i32
        %dma_start3A_452 = tpu.memref_slice %arg8[%run_scoped3A, %dma_start3A_451] : memref<8x128xi32, #tpu.memory_space<vmem>> -> memref<1x128xi32, #tpu.memory_space<vmem>>
        %dma_start3A_453 = tpu.memref_squeeze %dma_start3A_452 : memref<1x128xi32, #tpu.memory_space<vmem>> -> memref<128xi32, #tpu.memory_space<vmem>>
        %dma_start3A_454 = arith.constant 0 : i32
        %dma_start3A_455 = arith.constant 0 : i32
        %dma_start3A_456 = tpu.memref_slice %arg11[%dma_start3A_454, %dma_start3A_455] : memref<10240x128xf32, #tpu.memory_space<vmem_shared>> -> memref<10240x128xf32, #tpu.memory_space<vmem_shared>>
        tpu.enqueue_indirect_dma source(%arg9 : memref<128x128xf32, #tpu.memory_space<vmem>>) target(%dma_start3A_456 : memref<10240x128xf32, #tpu.memory_space<vmem_shared>>) offsets(%dma_start3A_453 : memref<128xi32, #tpu.memory_space<vmem>>) semaphore(%run_scoped3A_450 : memref<!tpu.dma_semaphore, #tpu.memory_space<semaphore_mem>>) {add = true}
        %dma_wait3A_457 = arith.constant 0 : i32
        %dma_wait3A_458 = tpu.memref_slice %arg8[%run_scoped3A, %dma_wait3A_457] : memref<8x128xi32, #tpu.memory_space<vmem>> -> memref<1x128xi32, #tpu.memory_space<vmem>>
        %dma_wait3A_459 = tpu.memref_squeeze %dma_wait3A_458 : memref<1x128xi32, #tpu.memory_space<vmem>> -> memref<128xi32, #tpu.memory_space<vmem>>
        %dma_wait3A_460 = arith.constant 0 : i32
        %dma_wait3A_461 = arith.constant 0 : i32
        %dma_wait3A_462 = tpu.memref_slice %arg11[%dma_wait3A_460, %dma_wait3A_461] : memref<10240x128xf32, #tpu.memory_space<vmem_shared>> -> memref<10240x128xf32, #tpu.memory_space<vmem_shared>>
        tpu.wait_indirect_dma semaphore(%run_scoped3A_450 : memref<!tpu.dma_semaphore, #tpu.memory_space<semaphore_mem>>) src(%arg9 : memref<128x128xf32, #tpu.memory_space<vmem>>) dst(%dma_wait3A_462 : memref<10240x128xf32, #tpu.memory_space<vmem_shared>>)
        tpu.yield
      }) : () -> ()
      %add3A_187 = arith.constant 8 : i32
      %add3A_188 = arith.addi %add3A_162, %add3A_187 : i32
      %lt3A = arith.constant 80 : i32
      %lt3A_189 = arith.cmpi slt, %add3A_188, %lt3A : i32
      %convert_element_type3A = arith.extui %lt3A_189 : i1 to i32
      %cond3A = arith.constant 0 : i32
      %cond3A_190 = arith.cmpi ne, %convert_element_type3A, %cond3A : i32
      scf.if %cond3A_190 {
        %add3A_450 = arith.constant 8 : i32
        %add3A_451 = arith.addi %add3A_162, %add3A_450 : i32
        %dma_start3A_452 = arith.constant 0 : i32
        %dma_start3A_453 = arith.constant 0 : i32
        %dma_start3A_454 = tpu.memref_slice %arg8[%dma_start3A_452, %dma_start3A_453] : memref<8x128xi32, #tpu.memory_space<vmem>> -> memref<1x128xi32, #tpu.memory_space<vmem>>
        %dma_start3A_455 = tpu.memref_squeeze %dma_start3A_454 : memref<1x128xi32, #tpu.memory_space<vmem>> -> memref<128xi32, #tpu.memory_space<vmem>>
        %dma_start3A_456 = arith.constant 0 : i32
        %dma_start3A_457 = tpu.memref_slice %arg4[%add3A, %add3A_451, %dma_start3A_456] : memref<32x80x128xi32, #tpu.memory_space<hbm>> -> memref<1x1x128xi32, #tpu.memory_space<hbm>>
        %dma_start3A_458 = tpu.memref_squeeze %dma_start3A_457 : memref<1x1x128xi32, #tpu.memory_space<hbm>> -> memref<128xi32, #tpu.memory_space<hbm>>
        %dma_start3A_459 = arith.constant 0 : i32
        %dma_start3A_460 = tpu.memref_slice %arg8[%dma_start3A_452, %dma_start3A_459] : memref<8x128xi32, #tpu.memory_space<vmem>> -> memref<1x128xi32, #tpu.memory_space<vmem>>
        %dma_start3A_461 = tpu.memref_squeeze %dma_start3A_460 : memref<1x128xi32, #tpu.memory_space<vmem>> -> memref<128xi32, #tpu.memory_space<vmem>>
        %dma_start3A_462 = arith.constant 0 : i32
        %dma_start3A_463 = tpu.memref_slice %arg4[%add3A, %add3A_451, %dma_start3A_462] : memref<32x80x128xi32, #tpu.memory_space<hbm>> -> memref<1x1x128xi32, #tpu.memory_space<hbm>>
        %dma_start3A_464 = tpu.memref_squeeze %dma_start3A_463 : memref<1x1x128xi32, #tpu.memory_space<hbm>> -> memref<128xi32, #tpu.memory_space<hbm>>
        tpu.enqueue_dma source(%dma_start3A_464 : memref<128xi32, #tpu.memory_space<hbm>>) target(%dma_start3A_461 : memref<128xi32, #tpu.memory_space<vmem>>) target_semaphore(%arg12 : memref<!tpu.dma_semaphore, #tpu.memory_space<semaphore_mem>>)
      } else {
      }
      %mul3A_191 = arith.constant 8 : i32
      %mul3A_192 = arith.muli %scan3A_158, %mul3A_191 : i32
      %add3A_193 = arith.constant 1 : i32
      %add3A_194 = arith.addi %mul3A_192, %add3A_193 : i32
      %dma_start3A_195 = arith.constant 0 : i32
      %dma_start3A_196 = tpu.memref_slice %arg7[%add3A_194, %dma_start3A_195] : memref<80x128xi32, #tpu.memory_space<vmem>> -> memref<1x128xi32, #tpu.memory_space<vmem>>
      %dma_start3A_197 = tpu.memref_squeeze %dma_start3A_196 : memref<1x128xi32, #tpu.memory_space<vmem>> -> memref<128xi32, #tpu.memory_space<vmem>>
      %dma_start3A_198 = arith.constant 0 : i32
      %dma_start3A_199 = arith.constant 0 : i32
      %dma_start3A_200 = tpu.memref_slice %arg2[%dma_start3A_198, %dma_start3A_199] : memref<10000x128xf32, #tpu.memory_space<hbm>> -> memref<10000x128xf32, #tpu.memory_space<hbm>>
      tpu.enqueue_indirect_dma source(%dma_start3A_200 : memref<10000x128xf32, #tpu.memory_space<hbm>>) target(%arg10 : memref<128x128xf32, #tpu.memory_space<vmem>>) offsets(%dma_start3A_197 : memref<128xi32, #tpu.memory_space<vmem>>) semaphore(%arg21 : memref<!tpu.dma_semaphore, #tpu.memory_space<semaphore_mem>>)
      %dma_wait3A_201 = arith.constant 0 : i32
      %dma_wait3A_202 = tpu.memref_slice %arg7[%add3A_194, %dma_wait3A_201] : memref<80x128xi32, #tpu.memory_space<vmem>> -> memref<1x128xi32, #tpu.memory_space<vmem>>
      %dma_wait3A_203 = tpu.memref_squeeze %dma_wait3A_202 : memref<1x128xi32, #tpu.memory_space<vmem>> -> memref<128xi32, #tpu.memory_space<vmem>>
      %dma_wait3A_204 = arith.constant 0 : i32
      %dma_wait3A_205 = arith.constant 0 : i32
      %dma_wait3A_206 = tpu.memref_slice %arg2[%dma_wait3A_204, %dma_wait3A_205] : memref<10000x128xf32, #tpu.memory_space<hbm>> -> memref<10000x128xf32, #tpu.memory_space<hbm>>
      tpu.wait_indirect_dma semaphore(%arg21 : memref<!tpu.dma_semaphore, #tpu.memory_space<semaphore_mem>>) src(%dma_wait3A_206 : memref<10000x128xf32, #tpu.memory_space<hbm>>) dst(%arg10 : memref<128x128xf32, #tpu.memory_space<vmem>>)
      %dma_wait3A_207 = arith.constant 1 : i32
      %dma_wait3A_208 = arith.constant 0 : i32
      %dma_wait3A_209 = tpu.memref_slice %arg8[%dma_wait3A_207, %dma_wait3A_208] : memref<8x128xi32, #tpu.memory_space<vmem>> -> memref<1x128xi32, #tpu.memory_space<vmem>>
      %dma_wait3A_210 = tpu.memref_squeeze %dma_wait3A_209 : memref<1x128xi32, #tpu.memory_space<vmem>> -> memref<128xi32, #tpu.memory_space<vmem>>
      %dma_wait3A_211 = arith.constant 0 : i32
      %dma_wait3A_212 = tpu.memref_slice %arg4[%add3A, %add3A_194, %dma_wait3A_211] : memref<32x80x128xi32, #tpu.memory_space<hbm>> -> memref<1x1x128xi32, #tpu.memory_space<hbm>>
      %dma_wait3A_213 = tpu.memref_squeeze %dma_wait3A_212 : memref<1x1x128xi32, #tpu.memory_space<hbm>> -> memref<128xi32, #tpu.memory_space<hbm>>
      %dma_wait3A_214 = arith.constant 0 : i32
      %dma_wait3A_215 = tpu.memref_slice %arg8[%dma_wait3A_207, %dma_wait3A_214] : memref<8x128xi32, #tpu.memory_space<vmem>> -> memref<1x128xi32, #tpu.memory_space<vmem>>
      %dma_wait3A_216 = tpu.memref_squeeze %dma_wait3A_215 : memref<1x128xi32, #tpu.memory_space<vmem>> -> memref<128xi32, #tpu.memory_space<vmem>>
      %dma_wait3A_217 = arith.constant 0 : i32
      %dma_wait3A_218 = tpu.memref_slice %arg4[%add3A, %add3A_194, %dma_wait3A_217] : memref<32x80x128xi32, #tpu.memory_space<hbm>> -> memref<1x1x128xi32, #tpu.memory_space<hbm>>
      %dma_wait3A_219 = tpu.memref_squeeze %dma_wait3A_218 : memref<1x1x128xi32, #tpu.memory_space<hbm>> -> memref<128xi32, #tpu.memory_space<hbm>>
      tpu.wait_dma2 semaphore(%arg13 : memref<!tpu.dma_semaphore, #tpu.memory_space<semaphore_mem>>) src(%dma_wait3A_219 : memref<128xi32, #tpu.memory_space<hbm>>) dst(%dma_wait3A_216 : memref<128xi32, #tpu.memory_space<vmem>>)
      %run_scoped3A_220 = arith.constant 1 : i32
      "tpu.region"() ({
        %run_scoped3A_450 = tpu.sem_alloc : memref<!tpu.dma_semaphore, #tpu.memory_space<semaphore_mem>>
        %dma_start3A_451 = arith.constant 0 : i32
        %dma_start3A_452 = tpu.memref_slice %arg8[%run_scoped3A_220, %dma_start3A_451] : memref<8x128xi32, #tpu.memory_space<vmem>> -> memref<1x128xi32, #tpu.memory_space<vmem>>
        %dma_start3A_453 = tpu.memref_squeeze %dma_start3A_452 : memref<1x128xi32, #tpu.memory_space<vmem>> -> memref<128xi32, #tpu.memory_space<vmem>>
        %dma_start3A_454 = arith.constant 0 : i32
        %dma_start3A_455 = arith.constant 0 : i32
        %dma_start3A_456 = tpu.memref_slice %arg11[%dma_start3A_454, %dma_start3A_455] : memref<10240x128xf32, #tpu.memory_space<vmem_shared>> -> memref<10240x128xf32, #tpu.memory_space<vmem_shared>>
        tpu.enqueue_indirect_dma source(%arg10 : memref<128x128xf32, #tpu.memory_space<vmem>>) target(%dma_start3A_456 : memref<10240x128xf32, #tpu.memory_space<vmem_shared>>) offsets(%dma_start3A_453 : memref<128xi32, #tpu.memory_space<vmem>>) semaphore(%run_scoped3A_450 : memref<!tpu.dma_semaphore, #tpu.memory_space<semaphore_mem>>) {add = true}
        %dma_wait3A_457 = arith.constant 0 : i32
        %dma_wait3A_458 = tpu.memref_slice %arg8[%run_scoped3A_220, %dma_wait3A_457] : memref<8x128xi32, #tpu.memory_space<vmem>> -> memref<1x128xi32, #tpu.memory_space<vmem>>
        %dma_wait3A_459 = tpu.memref_squeeze %dma_wait3A_458 : memref<1x128xi32, #tpu.memory_space<vmem>> -> memref<128xi32, #tpu.memory_space<vmem>>
        %dma_wait3A_460 = arith.constant 0 : i32
        %dma_wait3A_461 = arith.constant 0 : i32
        %dma_wait3A_462 = tpu.memref_slice %arg11[%dma_wait3A_460, %dma_wait3A_461] : memref<10240x128xf32, #tpu.memory_space<vmem_shared>> -> memref<10240x128xf32, #tpu.memory_space<vmem_shared>>
        tpu.wait_indirect_dma semaphore(%run_scoped3A_450 : memref<!tpu.dma_semaphore, #tpu.memory_space<semaphore_mem>>) src(%arg10 : memref<128x128xf32, #tpu.memory_space<vmem>>) dst(%dma_wait3A_462 : memref<10240x128xf32, #tpu.memory_space<vmem_shared>>)
        tpu.yield
      }) : () -> ()
      %add3A_221 = arith.constant 8 : i32
      %add3A_222 = arith.addi %add3A_194, %add3A_221 : i32
      %lt3A_223 = arith.constant 80 : i32
      %lt3A_224 = arith.cmpi slt, %add3A_222, %lt3A_223 : i32
      %convert_element_type3A_225 = arith.extui %lt3A_224 : i1 to i32
      %cond3A_226 = arith.constant 0 : i32
      %cond3A_227 = arith.cmpi ne, %convert_element_type3A_225, %cond3A_226 : i32
      scf.if %cond3A_227 {
        %add3A_450 = arith.constant 8 : i32
        %add3A_451 = arith.addi %add3A_194, %add3A_450 : i32
        %dma_start3A_452 = arith.constant 1 : i32
        %dma_start3A_453 = arith.constant 0 : i32
        %dma_start3A_454 = tpu.memref_slice %arg8[%dma_start3A_452, %dma_start3A_453] : memref<8x128xi32, #tpu.memory_space<vmem>> -> memref<1x128xi32, #tpu.memory_space<vmem>>
        %dma_start3A_455 = tpu.memref_squeeze %dma_start3A_454 : memref<1x128xi32, #tpu.memory_space<vmem>> -> memref<128xi32, #tpu.memory_space<vmem>>
        %dma_start3A_456 = arith.constant 0 : i32
        %dma_start3A_457 = tpu.memref_slice %arg4[%add3A, %add3A_451, %dma_start3A_456] : memref<32x80x128xi32, #tpu.memory_space<hbm>> -> memref<1x1x128xi32, #tpu.memory_space<hbm>>
        %dma_start3A_458 = tpu.memref_squeeze %dma_start3A_457 : memref<1x1x128xi32, #tpu.memory_space<hbm>> -> memref<128xi32, #tpu.memory_space<hbm>>
        %dma_start3A_459 = arith.constant 0 : i32
        %dma_start3A_460 = tpu.memref_slice %arg8[%dma_start3A_452, %dma_start3A_459] : memref<8x128xi32, #tpu.memory_space<vmem>> -> memref<1x128xi32, #tpu.memory_space<vmem>>
        %dma_start3A_461 = tpu.memref_squeeze %dma_start3A_460 : memref<1x128xi32, #tpu.memory_space<vmem>> -> memref<128xi32, #tpu.memory_space<vmem>>
        %dma_start3A_462 = arith.constant 0 : i32
        %dma_start3A_463 = tpu.memref_slice %arg4[%add3A, %add3A_451, %dma_start3A_462] : memref<32x80x128xi32, #tpu.memory_space<hbm>> -> memref<1x1x128xi32, #tpu.memory_space<hbm>>
        %dma_start3A_464 = tpu.memref_squeeze %dma_start3A_463 : memref<1x1x128xi32, #tpu.memory_space<hbm>> -> memref<128xi32, #tpu.memory_space<hbm>>
        tpu.enqueue_dma source(%dma_start3A_464 : memref<128xi32, #tpu.memory_space<hbm>>) target(%dma_start3A_461 : memref<128xi32, #tpu.memory_space<vmem>>) target_semaphore(%arg13 : memref<!tpu.dma_semaphore, #tpu.memory_space<semaphore_mem>>)
      } else {
      }
      %mul3A_228 = arith.constant 8 : i32
      %mul3A_229 = arith.muli %scan3A_158, %mul3A_228 : i32
      %add3A_230 = arith.constant 2 : i32
      %add3A_231 = arith.addi %mul3A_229, %add3A_230 : i32
      %dma_start3A_232 = arith.constant 0 : i32
      %dma_start3A_233 = tpu.memref_slice %arg7[%add3A_231, %dma_start3A_232] : memref<80x128xi32, #tpu.memory_space<vmem>> -> memref<1x128xi32, #tpu.memory_space<vmem>>
      %dma_start3A_234 = tpu.memref_squeeze %dma_start3A_233 : memref<1x128xi32, #tpu.memory_space<vmem>> -> memref<128xi32, #tpu.memory_space<vmem>>
      %dma_start3A_235 = arith.constant 0 : i32
      %dma_start3A_236 = arith.constant 0 : i32
      %dma_start3A_237 = tpu.memref_slice %arg2[%dma_start3A_235, %dma_start3A_236] : memref<10000x128xf32, #tpu.memory_space<hbm>> -> memref<10000x128xf32, #tpu.memory_space<hbm>>
      tpu.enqueue_indirect_dma source(%dma_start3A_237 : memref<10000x128xf32, #tpu.memory_space<hbm>>) target(%arg9 : memref<128x128xf32, #tpu.memory_space<vmem>>) offsets(%dma_start3A_234 : memref<128xi32, #tpu.memory_space<vmem>>) semaphore(%arg20 : memref<!tpu.dma_semaphore, #tpu.memory_space<semaphore_mem>>)
      %dma_wait3A_238 = arith.constant 0 : i32
      %dma_wait3A_239 = tpu.memref_slice %arg7[%add3A_231, %dma_wait3A_238] : memref<80x128xi32, #tpu.memory_space<vmem>> -> memref<1x128xi32, #tpu.memory_space<vmem>>
      %dma_wait3A_240 = tpu.memref_squeeze %dma_wait3A_239 : memref<1x128xi32, #tpu.memory_space<vmem>> -> memref<128xi32, #tpu.memory_space<vmem>>
      %dma_wait3A_241 = arith.constant 0 : i32
      %dma_wait3A_242 = arith.constant 0 : i32
      %dma_wait3A_243 = tpu.memref_slice %arg2[%dma_wait3A_241, %dma_wait3A_242] : memref<10000x128xf32, #tpu.memory_space<hbm>> -> memref<10000x128xf32, #tpu.memory_space<hbm>>
      tpu.wait_indirect_dma semaphore(%arg20 : memref<!tpu.dma_semaphore, #tpu.memory_space<semaphore_mem>>) src(%dma_wait3A_243 : memref<10000x128xf32, #tpu.memory_space<hbm>>) dst(%arg9 : memref<128x128xf32, #tpu.memory_space<vmem>>)
      %dma_wait3A_244 = arith.constant 2 : i32
      %dma_wait3A_245 = arith.constant 0 : i32
      %dma_wait3A_246 = tpu.memref_slice %arg8[%dma_wait3A_244, %dma_wait3A_245] : memref<8x128xi32, #tpu.memory_space<vmem>> -> memref<1x128xi32, #tpu.memory_space<vmem>>
      %dma_wait3A_247 = tpu.memref_squeeze %dma_wait3A_246 : memref<1x128xi32, #tpu.memory_space<vmem>> -> memref<128xi32, #tpu.memory_space<vmem>>
      %dma_wait3A_248 = arith.constant 0 : i32
      %dma_wait3A_249 = tpu.memref_slice %arg4[%add3A, %add3A_231, %dma_wait3A_248] : memref<32x80x128xi32, #tpu.memory_space<hbm>> -> memref<1x1x128xi32, #tpu.memory_space<hbm>>
      %dma_wait3A_250 = tpu.memref_squeeze %dma_wait3A_249 : memref<1x1x128xi32, #tpu.memory_space<hbm>> -> memref<128xi32, #tpu.memory_space<hbm>>
      %dma_wait3A_251 = arith.constant 0 : i32
      %dma_wait3A_252 = tpu.memref_slice %arg8[%dma_wait3A_244, %dma_wait3A_251] : memref<8x128xi32, #tpu.memory_space<vmem>> -> memref<1x128xi32, #tpu.memory_space<vmem>>
      %dma_wait3A_253 = tpu.memref_squeeze %dma_wait3A_252 : memref<1x128xi32, #tpu.memory_space<vmem>> -> memref<128xi32, #tpu.memory_space<vmem>>
      %dma_wait3A_254 = arith.constant 0 : i32
      %dma_wait3A_255 = tpu.memref_slice %arg4[%add3A, %add3A_231, %dma_wait3A_254] : memref<32x80x128xi32, #tpu.memory_space<hbm>> -> memref<1x1x128xi32, #tpu.memory_space<hbm>>
      %dma_wait3A_256 = tpu.memref_squeeze %dma_wait3A_255 : memref<1x1x128xi32, #tpu.memory_space<hbm>> -> memref<128xi32, #tpu.memory_space<hbm>>
      tpu.wait_dma2 semaphore(%arg14 : memref<!tpu.dma_semaphore, #tpu.memory_space<semaphore_mem>>) src(%dma_wait3A_256 : memref<128xi32, #tpu.memory_space<hbm>>) dst(%dma_wait3A_253 : memref<128xi32, #tpu.memory_space<vmem>>)
      %run_scoped3A_257 = arith.constant 2 : i32
      "tpu.region"() ({
        %run_scoped3A_450 = tpu.sem_alloc : memref<!tpu.dma_semaphore, #tpu.memory_space<semaphore_mem>>
        %dma_start3A_451 = arith.constant 0 : i32
        %dma_start3A_452 = tpu.memref_slice %arg8[%run_scoped3A_257, %dma_start3A_451] : memref<8x128xi32, #tpu.memory_space<vmem>> -> memref<1x128xi32, #tpu.memory_space<vmem>>
        %dma_start3A_453 = tpu.memref_squeeze %dma_start3A_452 : memref<1x128xi32, #tpu.memory_space<vmem>> -> memref<128xi32, #tpu.memory_space<vmem>>
        %dma_start3A_454 = arith.constant 0 : i32
        %dma_start3A_455 = arith.constant 0 : i32
        %dma_start3A_456 = tpu.memref_slice %arg11[%dma_start3A_454, %dma_start3A_455] : memref<10240x128xf32, #tpu.memory_space<vmem_shared>> -> memref<10240x128xf32, #tpu.memory_space<vmem_shared>>
        tpu.enqueue_indirect_dma source(%arg9 : memref<128x128xf32, #tpu.memory_space<vmem>>) target(%dma_start3A_456 : memref<10240x128xf32, #tpu.memory_space<vmem_shared>>) offsets(%dma_start3A_453 : memref<128xi32, #tpu.memory_space<vmem>>) semaphore(%run_scoped3A_450 : memref<!tpu.dma_semaphore, #tpu.memory_space<semaphore_mem>>) {add = true}
        %dma_wait3A_457 = arith.constant 0 : i32
        %dma_wait3A_458 = tpu.memref_slice %arg8[%run_scoped3A_257, %dma_wait3A_457] : memref<8x128xi32, #tpu.memory_space<vmem>> -> memref<1x128xi32, #tpu.memory_space<vmem>>
        %dma_wait3A_459 = tpu.memref_squeeze %dma_wait3A_458 : memref<1x128xi32, #tpu.memory_space<vmem>> -> memref<128xi32, #tpu.memory_space<vmem>>
        %dma_wait3A_460 = arith.constant 0 : i32
        %dma_wait3A_461 = arith.constant 0 : i32
        %dma_wait3A_462 = tpu.memref_slice %arg11[%dma_wait3A_460, %dma_wait3A_461] : memref<10240x128xf32, #tpu.memory_space<vmem_shared>> -> memref<10240x128xf32, #tpu.memory_space<vmem_shared>>
        tpu.wait_indirect_dma semaphore(%run_scoped3A_450 : memref<!tpu.dma_semaphore, #tpu.memory_space<semaphore_mem>>) src(%arg9 : memref<128x128xf32, #tpu.memory_space<vmem>>) dst(%dma_wait3A_462 : memref<10240x128xf32, #tpu.memory_space<vmem_shared>>)
        tpu.yield
      }) : () -> ()
      %add3A_258 = arith.constant 8 : i32
      %add3A_259 = arith.addi %add3A_231, %add3A_258 : i32
      %lt3A_260 = arith.constant 80 : i32
      %lt3A_261 = arith.cmpi slt, %add3A_259, %lt3A_260 : i32
      %convert_element_type3A_262 = arith.extui %lt3A_261 : i1 to i32
      %cond3A_263 = arith.constant 0 : i32
      %cond3A_264 = arith.cmpi ne, %convert_element_type3A_262, %cond3A_263 : i32
      scf.if %cond3A_264 {
        %add3A_450 = arith.constant 8 : i32
        %add3A_451 = arith.addi %add3A_231, %add3A_450 : i32
        %dma_start3A_452 = arith.constant 2 : i32
        %dma_start3A_453 = arith.constant 0 : i32
        %dma_start3A_454 = tpu.memref_slice %arg8[%dma_start3A_452, %dma_start3A_453] : memref<8x128xi32, #tpu.memory_space<vmem>> -> memref<1x128xi32, #tpu.memory_space<vmem>>
        %dma_start3A_455 = tpu.memref_squeeze %dma_start3A_454 : memref<1x128xi32, #tpu.memory_space<vmem>> -> memref<128xi32, #tpu.memory_space<vmem>>
        %dma_start3A_456 = arith.constant 0 : i32
        %dma_start3A_457 = tpu.memref_slice %arg4[%add3A, %add3A_451, %dma_start3A_456] : memref<32x80x128xi32, #tpu.memory_space<hbm>> -> memref<1x1x128xi32, #tpu.memory_space<hbm>>
        %dma_start3A_458 = tpu.memref_squeeze %dma_start3A_457 : memref<1x1x128xi32, #tpu.memory_space<hbm>> -> memref<128xi32, #tpu.memory_space<hbm>>
        %dma_start3A_459 = arith.constant 0 : i32
        %dma_start3A_460 = tpu.memref_slice %arg8[%dma_start3A_452, %dma_start3A_459] : memref<8x128xi32, #tpu.memory_space<vmem>> -> memref<1x128xi32, #tpu.memory_space<vmem>>
        %dma_start3A_461 = tpu.memref_squeeze %dma_start3A_460 : memref<1x128xi32, #tpu.memory_space<vmem>> -> memref<128xi32, #tpu.memory_space<vmem>>
        %dma_start3A_462 = arith.constant 0 : i32
        %dma_start3A_463 = tpu.memref_slice %arg4[%add3A, %add3A_451, %dma_start3A_462] : memref<32x80x128xi32, #tpu.memory_space<hbm>> -> memref<1x1x128xi32, #tpu.memory_space<hbm>>
        %dma_start3A_464 = tpu.memref_squeeze %dma_start3A_463 : memref<1x1x128xi32, #tpu.memory_space<hbm>> -> memref<128xi32, #tpu.memory_space<hbm>>
        tpu.enqueue_dma source(%dma_start3A_464 : memref<128xi32, #tpu.memory_space<hbm>>) target(%dma_start3A_461 : memref<128xi32, #tpu.memory_space<vmem>>) target_semaphore(%arg14 : memref<!tpu.dma_semaphore, #tpu.memory_space<semaphore_mem>>)
      } else {
      }
      %mul3A_265 = arith.constant 8 : i32
      %mul3A_266 = arith.muli %scan3A_158, %mul3A_265 : i32
      %add3A_267 = arith.constant 3 : i32
      %add3A_268 = arith.addi %mul3A_266, %add3A_267 : i32
      %dma_start3A_269 = arith.constant 0 : i32
      %dma_start3A_270 = tpu.memref_slice %arg7[%add3A_268, %dma_start3A_269] : memref<80x128xi32, #tpu.memory_space<vmem>> -> memref<1x128xi32, #tpu.memory_space<vmem>>
      %dma_start3A_271 = tpu.memref_squeeze %dma_start3A_270 : memref<1x128xi32, #tpu.memory_space<vmem>> -> memref<128xi32, #tpu.memory_space<vmem>>
      %dma_start3A_272 = arith.constant 0 : i32
      %dma_start3A_273 = arith.constant 0 : i32
      %dma_start3A_274 = tpu.memref_slice %arg2[%dma_start3A_272, %dma_start3A_273] : memref<10000x128xf32, #tpu.memory_space<hbm>> -> memref<10000x128xf32, #tpu.memory_space<hbm>>
      tpu.enqueue_indirect_dma source(%dma_start3A_274 : memref<10000x128xf32, #tpu.memory_space<hbm>>) target(%arg10 : memref<128x128xf32, #tpu.memory_space<vmem>>) offsets(%dma_start3A_271 : memref<128xi32, #tpu.memory_space<vmem>>) semaphore(%arg21 : memref<!tpu.dma_semaphore, #tpu.memory_space<semaphore_mem>>)
      %dma_wait3A_275 = arith.constant 0 : i32
      %dma_wait3A_276 = tpu.memref_slice %arg7[%add3A_268, %dma_wait3A_275] : memref<80x128xi32, #tpu.memory_space<vmem>> -> memref<1x128xi32, #tpu.memory_space<vmem>>
      %dma_wait3A_277 = tpu.memref_squeeze %dma_wait3A_276 : memref<1x128xi32, #tpu.memory_space<vmem>> -> memref<128xi32, #tpu.memory_space<vmem>>
      %dma_wait3A_278 = arith.constant 0 : i32
      %dma_wait3A_279 = arith.constant 0 : i32
      %dma_wait3A_280 = tpu.memref_slice %arg2[%dma_wait3A_278, %dma_wait3A_279] : memref<10000x128xf32, #tpu.memory_space<hbm>> -> memref<10000x128xf32, #tpu.memory_space<hbm>>
      tpu.wait_indirect_dma semaphore(%arg21 : memref<!tpu.dma_semaphore, #tpu.memory_space<semaphore_mem>>) src(%dma_wait3A_280 : memref<10000x128xf32, #tpu.memory_space<hbm>>) dst(%arg10 : memref<128x128xf32, #tpu.memory_space<vmem>>)
      %dma_wait3A_281 = arith.constant 3 : i32
      %dma_wait3A_282 = arith.constant 0 : i32
      %dma_wait3A_283 = tpu.memref_slice %arg8[%dma_wait3A_281, %dma_wait3A_282] : memref<8x128xi32, #tpu.memory_space<vmem>> -> memref<1x128xi32, #tpu.memory_space<vmem>>
      %dma_wait3A_284 = tpu.memref_squeeze %dma_wait3A_283 : memref<1x128xi32, #tpu.memory_space<vmem>> -> memref<128xi32, #tpu.memory_space<vmem>>
      %dma_wait3A_285 = arith.constant 0 : i32
      %dma_wait3A_286 = tpu.memref_slice %arg4[%add3A, %add3A_268, %dma_wait3A_285] : memref<32x80x128xi32, #tpu.memory_space<hbm>> -> memref<1x1x128xi32, #tpu.memory_space<hbm>>
      %dma_wait3A_287 = tpu.memref_squeeze %dma_wait3A_286 : memref<1x1x128xi32, #tpu.memory_space<hbm>> -> memref<128xi32, #tpu.memory_space<hbm>>
      %dma_wait3A_288 = arith.constant 0 : i32
      %dma_wait3A_289 = tpu.memref_slice %arg8[%dma_wait3A_281, %dma_wait3A_288] : memref<8x128xi32, #tpu.memory_space<vmem>> -> memref<1x128xi32, #tpu.memory_space<vmem>>
      %dma_wait3A_290 = tpu.memref_squeeze %dma_wait3A_289 : memref<1x128xi32, #tpu.memory_space<vmem>> -> memref<128xi32, #tpu.memory_space<vmem>>
      %dma_wait3A_291 = arith.constant 0 : i32
      %dma_wait3A_292 = tpu.memref_slice %arg4[%add3A, %add3A_268, %dma_wait3A_291] : memref<32x80x128xi32, #tpu.memory_space<hbm>> -> memref<1x1x128xi32, #tpu.memory_space<hbm>>
      %dma_wait3A_293 = tpu.memref_squeeze %dma_wait3A_292 : memref<1x1x128xi32, #tpu.memory_space<hbm>> -> memref<128xi32, #tpu.memory_space<hbm>>
      tpu.wait_dma2 semaphore(%arg15 : memref<!tpu.dma_semaphore, #tpu.memory_space<semaphore_mem>>) src(%dma_wait3A_293 : memref<128xi32, #tpu.memory_space<hbm>>) dst(%dma_wait3A_290 : memref<128xi32, #tpu.memory_space<vmem>>)
      %run_scoped3A_294 = arith.constant 3 : i32
      "tpu.region"() ({
        %run_scoped3A_450 = tpu.sem_alloc : memref<!tpu.dma_semaphore, #tpu.memory_space<semaphore_mem>>
        %dma_start3A_451 = arith.constant 0 : i32
        %dma_start3A_452 = tpu.memref_slice %arg8[%run_scoped3A_294, %dma_start3A_451] : memref<8x128xi32, #tpu.memory_space<vmem>> -> memref<1x128xi32, #tpu.memory_space<vmem>>
        %dma_start3A_453 = tpu.memref_squeeze %dma_start3A_452 : memref<1x128xi32, #tpu.memory_space<vmem>> -> memref<128xi32, #tpu.memory_space<vmem>>
        %dma_start3A_454 = arith.constant 0 : i32
        %dma_start3A_455 = arith.constant 0 : i32
        %dma_start3A_456 = tpu.memref_slice %arg11[%dma_start3A_454, %dma_start3A_455] : memref<10240x128xf32, #tpu.memory_space<vmem_shared>> -> memref<10240x128xf32, #tpu.memory_space<vmem_shared>>
        tpu.enqueue_indirect_dma source(%arg10 : memref<128x128xf32, #tpu.memory_space<vmem>>) target(%dma_start3A_456 : memref<10240x128xf32, #tpu.memory_space<vmem_shared>>) offsets(%dma_start3A_453 : memref<128xi32, #tpu.memory_space<vmem>>) semaphore(%run_scoped3A_450 : memref<!tpu.dma_semaphore, #tpu.memory_space<semaphore_mem>>) {add = true}
        %dma_wait3A_457 = arith.constant 0 : i32
        %dma_wait3A_458 = tpu.memref_slice %arg8[%run_scoped3A_294, %dma_wait3A_457] : memref<8x128xi32, #tpu.memory_space<vmem>> -> memref<1x128xi32, #tpu.memory_space<vmem>>
        %dma_wait3A_459 = tpu.memref_squeeze %dma_wait3A_458 : memref<1x128xi32, #tpu.memory_space<vmem>> -> memref<128xi32, #tpu.memory_space<vmem>>
        %dma_wait3A_460 = arith.constant 0 : i32
        %dma_wait3A_461 = arith.constant 0 : i32
        %dma_wait3A_462 = tpu.memref_slice %arg11[%dma_wait3A_460, %dma_wait3A_461] : memref<10240x128xf32, #tpu.memory_space<vmem_shared>> -> memref<10240x128xf32, #tpu.memory_space<vmem_shared>>
        tpu.wait_indirect_dma semaphore(%run_scoped3A_450 : memref<!tpu.dma_semaphore, #tpu.memory_space<semaphore_mem>>) src(%arg10 : memref<128x128xf32, #tpu.memory_space<vmem>>) dst(%dma_wait3A_462 : memref<10240x128xf32, #tpu.memory_space<vmem_shared>>)
        tpu.yield
      }) : () -> ()
      %add3A_295 = arith.constant 8 : i32
      %add3A_296 = arith.addi %add3A_268, %add3A_295 : i32
      %lt3A_297 = arith.constant 80 : i32
      %lt3A_298 = arith.cmpi slt, %add3A_296, %lt3A_297 : i32
      %convert_element_type3A_299 = arith.extui %lt3A_298 : i1 to i32
      %cond3A_300 = arith.constant 0 : i32
      %cond3A_301 = arith.cmpi ne, %convert_element_type3A_299, %cond3A_300 : i32
      scf.if %cond3A_301 {
        %add3A_450 = arith.constant 8 : i32
        %add3A_451 = arith.addi %add3A_268, %add3A_450 : i32
        %dma_start3A_452 = arith.constant 3 : i32
        %dma_start3A_453 = arith.constant 0 : i32
        %dma_start3A_454 = tpu.memref_slice %arg8[%dma_start3A_452, %dma_start3A_453] : memref<8x128xi32, #tpu.memory_space<vmem>> -> memref<1x128xi32, #tpu.memory_space<vmem>>
        %dma_start3A_455 = tpu.memref_squeeze %dma_start3A_454 : memref<1x128xi32, #tpu.memory_space<vmem>> -> memref<128xi32, #tpu.memory_space<vmem>>
        %dma_start3A_456 = arith.constant 0 : i32
        %dma_start3A_457 = tpu.memref_slice %arg4[%add3A, %add3A_451, %dma_start3A_456] : memref<32x80x128xi32, #tpu.memory_space<hbm>> -> memref<1x1x128xi32, #tpu.memory_space<hbm>>
        %dma_start3A_458 = tpu.memref_squeeze %dma_start3A_457 : memref<1x1x128xi32, #tpu.memory_space<hbm>> -> memref<128xi32, #tpu.memory_space<hbm>>
        %dma_start3A_459 = arith.constant 0 : i32
        %dma_start3A_460 = tpu.memref_slice %arg8[%dma_start3A_452, %dma_start3A_459] : memref<8x128xi32, #tpu.memory_space<vmem>> -> memref<1x128xi32, #tpu.memory_space<vmem>>
        %dma_start3A_461 = tpu.memref_squeeze %dma_start3A_460 : memref<1x128xi32, #tpu.memory_space<vmem>> -> memref<128xi32, #tpu.memory_space<vmem>>
        %dma_start3A_462 = arith.constant 0 : i32
        %dma_start3A_463 = tpu.memref_slice %arg4[%add3A, %add3A_451, %dma_start3A_462] : memref<32x80x128xi32, #tpu.memory_space<hbm>> -> memref<1x1x128xi32, #tpu.memory_space<hbm>>
        %dma_start3A_464 = tpu.memref_squeeze %dma_start3A_463 : memref<1x1x128xi32, #tpu.memory_space<hbm>> -> memref<128xi32, #tpu.memory_space<hbm>>
        tpu.enqueue_dma source(%dma_start3A_464 : memref<128xi32, #tpu.memory_space<hbm>>) target(%dma_start3A_461 : memref<128xi32, #tpu.memory_space<vmem>>) target_semaphore(%arg15 : memref<!tpu.dma_semaphore, #tpu.memory_space<semaphore_mem>>)
      } else {
      }
      %mul3A_302 = arith.constant 8 : i32
      %mul3A_303 = arith.muli %scan3A_158, %mul3A_302 : i32
      %add3A_304 = arith.constant 4 : i32
      %add3A_305 = arith.addi %mul3A_303, %add3A_304 : i32
      %dma_start3A_306 = arith.constant 0 : i32
      %dma_start3A_307 = tpu.memref_slice %arg7[%add3A_305, %dma_start3A_306] : memref<80x128xi32, #tpu.memory_space<vmem>> -> memref<1x128xi32, #tpu.memory_space<vmem>>
      %dma_start3A_308 = tpu.memref_squeeze %dma_start3A_307 : memref<1x128xi32, #tpu.memory_space<vmem>> -> memref<128xi32, #tpu.memory_space<vmem>>
      %dma_start3A_309 = arith.constant 0 : i32
      %dma_start3A_310 = arith.constant 0 : i32
      %dma_start3A_311 = tpu.memref_slice %arg2[%dma_start3A_309, %dma_start3A_310] : memref<10000x128xf32, #tpu.memory_space<hbm>> -> memref<10000x128xf32, #tpu.memory_space<hbm>>
      tpu.enqueue_indirect_dma source(%dma_start3A_311 : memref<10000x128xf32, #tpu.memory_space<hbm>>) target(%arg9 : memref<128x128xf32, #tpu.memory_space<vmem>>) offsets(%dma_start3A_308 : memref<128xi32, #tpu.memory_space<vmem>>) semaphore(%arg20 : memref<!tpu.dma_semaphore, #tpu.memory_space<semaphore_mem>>)
      %dma_wait3A_312 = arith.constant 0 : i32
      %dma_wait3A_313 = tpu.memref_slice %arg7[%add3A_305, %dma_wait3A_312] : memref<80x128xi32, #tpu.memory_space<vmem>> -> memref<1x128xi32, #tpu.memory_space<vmem>>
      %dma_wait3A_314 = tpu.memref_squeeze %dma_wait3A_313 : memref<1x128xi32, #tpu.memory_space<vmem>> -> memref<128xi32, #tpu.memory_space<vmem>>
      %dma_wait3A_315 = arith.constant 0 : i32
      %dma_wait3A_316 = arith.constant 0 : i32
      %dma_wait3A_317 = tpu.memref_slice %arg2[%dma_wait3A_315, %dma_wait3A_316] : memref<10000x128xf32, #tpu.memory_space<hbm>> -> memref<10000x128xf32, #tpu.memory_space<hbm>>
      tpu.wait_indirect_dma semaphore(%arg20 : memref<!tpu.dma_semaphore, #tpu.memory_space<semaphore_mem>>) src(%dma_wait3A_317 : memref<10000x128xf32, #tpu.memory_space<hbm>>) dst(%arg9 : memref<128x128xf32, #tpu.memory_space<vmem>>)
      %dma_wait3A_318 = arith.constant 4 : i32
      %dma_wait3A_319 = arith.constant 0 : i32
      %dma_wait3A_320 = tpu.memref_slice %arg8[%dma_wait3A_318, %dma_wait3A_319] : memref<8x128xi32, #tpu.memory_space<vmem>> -> memref<1x128xi32, #tpu.memory_space<vmem>>
      %dma_wait3A_321 = tpu.memref_squeeze %dma_wait3A_320 : memref<1x128xi32, #tpu.memory_space<vmem>> -> memref<128xi32, #tpu.memory_space<vmem>>
      %dma_wait3A_322 = arith.constant 0 : i32
      %dma_wait3A_323 = tpu.memref_slice %arg4[%add3A, %add3A_305, %dma_wait3A_322] : memref<32x80x128xi32, #tpu.memory_space<hbm>> -> memref<1x1x128xi32, #tpu.memory_space<hbm>>
      %dma_wait3A_324 = tpu.memref_squeeze %dma_wait3A_323 : memref<1x1x128xi32, #tpu.memory_space<hbm>> -> memref<128xi32, #tpu.memory_space<hbm>>
      %dma_wait3A_325 = arith.constant 0 : i32
      %dma_wait3A_326 = tpu.memref_slice %arg8[%dma_wait3A_318, %dma_wait3A_325] : memref<8x128xi32, #tpu.memory_space<vmem>> -> memref<1x128xi32, #tpu.memory_space<vmem>>
      %dma_wait3A_327 = tpu.memref_squeeze %dma_wait3A_326 : memref<1x128xi32, #tpu.memory_space<vmem>> -> memref<128xi32, #tpu.memory_space<vmem>>
      %dma_wait3A_328 = arith.constant 0 : i32
      %dma_wait3A_329 = tpu.memref_slice %arg4[%add3A, %add3A_305, %dma_wait3A_328] : memref<32x80x128xi32, #tpu.memory_space<hbm>> -> memref<1x1x128xi32, #tpu.memory_space<hbm>>
      %dma_wait3A_330 = tpu.memref_squeeze %dma_wait3A_329 : memref<1x1x128xi32, #tpu.memory_space<hbm>> -> memref<128xi32, #tpu.memory_space<hbm>>
      tpu.wait_dma2 semaphore(%arg16 : memref<!tpu.dma_semaphore, #tpu.memory_space<semaphore_mem>>) src(%dma_wait3A_330 : memref<128xi32, #tpu.memory_space<hbm>>) dst(%dma_wait3A_327 : memref<128xi32, #tpu.memory_space<vmem>>)
      %run_scoped3A_331 = arith.constant 4 : i32
      "tpu.region"() ({
        %run_scoped3A_450 = tpu.sem_alloc : memref<!tpu.dma_semaphore, #tpu.memory_space<semaphore_mem>>
        %dma_start3A_451 = arith.constant 0 : i32
        %dma_start3A_452 = tpu.memref_slice %arg8[%run_scoped3A_331, %dma_start3A_451] : memref<8x128xi32, #tpu.memory_space<vmem>> -> memref<1x128xi32, #tpu.memory_space<vmem>>
        %dma_start3A_453 = tpu.memref_squeeze %dma_start3A_452 : memref<1x128xi32, #tpu.memory_space<vmem>> -> memref<128xi32, #tpu.memory_space<vmem>>
        %dma_start3A_454 = arith.constant 0 : i32
        %dma_start3A_455 = arith.constant 0 : i32
        %dma_start3A_456 = tpu.memref_slice %arg11[%dma_start3A_454, %dma_start3A_455] : memref<10240x128xf32, #tpu.memory_space<vmem_shared>> -> memref<10240x128xf32, #tpu.memory_space<vmem_shared>>
        tpu.enqueue_indirect_dma source(%arg9 : memref<128x128xf32, #tpu.memory_space<vmem>>) target(%dma_start3A_456 : memref<10240x128xf32, #tpu.memory_space<vmem_shared>>) offsets(%dma_start3A_453 : memref<128xi32, #tpu.memory_space<vmem>>) semaphore(%run_scoped3A_450 : memref<!tpu.dma_semaphore, #tpu.memory_space<semaphore_mem>>) {add = true}
        %dma_wait3A_457 = arith.constant 0 : i32
        %dma_wait3A_458 = tpu.memref_slice %arg8[%run_scoped3A_331, %dma_wait3A_457] : memref<8x128xi32, #tpu.memory_space<vmem>> -> memref<1x128xi32, #tpu.memory_space<vmem>>
        %dma_wait3A_459 = tpu.memref_squeeze %dma_wait3A_458 : memref<1x128xi32, #tpu.memory_space<vmem>> -> memref<128xi32, #tpu.memory_space<vmem>>
        %dma_wait3A_460 = arith.constant 0 : i32
        %dma_wait3A_461 = arith.constant 0 : i32
        %dma_wait3A_462 = tpu.memref_slice %arg11[%dma_wait3A_460, %dma_wait3A_461] : memref<10240x128xf32, #tpu.memory_space<vmem_shared>> -> memref<10240x128xf32, #tpu.memory_space<vmem_shared>>
        tpu.wait_indirect_dma semaphore(%run_scoped3A_450 : memref<!tpu.dma_semaphore, #tpu.memory_space<semaphore_mem>>) src(%arg9 : memref<128x128xf32, #tpu.memory_space<vmem>>) dst(%dma_wait3A_462 : memref<10240x128xf32, #tpu.memory_space<vmem_shared>>)
        tpu.yield
      }) : () -> ()
      %add3A_332 = arith.constant 8 : i32
      %add3A_333 = arith.addi %add3A_305, %add3A_332 : i32
      %lt3A_334 = arith.constant 80 : i32
      %lt3A_335 = arith.cmpi slt, %add3A_333, %lt3A_334 : i32
      %convert_element_type3A_336 = arith.extui %lt3A_335 : i1 to i32
      %cond3A_337 = arith.constant 0 : i32
      %cond3A_338 = arith.cmpi ne, %convert_element_type3A_336, %cond3A_337 : i32
      scf.if %cond3A_338 {
        %add3A_450 = arith.constant 8 : i32
        %add3A_451 = arith.addi %add3A_305, %add3A_450 : i32
        %dma_start3A_452 = arith.constant 4 : i32
        %dma_start3A_453 = arith.constant 0 : i32
        %dma_start3A_454 = tpu.memref_slice %arg8[%dma_start3A_452, %dma_start3A_453] : memref<8x128xi32, #tpu.memory_space<vmem>> -> memref<1x128xi32, #tpu.memory_space<vmem>>
        %dma_start3A_455 = tpu.memref_squeeze %dma_start3A_454 : memref<1x128xi32, #tpu.memory_space<vmem>> -> memref<128xi32, #tpu.memory_space<vmem>>
        %dma_start3A_456 = arith.constant 0 : i32
        %dma_start3A_457 = tpu.memref_slice %arg4[%add3A, %add3A_451, %dma_start3A_456] : memref<32x80x128xi32, #tpu.memory_space<hbm>> -> memref<1x1x128xi32, #tpu.memory_space<hbm>>
        %dma_start3A_458 = tpu.memref_squeeze %dma_start3A_457 : memref<1x1x128xi32, #tpu.memory_space<hbm>> -> memref<128xi32, #tpu.memory_space<hbm>>
        %dma_start3A_459 = arith.constant 0 : i32
        %dma_start3A_460 = tpu.memref_slice %arg8[%dma_start3A_452, %dma_start3A_459] : memref<8x128xi32, #tpu.memory_space<vmem>> -> memref<1x128xi32, #tpu.memory_space<vmem>>
        %dma_start3A_461 = tpu.memref_squeeze %dma_start3A_460 : memref<1x128xi32, #tpu.memory_space<vmem>> -> memref<128xi32, #tpu.memory_space<vmem>>
        %dma_start3A_462 = arith.constant 0 : i32
        %dma_start3A_463 = tpu.memref_slice %arg4[%add3A, %add3A_451, %dma_start3A_462] : memref<32x80x128xi32, #tpu.memory_space<hbm>> -> memref<1x1x128xi32, #tpu.memory_space<hbm>>
        %dma_start3A_464 = tpu.memref_squeeze %dma_start3A_463 : memref<1x1x128xi32, #tpu.memory_space<hbm>> -> memref<128xi32, #tpu.memory_space<hbm>>
        tpu.enqueue_dma source(%dma_start3A_464 : memref<128xi32, #tpu.memory_space<hbm>>) target(%dma_start3A_461 : memref<128xi32, #tpu.memory_space<vmem>>) target_semaphore(%arg16 : memref<!tpu.dma_semaphore, #tpu.memory_space<semaphore_mem>>)
      } else {
      }
      %mul3A_339 = arith.constant 8 : i32
      %mul3A_340 = arith.muli %scan3A_158, %mul3A_339 : i32
      %add3A_341 = arith.constant 5 : i32
      %add3A_342 = arith.addi %mul3A_340, %add3A_341 : i32
      %dma_start3A_343 = arith.constant 0 : i32
      %dma_start3A_344 = tpu.memref_slice %arg7[%add3A_342, %dma_start3A_343] : memref<80x128xi32, #tpu.memory_space<vmem>> -> memref<1x128xi32, #tpu.memory_space<vmem>>
      %dma_start3A_345 = tpu.memref_squeeze %dma_start3A_344 : memref<1x128xi32, #tpu.memory_space<vmem>> -> memref<128xi32, #tpu.memory_space<vmem>>
      %dma_start3A_346 = arith.constant 0 : i32
      %dma_start3A_347 = arith.constant 0 : i32
      %dma_start3A_348 = tpu.memref_slice %arg2[%dma_start3A_346, %dma_start3A_347] : memref<10000x128xf32, #tpu.memory_space<hbm>> -> memref<10000x128xf32, #tpu.memory_space<hbm>>
      tpu.enqueue_indirect_dma source(%dma_start3A_348 : memref<10000x128xf32, #tpu.memory_space<hbm>>) target(%arg10 : memref<128x128xf32, #tpu.memory_space<vmem>>) offsets(%dma_start3A_345 : memref<128xi32, #tpu.memory_space<vmem>>) semaphore(%arg21 : memref<!tpu.dma_semaphore, #tpu.memory_space<semaphore_mem>>)
      %dma_wait3A_349 = arith.constant 0 : i32
      %dma_wait3A_350 = tpu.memref_slice %arg7[%add3A_342, %dma_wait3A_349] : memref<80x128xi32, #tpu.memory_space<vmem>> -> memref<1x128xi32, #tpu.memory_space<vmem>>
      %dma_wait3A_351 = tpu.memref_squeeze %dma_wait3A_350 : memref<1x128xi32, #tpu.memory_space<vmem>> -> memref<128xi32, #tpu.memory_space<vmem>>
      %dma_wait3A_352 = arith.constant 0 : i32
      %dma_wait3A_353 = arith.constant 0 : i32
      %dma_wait3A_354 = tpu.memref_slice %arg2[%dma_wait3A_352, %dma_wait3A_353] : memref<10000x128xf32, #tpu.memory_space<hbm>> -> memref<10000x128xf32, #tpu.memory_space<hbm>>
      tpu.wait_indirect_dma semaphore(%arg21 : memref<!tpu.dma_semaphore, #tpu.memory_space<semaphore_mem>>) src(%dma_wait3A_354 : memref<10000x128xf32, #tpu.memory_space<hbm>>) dst(%arg10 : memref<128x128xf32, #tpu.memory_space<vmem>>)
      %dma_wait3A_355 = arith.constant 5 : i32
      %dma_wait3A_356 = arith.constant 0 : i32
      %dma_wait3A_357 = tpu.memref_slice %arg8[%dma_wait3A_355, %dma_wait3A_356] : memref<8x128xi32, #tpu.memory_space<vmem>> -> memref<1x128xi32, #tpu.memory_space<vmem>>
      %dma_wait3A_358 = tpu.memref_squeeze %dma_wait3A_357 : memref<1x128xi32, #tpu.memory_space<vmem>> -> memref<128xi32, #tpu.memory_space<vmem>>
      %dma_wait3A_359 = arith.constant 0 : i32
      %dma_wait3A_360 = tpu.memref_slice %arg4[%add3A, %add3A_342, %dma_wait3A_359] : memref<32x80x128xi32, #tpu.memory_space<hbm>> -> memref<1x1x128xi32, #tpu.memory_space<hbm>>
      %dma_wait3A_361 = tpu.memref_squeeze %dma_wait3A_360 : memref<1x1x128xi32, #tpu.memory_space<hbm>> -> memref<128xi32, #tpu.memory_space<hbm>>
      %dma_wait3A_362 = arith.constant 0 : i32
      %dma_wait3A_363 = tpu.memref_slice %arg8[%dma_wait3A_355, %dma_wait3A_362] : memref<8x128xi32, #tpu.memory_space<vmem>> -> memref<1x128xi32, #tpu.memory_space<vmem>>
      %dma_wait3A_364 = tpu.memref_squeeze %dma_wait3A_363 : memref<1x128xi32, #tpu.memory_space<vmem>> -> memref<128xi32, #tpu.memory_space<vmem>>
      %dma_wait3A_365 = arith.constant 0 : i32
      %dma_wait3A_366 = tpu.memref_slice %arg4[%add3A, %add3A_342, %dma_wait3A_365] : memref<32x80x128xi32, #tpu.memory_space<hbm>> -> memref<1x1x128xi32, #tpu.memory_space<hbm>>
      %dma_wait3A_367 = tpu.memref_squeeze %dma_wait3A_366 : memref<1x1x128xi32, #tpu.memory_space<hbm>> -> memref<128xi32, #tpu.memory_space<hbm>>
      tpu.wait_dma2 semaphore(%arg17 : memref<!tpu.dma_semaphore, #tpu.memory_space<semaphore_mem>>) src(%dma_wait3A_367 : memref<128xi32, #tpu.memory_space<hbm>>) dst(%dma_wait3A_364 : memref<128xi32, #tpu.memory_space<vmem>>)
      %run_scoped3A_368 = arith.constant 5 : i32
      "tpu.region"() ({
        %run_scoped3A_450 = tpu.sem_alloc : memref<!tpu.dma_semaphore, #tpu.memory_space<semaphore_mem>>
        %dma_start3A_451 = arith.constant 0 : i32
        %dma_start3A_452 = tpu.memref_slice %arg8[%run_scoped3A_368, %dma_start3A_451] : memref<8x128xi32, #tpu.memory_space<vmem>> -> memref<1x128xi32, #tpu.memory_space<vmem>>
        %dma_start3A_453 = tpu.memref_squeeze %dma_start3A_452 : memref<1x128xi32, #tpu.memory_space<vmem>> -> memref<128xi32, #tpu.memory_space<vmem>>
        %dma_start3A_454 = arith.constant 0 : i32
        %dma_start3A_455 = arith.constant 0 : i32
        %dma_start3A_456 = tpu.memref_slice %arg11[%dma_start3A_454, %dma_start3A_455] : memref<10240x128xf32, #tpu.memory_space<vmem_shared>> -> memref<10240x128xf32, #tpu.memory_space<vmem_shared>>
        tpu.enqueue_indirect_dma source(%arg10 : memref<128x128xf32, #tpu.memory_space<vmem>>) target(%dma_start3A_456 : memref<10240x128xf32, #tpu.memory_space<vmem_shared>>) offsets(%dma_start3A_453 : memref<128xi32, #tpu.memory_space<vmem>>) semaphore(%run_scoped3A_450 : memref<!tpu.dma_semaphore, #tpu.memory_space<semaphore_mem>>) {add = true}
        %dma_wait3A_457 = arith.constant 0 : i32
        %dma_wait3A_458 = tpu.memref_slice %arg8[%run_scoped3A_368, %dma_wait3A_457] : memref<8x128xi32, #tpu.memory_space<vmem>> -> memref<1x128xi32, #tpu.memory_space<vmem>>
        %dma_wait3A_459 = tpu.memref_squeeze %dma_wait3A_458 : memref<1x128xi32, #tpu.memory_space<vmem>> -> memref<128xi32, #tpu.memory_space<vmem>>
        %dma_wait3A_460 = arith.constant 0 : i32
        %dma_wait3A_461 = arith.constant 0 : i32
        %dma_wait3A_462 = tpu.memref_slice %arg11[%dma_wait3A_460, %dma_wait3A_461] : memref<10240x128xf32, #tpu.memory_space<vmem_shared>> -> memref<10240x128xf32, #tpu.memory_space<vmem_shared>>
        tpu.wait_indirect_dma semaphore(%run_scoped3A_450 : memref<!tpu.dma_semaphore, #tpu.memory_space<semaphore_mem>>) src(%arg10 : memref<128x128xf32, #tpu.memory_space<vmem>>) dst(%dma_wait3A_462 : memref<10240x128xf32, #tpu.memory_space<vmem_shared>>)
        tpu.yield
      }) : () -> ()
      %add3A_369 = arith.constant 8 : i32
      %add3A_370 = arith.addi %add3A_342, %add3A_369 : i32
      %lt3A_371 = arith.constant 80 : i32
      %lt3A_372 = arith.cmpi slt, %add3A_370, %lt3A_371 : i32
      %convert_element_type3A_373 = arith.extui %lt3A_372 : i1 to i32
      %cond3A_374 = arith.constant 0 : i32
      %cond3A_375 = arith.cmpi ne, %convert_element_type3A_373, %cond3A_374 : i32
      scf.if %cond3A_375 {
        %add3A_450 = arith.constant 8 : i32
        %add3A_451 = arith.addi %add3A_342, %add3A_450 : i32
        %dma_start3A_452 = arith.constant 5 : i32
        %dma_start3A_453 = arith.constant 0 : i32
        %dma_start3A_454 = tpu.memref_slice %arg8[%dma_start3A_452, %dma_start3A_453] : memref<8x128xi32, #tpu.memory_space<vmem>> -> memref<1x128xi32, #tpu.memory_space<vmem>>
        %dma_start3A_455 = tpu.memref_squeeze %dma_start3A_454 : memref<1x128xi32, #tpu.memory_space<vmem>> -> memref<128xi32, #tpu.memory_space<vmem>>
        %dma_start3A_456 = arith.constant 0 : i32
        %dma_start3A_457 = tpu.memref_slice %arg4[%add3A, %add3A_451, %dma_start3A_456] : memref<32x80x128xi32, #tpu.memory_space<hbm>> -> memref<1x1x128xi32, #tpu.memory_space<hbm>>
        %dma_start3A_458 = tpu.memref_squeeze %dma_start3A_457 : memref<1x1x128xi32, #tpu.memory_space<hbm>> -> memref<128xi32, #tpu.memory_space<hbm>>
        %dma_start3A_459 = arith.constant 0 : i32
        %dma_start3A_460 = tpu.memref_slice %arg8[%dma_start3A_452, %dma_start3A_459] : memref<8x128xi32, #tpu.memory_space<vmem>> -> memref<1x128xi32, #tpu.memory_space<vmem>>
        %dma_start3A_461 = tpu.memref_squeeze %dma_start3A_460 : memref<1x128xi32, #tpu.memory_space<vmem>> -> memref<128xi32, #tpu.memory_space<vmem>>
        %dma_start3A_462 = arith.constant 0 : i32
        %dma_start3A_463 = tpu.memref_slice %arg4[%add3A, %add3A_451, %dma_start3A_462] : memref<32x80x128xi32, #tpu.memory_space<hbm>> -> memref<1x1x128xi32, #tpu.memory_space<hbm>>
        %dma_start3A_464 = tpu.memref_squeeze %dma_start3A_463 : memref<1x1x128xi32, #tpu.memory_space<hbm>> -> memref<128xi32, #tpu.memory_space<hbm>>
        tpu.enqueue_dma source(%dma_start3A_464 : memref<128xi32, #tpu.memory_space<hbm>>) target(%dma_start3A_461 : memref<128xi32, #tpu.memory_space<vmem>>) target_semaphore(%arg17 : memref<!tpu.dma_semaphore, #tpu.memory_space<semaphore_mem>>)
      } else {
      }
      %mul3A_376 = arith.constant 8 : i32
      %mul3A_377 = arith.muli %scan3A_158, %mul3A_376 : i32
      %add3A_378 = arith.constant 6 : i32
      %add3A_379 = arith.addi %mul3A_377, %add3A_378 : i32
      %dma_start3A_380 = arith.constant 0 : i32
      %dma_start3A_381 = tpu.memref_slice %arg7[%add3A_379, %dma_start3A_380] : memref<80x128xi32, #tpu.memory_space<vmem>> -> memref<1x128xi32, #tpu.memory_space<vmem>>
      %dma_start3A_382 = tpu.memref_squeeze %dma_start3A_381 : memref<1x128xi32, #tpu.memory_space<vmem>> -> memref<128xi32, #tpu.memory_space<vmem>>
      %dma_start3A_383 = arith.constant 0 : i32
      %dma_start3A_384 = arith.constant 0 : i32
      %dma_start3A_385 = tpu.memref_slice %arg2[%dma_start3A_383, %dma_start3A_384] : memref<10000x128xf32, #tpu.memory_space<hbm>> -> memref<10000x128xf32, #tpu.memory_space<hbm>>
      tpu.enqueue_indirect_dma source(%dma_start3A_385 : memref<10000x128xf32, #tpu.memory_space<hbm>>) target(%arg9 : memref<128x128xf32, #tpu.memory_space<vmem>>) offsets(%dma_start3A_382 : memref<128xi32, #tpu.memory_space<vmem>>) semaphore(%arg20 : memref<!tpu.dma_semaphore, #tpu.memory_space<semaphore_mem>>)
      %dma_wait3A_386 = arith.constant 0 : i32
      %dma_wait3A_387 = tpu.memref_slice %arg7[%add3A_379, %dma_wait3A_386] : memref<80x128xi32, #tpu.memory_space<vmem>> -> memref<1x128xi32, #tpu.memory_space<vmem>>
      %dma_wait3A_388 = tpu.memref_squeeze %dma_wait3A_387 : memref<1x128xi32, #tpu.memory_space<vmem>> -> memref<128xi32, #tpu.memory_space<vmem>>
      %dma_wait3A_389 = arith.constant 0 : i32
      %dma_wait3A_390 = arith.constant 0 : i32
      %dma_wait3A_391 = tpu.memref_slice %arg2[%dma_wait3A_389, %dma_wait3A_390] : memref<10000x128xf32, #tpu.memory_space<hbm>> -> memref<10000x128xf32, #tpu.memory_space<hbm>>
      tpu.wait_indirect_dma semaphore(%arg20 : memref<!tpu.dma_semaphore, #tpu.memory_space<semaphore_mem>>) src(%dma_wait3A_391 : memref<10000x128xf32, #tpu.memory_space<hbm>>) dst(%arg9 : memref<128x128xf32, #tpu.memory_space<vmem>>)
      %dma_wait3A_392 = arith.constant 6 : i32
      %dma_wait3A_393 = arith.constant 0 : i32
      %dma_wait3A_394 = tpu.memref_slice %arg8[%dma_wait3A_392, %dma_wait3A_393] : memref<8x128xi32, #tpu.memory_space<vmem>> -> memref<1x128xi32, #tpu.memory_space<vmem>>
      %dma_wait3A_395 = tpu.memref_squeeze %dma_wait3A_394 : memref<1x128xi32, #tpu.memory_space<vmem>> -> memref<128xi32, #tpu.memory_space<vmem>>
      %dma_wait3A_396 = arith.constant 0 : i32
      %dma_wait3A_397 = tpu.memref_slice %arg4[%add3A, %add3A_379, %dma_wait3A_396] : memref<32x80x128xi32, #tpu.memory_space<hbm>> -> memref<1x1x128xi32, #tpu.memory_space<hbm>>
      %dma_wait3A_398 = tpu.memref_squeeze %dma_wait3A_397 : memref<1x1x128xi32, #tpu.memory_space<hbm>> -> memref<128xi32, #tpu.memory_space<hbm>>
      %dma_wait3A_399 = arith.constant 0 : i32
      %dma_wait3A_400 = tpu.memref_slice %arg8[%dma_wait3A_392, %dma_wait3A_399] : memref<8x128xi32, #tpu.memory_space<vmem>> -> memref<1x128xi32, #tpu.memory_space<vmem>>
      %dma_wait3A_401 = tpu.memref_squeeze %dma_wait3A_400 : memref<1x128xi32, #tpu.memory_space<vmem>> -> memref<128xi32, #tpu.memory_space<vmem>>
      %dma_wait3A_402 = arith.constant 0 : i32
      %dma_wait3A_403 = tpu.memref_slice %arg4[%add3A, %add3A_379, %dma_wait3A_402] : memref<32x80x128xi32, #tpu.memory_space<hbm>> -> memref<1x1x128xi32, #tpu.memory_space<hbm>>
      %dma_wait3A_404 = tpu.memref_squeeze %dma_wait3A_403 : memref<1x1x128xi32, #tpu.memory_space<hbm>> -> memref<128xi32, #tpu.memory_space<hbm>>
      tpu.wait_dma2 semaphore(%arg18 : memref<!tpu.dma_semaphore, #tpu.memory_space<semaphore_mem>>) src(%dma_wait3A_404 : memref<128xi32, #tpu.memory_space<hbm>>) dst(%dma_wait3A_401 : memref<128xi32, #tpu.memory_space<vmem>>)
      %run_scoped3A_405 = arith.constant 6 : i32
      "tpu.region"() ({
        %run_scoped3A_450 = tpu.sem_alloc : memref<!tpu.dma_semaphore, #tpu.memory_space<semaphore_mem>>
        %dma_start3A_451 = arith.constant 0 : i32
        %dma_start3A_452 = tpu.memref_slice %arg8[%run_scoped3A_405, %dma_start3A_451] : memref<8x128xi32, #tpu.memory_space<vmem>> -> memref<1x128xi32, #tpu.memory_space<vmem>>
        %dma_start3A_453 = tpu.memref_squeeze %dma_start3A_452 : memref<1x128xi32, #tpu.memory_space<vmem>> -> memref<128xi32, #tpu.memory_space<vmem>>
        %dma_start3A_454 = arith.constant 0 : i32
        %dma_start3A_455 = arith.constant 0 : i32
        %dma_start3A_456 = tpu.memref_slice %arg11[%dma_start3A_454, %dma_start3A_455] : memref<10240x128xf32, #tpu.memory_space<vmem_shared>> -> memref<10240x128xf32, #tpu.memory_space<vmem_shared>>
        tpu.enqueue_indirect_dma source(%arg9 : memref<128x128xf32, #tpu.memory_space<vmem>>) target(%dma_start3A_456 : memref<10240x128xf32, #tpu.memory_space<vmem_shared>>) offsets(%dma_start3A_453 : memref<128xi32, #tpu.memory_space<vmem>>) semaphore(%run_scoped3A_450 : memref<!tpu.dma_semaphore, #tpu.memory_space<semaphore_mem>>) {add = true}
        %dma_wait3A_457 = arith.constant 0 : i32
        %dma_wait3A_458 = tpu.memref_slice %arg8[%run_scoped3A_405, %dma_wait3A_457] : memref<8x128xi32, #tpu.memory_space<vmem>> -> memref<1x128xi32, #tpu.memory_space<vmem>>
        %dma_wait3A_459 = tpu.memref_squeeze %dma_wait3A_458 : memref<1x128xi32, #tpu.memory_space<vmem>> -> memref<128xi32, #tpu.memory_space<vmem>>
        %dma_wait3A_460 = arith.constant 0 : i32
        %dma_wait3A_461 = arith.constant 0 : i32
        %dma_wait3A_462 = tpu.memref_slice %arg11[%dma_wait3A_460, %dma_wait3A_461] : memref<10240x128xf32, #tpu.memory_space<vmem_shared>> -> memref<10240x128xf32, #tpu.memory_space<vmem_shared>>
        tpu.wait_indirect_dma semaphore(%run_scoped3A_450 : memref<!tpu.dma_semaphore, #tpu.memory_space<semaphore_mem>>) src(%arg9 : memref<128x128xf32, #tpu.memory_space<vmem>>) dst(%dma_wait3A_462 : memref<10240x128xf32, #tpu.memory_space<vmem_shared>>)
        tpu.yield
      }) : () -> ()
      %add3A_406 = arith.constant 8 : i32
      %add3A_407 = arith.addi %add3A_379, %add3A_406 : i32
      %lt3A_408 = arith.constant 80 : i32
      %lt3A_409 = arith.cmpi slt, %add3A_407, %lt3A_408 : i32
      %convert_element_type3A_410 = arith.extui %lt3A_409 : i1 to i32
      %cond3A_411 = arith.constant 0 : i32
      %cond3A_412 = arith.cmpi ne, %convert_element_type3A_410, %cond3A_411 : i32
      scf.if %cond3A_412 {
        %add3A_450 = arith.constant 8 : i32
        %add3A_451 = arith.addi %add3A_379, %add3A_450 : i32
        %dma_start3A_452 = arith.constant 6 : i32
        %dma_start3A_453 = arith.constant 0 : i32
        %dma_start3A_454 = tpu.memref_slice %arg8[%dma_start3A_452, %dma_start3A_453] : memref<8x128xi32, #tpu.memory_space<vmem>> -> memref<1x128xi32, #tpu.memory_space<vmem>>
        %dma_start3A_455 = tpu.memref_squeeze %dma_start3A_454 : memref<1x128xi32, #tpu.memory_space<vmem>> -> memref<128xi32, #tpu.memory_space<vmem>>
        %dma_start3A_456 = arith.constant 0 : i32
        %dma_start3A_457 = tpu.memref_slice %arg4[%add3A, %add3A_451, %dma_start3A_456] : memref<32x80x128xi32, #tpu.memory_space<hbm>> -> memref<1x1x128xi32, #tpu.memory_space<hbm>>
        %dma_start3A_458 = tpu.memref_squeeze %dma_start3A_457 : memref<1x1x128xi32, #tpu.memory_space<hbm>> -> memref<128xi32, #tpu.memory_space<hbm>>
        %dma_start3A_459 = arith.constant 0 : i32
        %dma_start3A_460 = tpu.memref_slice %arg8[%dma_start3A_452, %dma_start3A_459] : memref<8x128xi32, #tpu.memory_space<vmem>> -> memref<1x128xi32, #tpu.memory_space<vmem>>
        %dma_start3A_461 = tpu.memref_squeeze %dma_start3A_460 : memref<1x128xi32, #tpu.memory_space<vmem>> -> memref<128xi32, #tpu.memory_space<vmem>>
        %dma_start3A_462 = arith.constant 0 : i32
        %dma_start3A_463 = tpu.memref_slice %arg4[%add3A, %add3A_451, %dma_start3A_462] : memref<32x80x128xi32, #tpu.memory_space<hbm>> -> memref<1x1x128xi32, #tpu.memory_space<hbm>>
        %dma_start3A_464 = tpu.memref_squeeze %dma_start3A_463 : memref<1x1x128xi32, #tpu.memory_space<hbm>> -> memref<128xi32, #tpu.memory_space<hbm>>
        tpu.enqueue_dma source(%dma_start3A_464 : memref<128xi32, #tpu.memory_space<hbm>>) target(%dma_start3A_461 : memref<128xi32, #tpu.memory_space<vmem>>) target_semaphore(%arg18 : memref<!tpu.dma_semaphore, #tpu.memory_space<semaphore_mem>>)
      } else {
      }
      %mul3A_413 = arith.constant 8 : i32
      %mul3A_414 = arith.muli %scan3A_158, %mul3A_413 : i32
      %add3A_415 = arith.constant 7 : i32
      %add3A_416 = arith.addi %mul3A_414, %add3A_415 : i32
      %dma_start3A_417 = arith.constant 0 : i32
      %dma_start3A_418 = tpu.memref_slice %arg7[%add3A_416, %dma_start3A_417] : memref<80x128xi32, #tpu.memory_space<vmem>> -> memref<1x128xi32, #tpu.memory_space<vmem>>
      %dma_start3A_419 = tpu.memref_squeeze %dma_start3A_418 : memref<1x128xi32, #tpu.memory_space<vmem>> -> memref<128xi32, #tpu.memory_space<vmem>>
      %dma_start3A_420 = arith.constant 0 : i32
      %dma_start3A_421 = arith.constant 0 : i32
      %dma_start3A_422 = tpu.memref_slice %arg2[%dma_start3A_420, %dma_start3A_421] : memref<10000x128xf32, #tpu.memory_space<hbm>> -> memref<10000x128xf32, #tpu.memory_space<hbm>>
      tpu.enqueue_indirect_dma source(%dma_start3A_422 : memref<10000x128xf32, #tpu.memory_space<hbm>>) target(%arg10 : memref<128x128xf32, #tpu.memory_space<vmem>>) offsets(%dma_start3A_419 : memref<128xi32, #tpu.memory_space<vmem>>) semaphore(%arg21 : memref<!tpu.dma_semaphore, #tpu.memory_space<semaphore_mem>>)
      %dma_wait3A_423 = arith.constant 0 : i32
      %dma_wait3A_424 = tpu.memref_slice %arg7[%add3A_416, %dma_wait3A_423] : memref<80x128xi32, #tpu.memory_space<vmem>> -> memref<1x128xi32, #tpu.memory_space<vmem>>
      %dma_wait3A_425 = tpu.memref_squeeze %dma_wait3A_424 : memref<1x128xi32, #tpu.memory_space<vmem>> -> memref<128xi32, #tpu.memory_space<vmem>>
      %dma_wait3A_426 = arith.constant 0 : i32
      %dma_wait3A_427 = arith.constant 0 : i32
      %dma_wait3A_428 = tpu.memref_slice %arg2[%dma_wait3A_426, %dma_wait3A_427] : memref<10000x128xf32, #tpu.memory_space<hbm>> -> memref<10000x128xf32, #tpu.memory_space<hbm>>
      tpu.wait_indirect_dma semaphore(%arg21 : memref<!tpu.dma_semaphore, #tpu.memory_space<semaphore_mem>>) src(%dma_wait3A_428 : memref<10000x128xf32, #tpu.memory_space<hbm>>) dst(%arg10 : memref<128x128xf32, #tpu.memory_space<vmem>>)
      %dma_wait3A_429 = arith.constant 7 : i32
      %dma_wait3A_430 = arith.constant 0 : i32
      %dma_wait3A_431 = tpu.memref_slice %arg8[%dma_wait3A_429, %dma_wait3A_430] : memref<8x128xi32, #tpu.memory_space<vmem>> -> memref<1x128xi32, #tpu.memory_space<vmem>>
      %dma_wait3A_432 = tpu.memref_squeeze %dma_wait3A_431 : memref<1x128xi32, #tpu.memory_space<vmem>> -> memref<128xi32, #tpu.memory_space<vmem>>
      %dma_wait3A_433 = arith.constant 0 : i32
      %dma_wait3A_434 = tpu.memref_slice %arg4[%add3A, %add3A_416, %dma_wait3A_433] : memref<32x80x128xi32, #tpu.memory_space<hbm>> -> memref<1x1x128xi32, #tpu.memory_space<hbm>>
      %dma_wait3A_435 = tpu.memref_squeeze %dma_wait3A_434 : memref<1x1x128xi32, #tpu.memory_space<hbm>> -> memref<128xi32, #tpu.memory_space<hbm>>
      %dma_wait3A_436 = arith.constant 0 : i32
      %dma_wait3A_437 = tpu.memref_slice %arg8[%dma_wait3A_429, %dma_wait3A_436] : memref<8x128xi32, #tpu.memory_space<vmem>> -> memref<1x128xi32, #tpu.memory_space<vmem>>
      %dma_wait3A_438 = tpu.memref_squeeze %dma_wait3A_437 : memref<1x128xi32, #tpu.memory_space<vmem>> -> memref<128xi32, #tpu.memory_space<vmem>>
      %dma_wait3A_439 = arith.constant 0 : i32
      %dma_wait3A_440 = tpu.memref_slice %arg4[%add3A, %add3A_416, %dma_wait3A_439] : memref<32x80x128xi32, #tpu.memory_space<hbm>> -> memref<1x1x128xi32, #tpu.memory_space<hbm>>
      %dma_wait3A_441 = tpu.memref_squeeze %dma_wait3A_440 : memref<1x1x128xi32, #tpu.memory_space<hbm>> -> memref<128xi32, #tpu.memory_space<hbm>>
      tpu.wait_dma2 semaphore(%arg19 : memref<!tpu.dma_semaphore, #tpu.memory_space<semaphore_mem>>) src(%dma_wait3A_441 : memref<128xi32, #tpu.memory_space<hbm>>) dst(%dma_wait3A_438 : memref<128xi32, #tpu.memory_space<vmem>>)
      %run_scoped3A_442 = arith.constant 7 : i32
      "tpu.region"() ({
        %run_scoped3A_450 = tpu.sem_alloc : memref<!tpu.dma_semaphore, #tpu.memory_space<semaphore_mem>>
        %dma_start3A_451 = arith.constant 0 : i32
        %dma_start3A_452 = tpu.memref_slice %arg8[%run_scoped3A_442, %dma_start3A_451] : memref<8x128xi32, #tpu.memory_space<vmem>> -> memref<1x128xi32, #tpu.memory_space<vmem>>
        %dma_start3A_453 = tpu.memref_squeeze %dma_start3A_452 : memref<1x128xi32, #tpu.memory_space<vmem>> -> memref<128xi32, #tpu.memory_space<vmem>>
        %dma_start3A_454 = arith.constant 0 : i32
        %dma_start3A_455 = arith.constant 0 : i32
        %dma_start3A_456 = tpu.memref_slice %arg11[%dma_start3A_454, %dma_start3A_455] : memref<10240x128xf32, #tpu.memory_space<vmem_shared>> -> memref<10240x128xf32, #tpu.memory_space<vmem_shared>>
        tpu.enqueue_indirect_dma source(%arg10 : memref<128x128xf32, #tpu.memory_space<vmem>>) target(%dma_start3A_456 : memref<10240x128xf32, #tpu.memory_space<vmem_shared>>) offsets(%dma_start3A_453 : memref<128xi32, #tpu.memory_space<vmem>>) semaphore(%run_scoped3A_450 : memref<!tpu.dma_semaphore, #tpu.memory_space<semaphore_mem>>) {add = true}
        %dma_wait3A_457 = arith.constant 0 : i32
        %dma_wait3A_458 = tpu.memref_slice %arg8[%run_scoped3A_442, %dma_wait3A_457] : memref<8x128xi32, #tpu.memory_space<vmem>> -> memref<1x128xi32, #tpu.memory_space<vmem>>
        %dma_wait3A_459 = tpu.memref_squeeze %dma_wait3A_458 : memref<1x128xi32, #tpu.memory_space<vmem>> -> memref<128xi32, #tpu.memory_space<vmem>>
        %dma_wait3A_460 = arith.constant 0 : i32
        %dma_wait3A_461 = arith.constant 0 : i32
        %dma_wait3A_462 = tpu.memref_slice %arg11[%dma_wait3A_460, %dma_wait3A_461] : memref<10240x128xf32, #tpu.memory_space<vmem_shared>> -> memref<10240x128xf32, #tpu.memory_space<vmem_shared>>
        tpu.wait_indirect_dma semaphore(%run_scoped3A_450 : memref<!tpu.dma_semaphore, #tpu.memory_space<semaphore_mem>>) src(%arg10 : memref<128x128xf32, #tpu.memory_space<vmem>>) dst(%dma_wait3A_462 : memref<10240x128xf32, #tpu.memory_space<vmem_shared>>)
        tpu.yield
      }) : () -> ()
      %add3A_443 = arith.constant 8 : i32
      %add3A_444 = arith.addi %add3A_416, %add3A_443 : i32
      %lt3A_445 = arith.constant 80 : i32
      %lt3A_446 = arith.cmpi slt, %add3A_444, %lt3A_445 : i32
      %convert_element_type3A_447 = arith.extui %lt3A_446 : i1 to i32
      %cond3A_448 = arith.constant 0 : i32
      %cond3A_449 = arith.cmpi ne, %convert_element_type3A_447, %cond3A_448 : i32
      scf.if %cond3A_449 {
        %add3A_450 = arith.constant 8 : i32
        %add3A_451 = arith.addi %add3A_416, %add3A_450 : i32
        %dma_start3A_452 = arith.constant 7 : i32
        %dma_start3A_453 = arith.constant 0 : i32
        %dma_start3A_454 = tpu.memref_slice %arg8[%dma_start3A_452, %dma_start3A_453] : memref<8x128xi32, #tpu.memory_space<vmem>> -> memref<1x128xi32, #tpu.memory_space<vmem>>
        %dma_start3A_455 = tpu.memref_squeeze %dma_start3A_454 : memref<1x128xi32, #tpu.memory_space<vmem>> -> memref<128xi32, #tpu.memory_space<vmem>>
        %dma_start3A_456 = arith.constant 0 : i32
        %dma_start3A_457 = tpu.memref_slice %arg4[%add3A, %add3A_451, %dma_start3A_456] : memref<32x80x128xi32, #tpu.memory_space<hbm>> -> memref<1x1x128xi32, #tpu.memory_space<hbm>>
        %dma_start3A_458 = tpu.memref_squeeze %dma_start3A_457 : memref<1x1x128xi32, #tpu.memory_space<hbm>> -> memref<128xi32, #tpu.memory_space<hbm>>
        %dma_start3A_459 = arith.constant 0 : i32
        %dma_start3A_460 = tpu.memref_slice %arg8[%dma_start3A_452, %dma_start3A_459] : memref<8x128xi32, #tpu.memory_space<vmem>> -> memref<1x128xi32, #tpu.memory_space<vmem>>
        %dma_start3A_461 = tpu.memref_squeeze %dma_start3A_460 : memref<1x128xi32, #tpu.memory_space<vmem>> -> memref<128xi32, #tpu.memory_space<vmem>>
        %dma_start3A_462 = arith.constant 0 : i32
        %dma_start3A_463 = tpu.memref_slice %arg4[%add3A, %add3A_451, %dma_start3A_462] : memref<32x80x128xi32, #tpu.memory_space<hbm>> -> memref<1x1x128xi32, #tpu.memory_space<hbm>>
        %dma_start3A_464 = tpu.memref_squeeze %dma_start3A_463 : memref<1x1x128xi32, #tpu.memory_space<hbm>> -> memref<128xi32, #tpu.memory_space<hbm>>
        tpu.enqueue_dma source(%dma_start3A_464 : memref<128xi32, #tpu.memory_space<hbm>>) target(%dma_start3A_461 : memref<128xi32, #tpu.memory_space<vmem>>) target_semaphore(%arg19 : memref<!tpu.dma_semaphore, #tpu.memory_space<semaphore_mem>>)
      } else {
      }
    }
    %scan3A_136 = arith.constant 10 : i32
    %barrier3A_137 = arith.constant 0 : index
    tpu.barrier barrier_id(%barrier3A_137)
    %mul3A_138 = arith.constant 640 : i32
    %mul3A_139 = arith.muli %arg1, %mul3A_138 : i32
    %add3A_140 = arith.constant 0 : i32
    %add3A_141 = arith.addi %mul3A_139, %add3A_140 : i32
    "tpu.region"() ({
      %run_scoped3A = tpu.sem_alloc : memref<!tpu.dma_semaphore, #tpu.memory_space<semaphore_mem>>
      %dma_start3A_158 = arith.constant 0 : i32
      %dma_start3A_159 = tpu.memref_slice %arg11[%add3A_141, %dma_start3A_158] : memref<10240x128xf32, #tpu.memory_space<vmem_shared>> -> memref<128x128xf32, #tpu.memory_space<vmem_shared>>
      %dma_start3A_160 = arith.constant 0 : i32
      %dma_start3A_161 = tpu.memref_slice %arg11[%add3A_141, %dma_start3A_160] : memref<10240x128xf32, #tpu.memory_space<vmem_shared>> -> memref<128x128xf32, #tpu.memory_space<vmem_shared>>
      tpu.enqueue_dma source(%dma_start3A_161 : memref<128x128xf32, #tpu.memory_space<vmem_shared>>) target(%arg9 : memref<128x128xf32, #tpu.memory_space<vmem>>) target_semaphore(%run_scoped3A : memref<!tpu.dma_semaphore, #tpu.memory_space<semaphore_mem>>)
      %dma_wait3A = arith.constant 0 : i32
      %dma_wait3A_162 = tpu.memref_slice %arg11[%add3A_141, %dma_wait3A] : memref<10240x128xf32, #tpu.memory_space<vmem_shared>> -> memref<128x128xf32, #tpu.memory_space<vmem_shared>>
      %dma_wait3A_163 = arith.constant 0 : i32
      %dma_wait3A_164 = tpu.memref_slice %arg11[%add3A_141, %dma_wait3A_163] : memref<10240x128xf32, #tpu.memory_space<vmem_shared>> -> memref<128x128xf32, #tpu.memory_space<vmem_shared>>
      tpu.wait_dma2 semaphore(%run_scoped3A : memref<!tpu.dma_semaphore, #tpu.memory_space<semaphore_mem>>) src(%dma_wait3A_164 : memref<128x128xf32, #tpu.memory_space<vmem_shared>>) dst(%arg9 : memref<128x128xf32, #tpu.memory_space<vmem>>)
      tpu.yield
    }) : () -> ()
    "tpu.region"() ({
      %run_scoped3A = tpu.sem_alloc : memref<!tpu.dma_semaphore, #tpu.memory_space<semaphore_mem>>
      %dma_start3A_158 = arith.constant 0 : i32
      %dma_start3A_159 = tpu.memref_slice %arg6[%arg0, %add3A_141, %dma_start3A_158] : memref<2x10240x128xf32, #tpu.memory_space<hbm>> -> memref<1x128x128xf32, #tpu.memory_space<hbm>>
      %dma_start3A_160 = tpu.memref_squeeze %dma_start3A_159 : memref<1x128x128xf32, #tpu.memory_space<hbm>> -> memref<128x128xf32, #tpu.memory_space<hbm>>
      %dma_start3A_161 = arith.constant 0 : i32
      %dma_start3A_162 = tpu.memref_slice %arg6[%arg0, %add3A_141, %dma_start3A_161] : memref<2x10240x128xf32, #tpu.memory_space<hbm>> -> memref<1x128x128xf32, #tpu.memory_space<hbm>>
      %dma_start3A_163 = tpu.memref_squeeze %dma_start3A_162 : memref<1x128x128xf32, #tpu.memory_space<hbm>> -> memref<128x128xf32, #tpu.memory_space<hbm>>
      tpu.enqueue_dma source(%arg9 : memref<128x128xf32, #tpu.memory_space<vmem>>) target(%dma_start3A_163 : memref<128x128xf32, #tpu.memory_space<hbm>>) target_semaphore(%run_scoped3A : memref<!tpu.dma_semaphore, #tpu.memory_space<semaphore_mem>>)
      %dma_wait3A = arith.constant 0 : i32
      %dma_wait3A_164 = tpu.memref_slice %arg6[%arg0, %add3A_141, %dma_wait3A] : memref<2x10240x128xf32, #tpu.memory_space<hbm>> -> memref<1x128x128xf32, #tpu.memory_space<hbm>>
      %dma_wait3A_165 = tpu.memref_squeeze %dma_wait3A_164 : memref<1x128x128xf32, #tpu.memory_space<hbm>> -> memref<128x128xf32, #tpu.memory_space<hbm>>
      %dma_wait3A_166 = arith.constant 0 : i32
      %dma_wait3A_167 = tpu.memref_slice %arg6[%arg0, %add3A_141, %dma_wait3A_166] : memref<2x10240x128xf32, #tpu.memory_space<hbm>> -> memref<1x128x128xf32, #tpu.memory_space<hbm>>
      %dma_wait3A_168 = tpu.memref_squeeze %dma_wait3A_167 : memref<1x128x128xf32, #tpu.memory_space<hbm>> -> memref<128x128xf32, #tpu.memory_space<hbm>>
      tpu.wait_dma2 semaphore(%run_scoped3A : memref<!tpu.dma_semaphore, #tpu.memory_space<semaphore_mem>>) src(%arg9 : memref<128x128xf32, #tpu.memory_space<vmem>>) dst(%dma_wait3A_168 : memref<128x128xf32, #tpu.memory_space<hbm>>)
      tpu.yield
    }) : () -> ()
    %mul3A_142 = arith.constant 640 : i32
    %mul3A_143 = arith.muli %arg1, %mul3A_142 : i32
    %add3A_144 = arith.constant 128 : i32
    %add3A_145 = arith.addi %mul3A_143, %add3A_144 : i32
    "tpu.region"() ({
      %run_scoped3A = tpu.sem_alloc : memref<!tpu.dma_semaphore, #tpu.memory_space<semaphore_mem>>
      %dma_start3A_158 = arith.constant 0 : i32
      %dma_start3A_159 = tpu.memref_slice %arg11[%add3A_145, %dma_start3A_158] : memref<10240x128xf32, #tpu.memory_space<vmem_shared>> -> memref<128x128xf32, #tpu.memory_space<vmem_shared>>
      %dma_start3A_160 = arith.constant 0 : i32
      %dma_start3A_161 = tpu.memref_slice %arg11[%add3A_145, %dma_start3A_160] : memref<10240x128xf32, #tpu.memory_space<vmem_shared>> -> memref<128x128xf32, #tpu.memory_space<vmem_shared>>
      tpu.enqueue_dma source(%dma_start3A_161 : memref<128x128xf32, #tpu.memory_space<vmem_shared>>) target(%arg9 : memref<128x128xf32, #tpu.memory_space<vmem>>) target_semaphore(%run_scoped3A : memref<!tpu.dma_semaphore, #tpu.memory_space<semaphore_mem>>)
      %dma_wait3A = arith.constant 0 : i32
      %dma_wait3A_162 = tpu.memref_slice %arg11[%add3A_145, %dma_wait3A] : memref<10240x128xf32, #tpu.memory_space<vmem_shared>> -> memref<128x128xf32, #tpu.memory_space<vmem_shared>>
      %dma_wait3A_163 = arith.constant 0 : i32
      %dma_wait3A_164 = tpu.memref_slice %arg11[%add3A_145, %dma_wait3A_163] : memref<10240x128xf32, #tpu.memory_space<vmem_shared>> -> memref<128x128xf32, #tpu.memory_space<vmem_shared>>
      tpu.wait_dma2 semaphore(%run_scoped3A : memref<!tpu.dma_semaphore, #tpu.memory_space<semaphore_mem>>) src(%dma_wait3A_164 : memref<128x128xf32, #tpu.memory_space<vmem_shared>>) dst(%arg9 : memref<128x128xf32, #tpu.memory_space<vmem>>)
      tpu.yield
    }) : () -> ()
    "tpu.region"() ({
      %run_scoped3A = tpu.sem_alloc : memref<!tpu.dma_semaphore, #tpu.memory_space<semaphore_mem>>
      %dma_start3A_158 = arith.constant 0 : i32
      %dma_start3A_159 = tpu.memref_slice %arg6[%arg0, %add3A_145, %dma_start3A_158] : memref<2x10240x128xf32, #tpu.memory_space<hbm>> -> memref<1x128x128xf32, #tpu.memory_space<hbm>>
      %dma_start3A_160 = tpu.memref_squeeze %dma_start3A_159 : memref<1x128x128xf32, #tpu.memory_space<hbm>> -> memref<128x128xf32, #tpu.memory_space<hbm>>
      %dma_start3A_161 = arith.constant 0 : i32
      %dma_start3A_162 = tpu.memref_slice %arg6[%arg0, %add3A_145, %dma_start3A_161] : memref<2x10240x128xf32, #tpu.memory_space<hbm>> -> memref<1x128x128xf32, #tpu.memory_space<hbm>>
      %dma_start3A_163 = tpu.memref_squeeze %dma_start3A_162 : memref<1x128x128xf32, #tpu.memory_space<hbm>> -> memref<128x128xf32, #tpu.memory_space<hbm>>
      tpu.enqueue_dma source(%arg9 : memref<128x128xf32, #tpu.memory_space<vmem>>) target(%dma_start3A_163 : memref<128x128xf32, #tpu.memory_space<hbm>>) target_semaphore(%run_scoped3A : memref<!tpu.dma_semaphore, #tpu.memory_space<semaphore_mem>>)
      %dma_wait3A = arith.constant 0 : i32
      %dma_wait3A_164 = tpu.memref_slice %arg6[%arg0, %add3A_145, %dma_wait3A] : memref<2x10240x128xf32, #tpu.memory_space<hbm>> -> memref<1x128x128xf32, #tpu.memory_space<hbm>>
      %dma_wait3A_165 = tpu.memref_squeeze %dma_wait3A_164 : memref<1x128x128xf32, #tpu.memory_space<hbm>> -> memref<128x128xf32, #tpu.memory_space<hbm>>
      %dma_wait3A_166 = arith.constant 0 : i32
      %dma_wait3A_167 = tpu.memref_slice %arg6[%arg0, %add3A_145, %dma_wait3A_166] : memref<2x10240x128xf32, #tpu.memory_space<hbm>> -> memref<1x128x128xf32, #tpu.memory_space<hbm>>
      %dma_wait3A_168 = tpu.memref_squeeze %dma_wait3A_167 : memref<1x128x128xf32, #tpu.memory_space<hbm>> -> memref<128x128xf32, #tpu.memory_space<hbm>>
      tpu.wait_dma2 semaphore(%run_scoped3A : memref<!tpu.dma_semaphore, #tpu.memory_space<semaphore_mem>>) src(%arg9 : memref<128x128xf32, #tpu.memory_space<vmem>>) dst(%dma_wait3A_168 : memref<128x128xf32, #tpu.memory_space<hbm>>)
      tpu.yield
    }) : () -> ()
    %mul3A_146 = arith.constant 640 : i32
    %mul3A_147 = arith.muli %arg1, %mul3A_146 : i32
    %add3A_148 = arith.constant 256 : i32
    %add3A_149 = arith.addi %mul3A_147, %add3A_148 : i32
    "tpu.region"() ({
      %run_scoped3A = tpu.sem_alloc : memref<!tpu.dma_semaphore, #tpu.memory_space<semaphore_mem>>
      %dma_start3A_158 = arith.constant 0 : i32
      %dma_start3A_159 = tpu.memref_slice %arg11[%add3A_149, %dma_start3A_158] : memref<10240x128xf32, #tpu.memory_space<vmem_shared>> -> memref<128x128xf32, #tpu.memory_space<vmem_shared>>
      %dma_start3A_160 = arith.constant 0 : i32
      %dma_start3A_161 = tpu.memref_slice %arg11[%add3A_149, %dma_start3A_160] : memref<10240x128xf32, #tpu.memory_space<vmem_shared>> -> memref<128x128xf32, #tpu.memory_space<vmem_shared>>
      tpu.enqueue_dma source(%dma_start3A_161 : memref<128x128xf32, #tpu.memory_space<vmem_shared>>) target(%arg9 : memref<128x128xf32, #tpu.memory_space<vmem>>) target_semaphore(%run_scoped3A : memref<!tpu.dma_semaphore, #tpu.memory_space<semaphore_mem>>)
      %dma_wait3A = arith.constant 0 : i32
      %dma_wait3A_162 = tpu.memref_slice %arg11[%add3A_149, %dma_wait3A] : memref<10240x128xf32, #tpu.memory_space<vmem_shared>> -> memref<128x128xf32, #tpu.memory_space<vmem_shared>>
      %dma_wait3A_163 = arith.constant 0 : i32
      %dma_wait3A_164 = tpu.memref_slice %arg11[%add3A_149, %dma_wait3A_163] : memref<10240x128xf32, #tpu.memory_space<vmem_shared>> -> memref<128x128xf32, #tpu.memory_space<vmem_shared>>
      tpu.wait_dma2 semaphore(%run_scoped3A : memref<!tpu.dma_semaphore, #tpu.memory_space<semaphore_mem>>) src(%dma_wait3A_164 : memref<128x128xf32, #tpu.memory_space<vmem_shared>>) dst(%arg9 : memref<128x128xf32, #tpu.memory_space<vmem>>)
      tpu.yield
    }) : () -> ()
    "tpu.region"() ({
      %run_scoped3A = tpu.sem_alloc : memref<!tpu.dma_semaphore, #tpu.memory_space<semaphore_mem>>
      %dma_start3A_158 = arith.constant 0 : i32
      %dma_start3A_159 = tpu.memref_slice %arg6[%arg0, %add3A_149, %dma_start3A_158] : memref<2x10240x128xf32, #tpu.memory_space<hbm>> -> memref<1x128x128xf32, #tpu.memory_space<hbm>>
      %dma_start3A_160 = tpu.memref_squeeze %dma_start3A_159 : memref<1x128x128xf32, #tpu.memory_space<hbm>> -> memref<128x128xf32, #tpu.memory_space<hbm>>
      %dma_start3A_161 = arith.constant 0 : i32
      %dma_start3A_162 = tpu.memref_slice %arg6[%arg0, %add3A_149, %dma_start3A_161] : memref<2x10240x128xf32, #tpu.memory_space<hbm>> -> memref<1x128x128xf32, #tpu.memory_space<hbm>>
      %dma_start3A_163 = tpu.memref_squeeze %dma_start3A_162 : memref<1x128x128xf32, #tpu.memory_space<hbm>> -> memref<128x128xf32, #tpu.memory_space<hbm>>
      tpu.enqueue_dma source(%arg9 : memref<128x128xf32, #tpu.memory_space<vmem>>) target(%dma_start3A_163 : memref<128x128xf32, #tpu.memory_space<hbm>>) target_semaphore(%run_scoped3A : memref<!tpu.dma_semaphore, #tpu.memory_space<semaphore_mem>>)
      %dma_wait3A = arith.constant 0 : i32
      %dma_wait3A_164 = tpu.memref_slice %arg6[%arg0, %add3A_149, %dma_wait3A] : memref<2x10240x128xf32, #tpu.memory_space<hbm>> -> memref<1x128x128xf32, #tpu.memory_space<hbm>>
      %dma_wait3A_165 = tpu.memref_squeeze %dma_wait3A_164 : memref<1x128x128xf32, #tpu.memory_space<hbm>> -> memref<128x128xf32, #tpu.memory_space<hbm>>
      %dma_wait3A_166 = arith.constant 0 : i32
      %dma_wait3A_167 = tpu.memref_slice %arg6[%arg0, %add3A_149, %dma_wait3A_166] : memref<2x10240x128xf32, #tpu.memory_space<hbm>> -> memref<1x128x128xf32, #tpu.memory_space<hbm>>
      %dma_wait3A_168 = tpu.memref_squeeze %dma_wait3A_167 : memref<1x128x128xf32, #tpu.memory_space<hbm>> -> memref<128x128xf32, #tpu.memory_space<hbm>>
      tpu.wait_dma2 semaphore(%run_scoped3A : memref<!tpu.dma_semaphore, #tpu.memory_space<semaphore_mem>>) src(%arg9 : memref<128x128xf32, #tpu.memory_space<vmem>>) dst(%dma_wait3A_168 : memref<128x128xf32, #tpu.memory_space<hbm>>)
      tpu.yield
    }) : () -> ()
    %mul3A_150 = arith.constant 640 : i32
    %mul3A_151 = arith.muli %arg1, %mul3A_150 : i32
    %add3A_152 = arith.constant 384 : i32
    %add3A_153 = arith.addi %mul3A_151, %add3A_152 : i32
    "tpu.region"() ({
      %run_scoped3A = tpu.sem_alloc : memref<!tpu.dma_semaphore, #tpu.memory_space<semaphore_mem>>
      %dma_start3A_158 = arith.constant 0 : i32
      %dma_start3A_159 = tpu.memref_slice %arg11[%add3A_153, %dma_start3A_158] : memref<10240x128xf32, #tpu.memory_space<vmem_shared>> -> memref<128x128xf32, #tpu.memory_space<vmem_shared>>
      %dma_start3A_160 = arith.constant 0 : i32
      %dma_start3A_161 = tpu.memref_slice %arg11[%add3A_153, %dma_start3A_160] : memref<10240x128xf32, #tpu.memory_space<vmem_shared>> -> memref<128x128xf32, #tpu.memory_space<vmem_shared>>
      tpu.enqueue_dma source(%dma_start3A_161 : memref<128x128xf32, #tpu.memory_space<vmem_shared>>) target(%arg9 : memref<128x128xf32, #tpu.memory_space<vmem>>) target_semaphore(%run_scoped3A : memref<!tpu.dma_semaphore, #tpu.memory_space<semaphore_mem>>)
      %dma_wait3A = arith.constant 0 : i32
      %dma_wait3A_162 = tpu.memref_slice %arg11[%add3A_153, %dma_wait3A] : memref<10240x128xf32, #tpu.memory_space<vmem_shared>> -> memref<128x128xf32, #tpu.memory_space<vmem_shared>>
      %dma_wait3A_163 = arith.constant 0 : i32
      %dma_wait3A_164 = tpu.memref_slice %arg11[%add3A_153, %dma_wait3A_163] : memref<10240x128xf32, #tpu.memory_space<vmem_shared>> -> memref<128x128xf32, #tpu.memory_space<vmem_shared>>
      tpu.wait_dma2 semaphore(%run_scoped3A : memref<!tpu.dma_semaphore, #tpu.memory_space<semaphore_mem>>) src(%dma_wait3A_164 : memref<128x128xf32, #tpu.memory_space<vmem_shared>>) dst(%arg9 : memref<128x128xf32, #tpu.memory_space<vmem>>)
      tpu.yield
    }) : () -> ()
    "tpu.region"() ({
      %run_scoped3A = tpu.sem_alloc : memref<!tpu.dma_semaphore, #tpu.memory_space<semaphore_mem>>
      %dma_start3A_158 = arith.constant 0 : i32
      %dma_start3A_159 = tpu.memref_slice %arg6[%arg0, %add3A_153, %dma_start3A_158] : memref<2x10240x128xf32, #tpu.memory_space<hbm>> -> memref<1x128x128xf32, #tpu.memory_space<hbm>>
      %dma_start3A_160 = tpu.memref_squeeze %dma_start3A_159 : memref<1x128x128xf32, #tpu.memory_space<hbm>> -> memref<128x128xf32, #tpu.memory_space<hbm>>
      %dma_start3A_161 = arith.constant 0 : i32
      %dma_start3A_162 = tpu.memref_slice %arg6[%arg0, %add3A_153, %dma_start3A_161] : memref<2x10240x128xf32, #tpu.memory_space<hbm>> -> memref<1x128x128xf32, #tpu.memory_space<hbm>>
      %dma_start3A_163 = tpu.memref_squeeze %dma_start3A_162 : memref<1x128x128xf32, #tpu.memory_space<hbm>> -> memref<128x128xf32, #tpu.memory_space<hbm>>
      tpu.enqueue_dma source(%arg9 : memref<128x128xf32, #tpu.memory_space<vmem>>) target(%dma_start3A_163 : memref<128x128xf32, #tpu.memory_space<hbm>>) target_semaphore(%run_scoped3A : memref<!tpu.dma_semaphore, #tpu.memory_space<semaphore_mem>>)
      %dma_wait3A = arith.constant 0 : i32
      %dma_wait3A_164 = tpu.memref_slice %arg6[%arg0, %add3A_153, %dma_wait3A] : memref<2x10240x128xf32, #tpu.memory_space<hbm>> -> memref<1x128x128xf32, #tpu.memory_space<hbm>>
      %dma_wait3A_165 = tpu.memref_squeeze %dma_wait3A_164 : memref<1x128x128xf32, #tpu.memory_space<hbm>> -> memref<128x128xf32, #tpu.memory_space<hbm>>
      %dma_wait3A_166 = arith.constant 0 : i32
      %dma_wait3A_167 = tpu.memref_slice %arg6[%arg0, %add3A_153, %dma_wait3A_166] : memref<2x10240x128xf32, #tpu.memory_space<hbm>> -> memref<1x128x128xf32, #tpu.memory_space<hbm>>
      %dma_wait3A_168 = tpu.memref_squeeze %dma_wait3A_167 : memref<1x128x128xf32, #tpu.memory_space<hbm>> -> memref<128x128xf32, #tpu.memory_space<hbm>>
      tpu.wait_dma2 semaphore(%run_scoped3A : memref<!tpu.dma_semaphore, #tpu.memory_space<semaphore_mem>>) src(%arg9 : memref<128x128xf32, #tpu.memory_space<vmem>>) dst(%dma_wait3A_168 : memref<128x128xf32, #tpu.memory_space<hbm>>)
      tpu.yield
    }) : () -> ()
    %mul3A_154 = arith.constant 640 : i32
    %mul3A_155 = arith.muli %arg1, %mul3A_154 : i32
    %add3A_156 = arith.constant 512 : i32
    %add3A_157 = arith.addi %mul3A_155, %add3A_156 : i32
    "tpu.region"() ({
      %run_scoped3A = tpu.sem_alloc : memref<!tpu.dma_semaphore, #tpu.memory_space<semaphore_mem>>
      %dma_start3A_158 = arith.constant 0 : i32
      %dma_start3A_159 = tpu.memref_slice %arg11[%add3A_157, %dma_start3A_158] : memref<10240x128xf32, #tpu.memory_space<vmem_shared>> -> memref<128x128xf32, #tpu.memory_space<vmem_shared>>
      %dma_start3A_160 = arith.constant 0 : i32
      %dma_start3A_161 = tpu.memref_slice %arg11[%add3A_157, %dma_start3A_160] : memref<10240x128xf32, #tpu.memory_space<vmem_shared>> -> memref<128x128xf32, #tpu.memory_space<vmem_shared>>
      tpu.enqueue_dma source(%dma_start3A_161 : memref<128x128xf32, #tpu.memory_space<vmem_shared>>) target(%arg9 : memref<128x128xf32, #tpu.memory_space<vmem>>) target_semaphore(%run_scoped3A : memref<!tpu.dma_semaphore, #tpu.memory_space<semaphore_mem>>)
      %dma_wait3A = arith.constant 0 : i32
      %dma_wait3A_162 = tpu.memref_slice %arg11[%add3A_157, %dma_wait3A] : memref<10240x128xf32, #tpu.memory_space<vmem_shared>> -> memref<128x128xf32, #tpu.memory_space<vmem_shared>>
      %dma_wait3A_163 = arith.constant 0 : i32
      %dma_wait3A_164 = tpu.memref_slice %arg11[%add3A_157, %dma_wait3A_163] : memref<10240x128xf32, #tpu.memory_space<vmem_shared>> -> memref<128x128xf32, #tpu.memory_space<vmem_shared>>
      tpu.wait_dma2 semaphore(%run_scoped3A : memref<!tpu.dma_semaphore, #tpu.memory_space<semaphore_mem>>) src(%dma_wait3A_164 : memref<128x128xf32, #tpu.memory_space<vmem_shared>>) dst(%arg9 : memref<128x128xf32, #tpu.memory_space<vmem>>)
      tpu.yield
    }) : () -> ()
    "tpu.region"() ({
      %run_scoped3A = tpu.sem_alloc : memref<!tpu.dma_semaphore, #tpu.memory_space<semaphore_mem>>
      %dma_start3A_158 = arith.constant 0 : i32
      %dma_start3A_159 = tpu.memref_slice %arg6[%arg0, %add3A_157, %dma_start3A_158] : memref<2x10240x128xf32, #tpu.memory_space<hbm>> -> memref<1x128x128xf32, #tpu.memory_space<hbm>>
      %dma_start3A_160 = tpu.memref_squeeze %dma_start3A_159 : memref<1x128x128xf32, #tpu.memory_space<hbm>> -> memref<128x128xf32, #tpu.memory_space<hbm>>
      %dma_start3A_161 = arith.constant 0 : i32
      %dma_start3A_162 = tpu.memref_slice %arg6[%arg0, %add3A_157, %dma_start3A_161] : memref<2x10240x128xf32, #tpu.memory_space<hbm>> -> memref<1x128x128xf32, #tpu.memory_space<hbm>>
      %dma_start3A_163 = tpu.memref_squeeze %dma_start3A_162 : memref<1x128x128xf32, #tpu.memory_space<hbm>> -> memref<128x128xf32, #tpu.memory_space<hbm>>
      tpu.enqueue_dma source(%arg9 : memref<128x128xf32, #tpu.memory_space<vmem>>) target(%dma_start3A_163 : memref<128x128xf32, #tpu.memory_space<hbm>>) target_semaphore(%run_scoped3A : memref<!tpu.dma_semaphore, #tpu.memory_space<semaphore_mem>>)
      %dma_wait3A = arith.constant 0 : i32
      %dma_wait3A_164 = tpu.memref_slice %arg6[%arg0, %add3A_157, %dma_wait3A] : memref<2x10240x128xf32, #tpu.memory_space<hbm>> -> memref<1x128x128xf32, #tpu.memory_space<hbm>>
      %dma_wait3A_165 = tpu.memref_squeeze %dma_wait3A_164 : memref<1x128x128xf32, #tpu.memory_space<hbm>> -> memref<128x128xf32, #tpu.memory_space<hbm>>
      %dma_wait3A_166 = arith.constant 0 : i32
      %dma_wait3A_167 = tpu.memref_slice %arg6[%arg0, %add3A_157, %dma_wait3A_166] : memref<2x10240x128xf32, #tpu.memory_space<hbm>> -> memref<1x128x128xf32, #tpu.memory_space<hbm>>
      %dma_wait3A_168 = tpu.memref_squeeze %dma_wait3A_167 : memref<1x128x128xf32, #tpu.memory_space<hbm>> -> memref<128x128xf32, #tpu.memory_space<hbm>>
      tpu.wait_dma2 semaphore(%run_scoped3A : memref<!tpu.dma_semaphore, #tpu.memory_space<semaphore_mem>>) src(%arg9 : memref<128x128xf32, #tpu.memory_space<vmem>>) dst(%dma_wait3A_168 : memref<128x128xf32, #tpu.memory_space<hbm>>)
      tpu.yield
    }) : () -> ()
    return
  }
}

#map = affine_map<(d0, d1) -> (0)>
#map1 = affine_map<(d0, d1) -> (0, 0, 0)>
#map2 = affine_map<(d0, d1) -> (0, 0)>
module attributes {stable_mosaic.version = 14 : i64} {
  func.func @body(%arg0: i32, %arg1: i32, %arg2: memref<10240xi32, #tpu.memory_space<hbm>>, %arg3: memref<32x80x128xi32, #tpu.memory_space<hbm>>, %arg4: memref<32x80x128xi32, #tpu.memory_space<hbm>>, %arg5: memref<40960xf32, #tpu.memory_space<hbm>>, %arg6: memref<2x655360xf32, #tpu.memory_space<hbm>>, %arg7: memref<80x128xi32, #tpu.memory_space<vmem>>, %arg8: memref<80x128xi32, #tpu.memory_space<vmem>>, %arg9: memref<80x128xi32, #tpu.memory_space<vmem>>, %arg10: memref<128xf32, #tpu.memory_space<vmem>>, %arg11: memref<40960xf32, #tpu.memory_space<vmem>>, %arg12: memref<655360xf32, #tpu.memory_space<vmem_shared>>, %arg13: memref<!tpu.dma_semaphore, #tpu.memory_space<semaphore_mem>>) attributes {dimension_semantics = [#tpu.dimension_semantics<core_parallel>, #tpu.dimension_semantics<subcore_parallel>], iteration_bounds = array<i64: 2, 16>, scalar_prefetch = 0 : i64, scratch_operands = 7 : i64, tpu.core_type = #tpu.core_type<sc_vector_subcore>, window_params = [{transform_indices = #map}, {transform_indices = #map1}, {transform_indices = #map1}, {transform_indices = #map}, {transform_indices = #map2}]} {
    %mul3A = arith.constant 2 : i32
    %mul3A_0 = arith.muli %arg1, %mul3A : i32
    %add3A = arith.addi %mul3A_0, %arg0 : i32
    "tpu.region"() ({
      %run_scoped3A = tpu.sem_alloc : memref<!tpu.dma_semaphore, #tpu.memory_space<semaphore_mem>>
      %dma_start3A = arith.constant 0 : i32
      %dma_start3A_83 = arith.constant 0 : i32
      %dma_start3A_84 = tpu.memref_slice %arg3[%add3A, %dma_start3A, %dma_start3A_83] : memref<32x80x128xi32, #tpu.memory_space<hbm>> -> memref<1x80x128xi32, #tpu.memory_space<hbm>>
      %dma_start3A_85 = tpu.memref_squeeze %dma_start3A_84 : memref<1x80x128xi32, #tpu.memory_space<hbm>> -> memref<80x128xi32, #tpu.memory_space<hbm>>
      %dma_start3A_86 = arith.constant 0 : i32
      %dma_start3A_87 = arith.constant 0 : i32
      %dma_start3A_88 = tpu.memref_slice %arg3[%add3A, %dma_start3A_86, %dma_start3A_87] : memref<32x80x128xi32, #tpu.memory_space<hbm>> -> memref<1x80x128xi32, #tpu.memory_space<hbm>>
      %dma_start3A_89 = tpu.memref_squeeze %dma_start3A_88 : memref<1x80x128xi32, #tpu.memory_space<hbm>> -> memref<80x128xi32, #tpu.memory_space<hbm>>
      tpu.enqueue_dma source(%dma_start3A_89 : memref<80x128xi32, #tpu.memory_space<hbm>>) target(%arg7 : memref<80x128xi32, #tpu.memory_space<vmem>>) target_semaphore(%run_scoped3A : memref<!tpu.dma_semaphore, #tpu.memory_space<semaphore_mem>>)
      %dma_wait3A = arith.constant 0 : i32
      %dma_wait3A_90 = arith.constant 0 : i32
      %dma_wait3A_91 = tpu.memref_slice %arg3[%add3A, %dma_wait3A, %dma_wait3A_90] : memref<32x80x128xi32, #tpu.memory_space<hbm>> -> memref<1x80x128xi32, #tpu.memory_space<hbm>>
      %dma_wait3A_92 = tpu.memref_squeeze %dma_wait3A_91 : memref<1x80x128xi32, #tpu.memory_space<hbm>> -> memref<80x128xi32, #tpu.memory_space<hbm>>
      %dma_wait3A_93 = arith.constant 0 : i32
      %dma_wait3A_94 = arith.constant 0 : i32
      %dma_wait3A_95 = tpu.memref_slice %arg3[%add3A, %dma_wait3A_93, %dma_wait3A_94] : memref<32x80x128xi32, #tpu.memory_space<hbm>> -> memref<1x80x128xi32, #tpu.memory_space<hbm>>
      %dma_wait3A_96 = tpu.memref_squeeze %dma_wait3A_95 : memref<1x80x128xi32, #tpu.memory_space<hbm>> -> memref<80x128xi32, #tpu.memory_space<hbm>>
      tpu.wait_dma2 semaphore(%run_scoped3A : memref<!tpu.dma_semaphore, #tpu.memory_space<semaphore_mem>>) src(%dma_wait3A_96 : memref<80x128xi32, #tpu.memory_space<hbm>>) dst(%arg7 : memref<80x128xi32, #tpu.memory_space<vmem>>)
      tpu.yield
    }) : () -> ()
    "tpu.region"() ({
      %run_scoped3A = tpu.sem_alloc : memref<!tpu.dma_semaphore, #tpu.memory_space<semaphore_mem>>
      %dma_start3A = arith.constant 0 : i32
      %dma_start3A_83 = arith.constant 0 : i32
      %dma_start3A_84 = tpu.memref_slice %arg4[%add3A, %dma_start3A, %dma_start3A_83] : memref<32x80x128xi32, #tpu.memory_space<hbm>> -> memref<1x80x128xi32, #tpu.memory_space<hbm>>
      %dma_start3A_85 = tpu.memref_squeeze %dma_start3A_84 : memref<1x80x128xi32, #tpu.memory_space<hbm>> -> memref<80x128xi32, #tpu.memory_space<hbm>>
      %dma_start3A_86 = arith.constant 0 : i32
      %dma_start3A_87 = arith.constant 0 : i32
      %dma_start3A_88 = tpu.memref_slice %arg4[%add3A, %dma_start3A_86, %dma_start3A_87] : memref<32x80x128xi32, #tpu.memory_space<hbm>> -> memref<1x80x128xi32, #tpu.memory_space<hbm>>
      %dma_start3A_89 = tpu.memref_squeeze %dma_start3A_88 : memref<1x80x128xi32, #tpu.memory_space<hbm>> -> memref<80x128xi32, #tpu.memory_space<hbm>>
      tpu.enqueue_dma source(%dma_start3A_89 : memref<80x128xi32, #tpu.memory_space<hbm>>) target(%arg8 : memref<80x128xi32, #tpu.memory_space<vmem>>) target_semaphore(%run_scoped3A : memref<!tpu.dma_semaphore, #tpu.memory_space<semaphore_mem>>)
      %dma_wait3A = arith.constant 0 : i32
      %dma_wait3A_90 = arith.constant 0 : i32
      %dma_wait3A_91 = tpu.memref_slice %arg4[%add3A, %dma_wait3A, %dma_wait3A_90] : memref<32x80x128xi32, #tpu.memory_space<hbm>> -> memref<1x80x128xi32, #tpu.memory_space<hbm>>
      %dma_wait3A_92 = tpu.memref_squeeze %dma_wait3A_91 : memref<1x80x128xi32, #tpu.memory_space<hbm>> -> memref<80x128xi32, #tpu.memory_space<hbm>>
      %dma_wait3A_93 = arith.constant 0 : i32
      %dma_wait3A_94 = arith.constant 0 : i32
      %dma_wait3A_95 = tpu.memref_slice %arg4[%add3A, %dma_wait3A_93, %dma_wait3A_94] : memref<32x80x128xi32, #tpu.memory_space<hbm>> -> memref<1x80x128xi32, #tpu.memory_space<hbm>>
      %dma_wait3A_96 = tpu.memref_squeeze %dma_wait3A_95 : memref<1x80x128xi32, #tpu.memory_space<hbm>> -> memref<80x128xi32, #tpu.memory_space<hbm>>
      tpu.wait_dma2 semaphore(%run_scoped3A : memref<!tpu.dma_semaphore, #tpu.memory_space<semaphore_mem>>) src(%dma_wait3A_96 : memref<80x128xi32, #tpu.memory_space<hbm>>) dst(%arg8 : memref<80x128xi32, #tpu.memory_space<vmem>>)
      tpu.yield
    }) : () -> ()
    "tpu.region"() ({
      %run_scoped3A = tpu.sem_alloc : memref<!tpu.dma_semaphore, #tpu.memory_space<semaphore_mem>>
      tpu.enqueue_dma source(%arg5 : memref<40960xf32, #tpu.memory_space<hbm>>) target(%arg11 : memref<40960xf32, #tpu.memory_space<vmem>>) target_semaphore(%run_scoped3A : memref<!tpu.dma_semaphore, #tpu.memory_space<semaphore_mem>>)
      tpu.wait_dma2 semaphore(%run_scoped3A : memref<!tpu.dma_semaphore, #tpu.memory_space<semaphore_mem>>) src(%arg5 : memref<40960xf32, #tpu.memory_space<hbm>>) dst(%arg11 : memref<40960xf32, #tpu.memory_space<vmem>>)
      tpu.yield
    }) : () -> ()
    %broadcast_in_dim3A = arith.constant 1.000000e+00 : f32
    %broadcast_in_dim3A_1 = vector.broadcast %broadcast_in_dim3A : f32 to vector<16xf32>
    %swap3A = arith.constant 0 : index
    %swap3A_2 = tpu.vector_load %arg10[%swap3A] {strides = array<i32>} : memref<128xf32, #tpu.memory_space<vmem>>, vector<16xf32>,
    %swap3A_3 = vector.shape_cast %swap3A_2 : vector<16xf32> to vector<16xf32>
    %swap3A_4 = vector.shape_cast %broadcast_in_dim3A_1 : vector<16xf32> to vector<16xf32>
    tpu.vector_store %arg10[%swap3A], %swap3A_4 {strides = array<i32>} : memref<128xf32, #tpu.memory_space<vmem>>, vector<16xf32>,
    %broadcast_in_dim3A_5 = arith.constant 1.000000e+00 : f32
    %broadcast_in_dim3A_6 = vector.broadcast %broadcast_in_dim3A_5 : f32 to vector<16xf32>
    %swap3A_7 = arith.constant 16 : index
    %swap3A_8 = tpu.vector_load %arg10[%swap3A_7] {strides = array<i32>} : memref<128xf32, #tpu.memory_space<vmem>>, vector<16xf32>,
    %swap3A_9 = vector.shape_cast %swap3A_8 : vector<16xf32> to vector<16xf32>
    %swap3A_10 = vector.shape_cast %broadcast_in_dim3A_6 : vector<16xf32> to vector<16xf32>
    tpu.vector_store %arg10[%swap3A_7], %swap3A_10 {strides = array<i32>} : memref<128xf32, #tpu.memory_space<vmem>>, vector<16xf32>,
    %broadcast_in_dim3A_11 = arith.constant 1.000000e+00 : f32
    %broadcast_in_dim3A_12 = vector.broadcast %broadcast_in_dim3A_11 : f32 to vector<16xf32>
    %swap3A_13 = arith.constant 32 : index
    %swap3A_14 = tpu.vector_load %arg10[%swap3A_13] {strides = array<i32>} : memref<128xf32, #tpu.memory_space<vmem>>, vector<16xf32>,
    %swap3A_15 = vector.shape_cast %swap3A_14 : vector<16xf32> to vector<16xf32>
    %swap3A_16 = vector.shape_cast %broadcast_in_dim3A_12 : vector<16xf32> to vector<16xf32>
    tpu.vector_store %arg10[%swap3A_13], %swap3A_16 {strides = array<i32>} : memref<128xf32, #tpu.memory_space<vmem>>, vector<16xf32>,
    %broadcast_in_dim3A_17 = arith.constant 1.000000e+00 : f32
    %broadcast_in_dim3A_18 = vector.broadcast %broadcast_in_dim3A_17 : f32 to vector<16xf32>
    %swap3A_19 = arith.constant 48 : index
    %swap3A_20 = tpu.vector_load %arg10[%swap3A_19] {strides = array<i32>} : memref<128xf32, #tpu.memory_space<vmem>>, vector<16xf32>,
    %swap3A_21 = vector.shape_cast %swap3A_20 : vector<16xf32> to vector<16xf32>
    %swap3A_22 = vector.shape_cast %broadcast_in_dim3A_18 : vector<16xf32> to vector<16xf32>
    tpu.vector_store %arg10[%swap3A_19], %swap3A_22 {strides = array<i32>} : memref<128xf32, #tpu.memory_space<vmem>>, vector<16xf32>,
    %broadcast_in_dim3A_23 = arith.constant 1.000000e+00 : f32
    %broadcast_in_dim3A_24 = vector.broadcast %broadcast_in_dim3A_23 : f32 to vector<16xf32>
    %swap3A_25 = arith.constant 64 : index
    %swap3A_26 = tpu.vector_load %arg10[%swap3A_25] {strides = array<i32>} : memref<128xf32, #tpu.memory_space<vmem>>, vector<16xf32>,
    %swap3A_27 = vector.shape_cast %swap3A_26 : vector<16xf32> to vector<16xf32>
    %swap3A_28 = vector.shape_cast %broadcast_in_dim3A_24 : vector<16xf32> to vector<16xf32>
    tpu.vector_store %arg10[%swap3A_25], %swap3A_28 {strides = array<i32>} : memref<128xf32, #tpu.memory_space<vmem>>, vector<16xf32>,
    %broadcast_in_dim3A_29 = arith.constant 1.000000e+00 : f32
    %broadcast_in_dim3A_30 = vector.broadcast %broadcast_in_dim3A_29 : f32 to vector<16xf32>
    %swap3A_31 = arith.constant 80 : index
    %swap3A_32 = tpu.vector_load %arg10[%swap3A_31] {strides = array<i32>} : memref<128xf32, #tpu.memory_space<vmem>>, vector<16xf32>,
    %swap3A_33 = vector.shape_cast %swap3A_32 : vector<16xf32> to vector<16xf32>
    %swap3A_34 = vector.shape_cast %broadcast_in_dim3A_30 : vector<16xf32> to vector<16xf32>
    tpu.vector_store %arg10[%swap3A_31], %swap3A_34 {strides = array<i32>} : memref<128xf32, #tpu.memory_space<vmem>>, vector<16xf32>,
    %broadcast_in_dim3A_35 = arith.constant 1.000000e+00 : f32
    %broadcast_in_dim3A_36 = vector.broadcast %broadcast_in_dim3A_35 : f32 to vector<16xf32>
    %swap3A_37 = arith.constant 96 : index
    %swap3A_38 = tpu.vector_load %arg10[%swap3A_37] {strides = array<i32>} : memref<128xf32, #tpu.memory_space<vmem>>, vector<16xf32>,
    %swap3A_39 = vector.shape_cast %swap3A_38 : vector<16xf32> to vector<16xf32>
    %swap3A_40 = vector.shape_cast %broadcast_in_dim3A_36 : vector<16xf32> to vector<16xf32>
    tpu.vector_store %arg10[%swap3A_37], %swap3A_40 {strides = array<i32>} : memref<128xf32, #tpu.memory_space<vmem>>, vector<16xf32>,
    %broadcast_in_dim3A_41 = arith.constant 1.000000e+00 : f32
    %broadcast_in_dim3A_42 = vector.broadcast %broadcast_in_dim3A_41 : f32 to vector<16xf32>
    %swap3A_43 = arith.constant 112 : index
    %swap3A_44 = tpu.vector_load %arg10[%swap3A_43] {strides = array<i32>} : memref<128xf32, #tpu.memory_space<vmem>>, vector<16xf32>,
    %swap3A_45 = vector.shape_cast %swap3A_44 : vector<16xf32> to vector<16xf32>
    %swap3A_46 = vector.shape_cast %broadcast_in_dim3A_42 : vector<16xf32> to vector<16xf32>
    tpu.vector_store %arg10[%swap3A_43], %swap3A_46 {strides = array<i32>} : memref<128xf32, #tpu.memory_space<vmem>>, vector<16xf32>,
    %mul3A_47 = arith.constant 40960 : i32
    %mul3A_48 = arith.muli %arg1, %mul3A_47 : i32
    "tpu.region"() ({
      %run_scoped3A = tpu.sem_alloc : memref<!tpu.dma_semaphore, #tpu.memory_space<semaphore_mem>>
      %dma_start3A = tpu.memref_slice %arg12[%mul3A_48] : memref<655360xf32, #tpu.memory_space<vmem_shared>> -> memref<40960xf32, #tpu.memory_space<vmem_shared>>
      %dma_start3A_83 = tpu.memref_slice %arg12[%mul3A_48] : memref<655360xf32, #tpu.memory_space<vmem_shared>> -> memref<40960xf32, #tpu.memory_space<vmem_shared>>
      tpu.enqueue_dma source(%arg11 : memref<40960xf32, #tpu.memory_space<vmem>>) target(%dma_start3A_83 : memref<40960xf32, #tpu.memory_space<vmem_shared>>) target_semaphore(%run_scoped3A : memref<!tpu.dma_semaphore, #tpu.memory_space<semaphore_mem>>)
      %dma_wait3A = tpu.memref_slice %arg12[%mul3A_48] : memref<655360xf32, #tpu.memory_space<vmem_shared>> -> memref<40960xf32, #tpu.memory_space<vmem_shared>>
      %dma_wait3A_84 = tpu.memref_slice %arg12[%mul3A_48] : memref<655360xf32, #tpu.memory_space<vmem_shared>> -> memref<40960xf32, #tpu.memory_space<vmem_shared>>
      tpu.wait_dma2 semaphore(%run_scoped3A : memref<!tpu.dma_semaphore, #tpu.memory_space<semaphore_mem>>) src(%arg11 : memref<40960xf32, #tpu.memory_space<vmem>>) dst(%dma_wait3A_84 : memref<40960xf32, #tpu.memory_space<vmem_shared>>)
      tpu.yield
    }) : () -> ()
    %scan3A = arith.constant 0 : i32
    %scan3A_49 = arith.constant 0 : i32
    %scan3A_50 = arith.constant 80 : i32
    %scan3A_51 = arith.addi %scan3A_49, %scan3A_50 : i32
    %scan3A_52 = arith.constant 1 : i32
    scf.for %scan3A_83 = %scan3A_49 to %scan3A_51 step %scan3A_52  : i32 {
      %dma_start3A = arith.constant 0 : i32
      %dma_start3A_84 = tpu.memref_slice %arg9[%scan3A_83, %dma_start3A] : memref<80x128xi32, #tpu.memory_space<vmem>> -> memref<1x128xi32, #tpu.memory_space<vmem>>
      %dma_start3A_85 = tpu.memref_squeeze %dma_start3A_84 : memref<1x128xi32, #tpu.memory_space<vmem>> -> memref<128xi32, #tpu.memory_space<vmem>>
      %dma_start3A_86 = arith.constant 0 : i32
      %dma_start3A_87 = tpu.memref_slice %arg7[%scan3A_83, %dma_start3A_86] : memref<80x128xi32, #tpu.memory_space<vmem>> -> memref<1x128xi32, #tpu.memory_space<vmem>>
      %dma_start3A_88 = tpu.memref_squeeze %dma_start3A_87 : memref<1x128xi32, #tpu.memory_space<vmem>> -> memref<128xi32, #tpu.memory_space<vmem>>
      %dma_start3A_89 = arith.constant 0 : i32
      %dma_start3A_90 = tpu.memref_slice %arg2[%dma_start3A_89] : memref<10240xi32, #tpu.memory_space<hbm>> -> memref<10240xi32, #tpu.memory_space<hbm>>
      tpu.enqueue_indirect_dma source(%dma_start3A_90 : memref<10240xi32, #tpu.memory_space<hbm>>) target(%dma_start3A_85 : memref<128xi32, #tpu.memory_space<vmem>>) offsets(%dma_start3A_88 : memref<128xi32, #tpu.memory_space<vmem>>) semaphore(%arg13 : memref<!tpu.dma_semaphore, #tpu.memory_space<semaphore_mem>>)
    }
    %scan3A_53 = arith.constant 80 : i32
    %scan3A_54 = arith.constant 0 : i32
    %scan3A_55 = arith.constant 0 : i32
    %scan3A_56 = arith.constant 80 : i32
    %scan3A_57 = arith.addi %scan3A_55, %scan3A_56 : i32
    %scan3A_58 = arith.constant 1 : i32
    scf.for %scan3A_83 = %scan3A_55 to %scan3A_57 step %scan3A_58  : i32 {
      %dma_wait3A = arith.constant 0 : i32
      %dma_wait3A_84 = tpu.memref_slice %arg9[%scan3A_83, %dma_wait3A] : memref<80x128xi32, #tpu.memory_space<vmem>> -> memref<1x128xi32, #tpu.memory_space<vmem>>
      %dma_wait3A_85 = tpu.memref_squeeze %dma_wait3A_84 : memref<1x128xi32, #tpu.memory_space<vmem>> -> memref<128xi32, #tpu.memory_space<vmem>>
      %dma_wait3A_86 = arith.constant 0 : i32
      %dma_wait3A_87 = tpu.memref_slice %arg7[%scan3A_83, %dma_wait3A_86] : memref<80x128xi32, #tpu.memory_space<vmem>> -> memref<1x128xi32, #tpu.memory_space<vmem>>
      %dma_wait3A_88 = tpu.memref_squeeze %dma_wait3A_87 : memref<1x128xi32, #tpu.memory_space<vmem>> -> memref<128xi32, #tpu.memory_space<vmem>>
      %dma_wait3A_89 = arith.constant 0 : i32
      %dma_wait3A_90 = tpu.memref_slice %arg2[%dma_wait3A_89] : memref<10240xi32, #tpu.memory_space<hbm>> -> memref<10240xi32, #tpu.memory_space<hbm>>
      tpu.wait_indirect_dma semaphore(%arg13 : memref<!tpu.dma_semaphore, #tpu.memory_space<semaphore_mem>>) src(%dma_wait3A_90 : memref<10240xi32, #tpu.memory_space<hbm>>) dst(%dma_wait3A_85 : memref<128xi32, #tpu.memory_space<vmem>>)
    }
    %scan3A_59 = arith.constant 80 : i32
    %scan3A_60 = arith.constant 0 : i32
    %scan3A_61 = arith.constant 0 : i32
    %scan3A_62 = arith.constant 80 : i32
    %scan3A_63 = arith.addi %scan3A_61, %scan3A_62 : i32
    %scan3A_64 = arith.constant 1 : i32
    scf.for %scan3A_83 = %scan3A_61 to %scan3A_63 step %scan3A_64  : i32 {
      %get3A = arith.index_cast %scan3A_83 : i32 to index
      %get3A_84 = arith.constant 0 : index
      %get3A_85 = tpu.vector_load %arg8[%get3A, %get3A_84] {strides = array<i32>} : memref<80x128xi32, #tpu.memory_space<vmem>>, vector<1x16xi32>,
      %get3A_86 = vector.shape_cast %get3A_85 : vector<1x16xi32> to vector<16xi32>
      %mul3A_87 = arith.constant 64 : i32
      %mul3A_88 = vector.broadcast %mul3A_87 : i32 to vector<16xi32>
      %mul3A_89 = arith.muli %get3A_86, %mul3A_88 : vector<16xi32>
      %get3A_90 = arith.index_cast %scan3A_83 : i32 to index
      %get3A_91 = arith.constant 0 : index
      %get3A_92 = tpu.vector_load %arg9[%get3A_90, %get3A_91] {strides = array<i32>} : memref<80x128xi32, #tpu.memory_space<vmem>>, vector<1x16xi32>,
      %get3A_93 = vector.shape_cast %get3A_92 : vector<1x16xi32> to vector<16xi32>
      %add3A_94 = arith.addi %mul3A_89, %get3A_93 : vector<16xi32>
      %swap3A_95 = arith.index_cast %scan3A_83 : i32 to index
      %swap3A_96 = arith.constant 0 : index
      %swap3A_97 = tpu.vector_load %arg9[%swap3A_95, %swap3A_96] {strides = array<i32>} : memref<80x128xi32, #tpu.memory_space<vmem>>, vector<1x16xi32>,
      %swap3A_98 = vector.shape_cast %swap3A_97 : vector<1x16xi32> to vector<16xi32>
      %swap3A_99 = vector.shape_cast %add3A_94 : vector<16xi32> to vector<1x16xi32>
      tpu.vector_store %arg9[%swap3A_95, %swap3A_96], %swap3A_99 {strides = array<i32>} : memref<80x128xi32, #tpu.memory_space<vmem>>, vector<1x16xi32>,
      %get3A_100 = arith.index_cast %scan3A_83 : i32 to index
      %get3A_101 = arith.constant 16 : index
      %get3A_102 = tpu.vector_load %arg8[%get3A_100, %get3A_101] {strides = array<i32>} : memref<80x128xi32, #tpu.memory_space<vmem>>, vector<1x16xi32>,
      %get3A_103 = vector.shape_cast %get3A_102 : vector<1x16xi32> to vector<16xi32>
      %mul3A_104 = arith.constant 64 : i32
      %mul3A_105 = vector.broadcast %mul3A_104 : i32 to vector<16xi32>
      %mul3A_106 = arith.muli %get3A_103, %mul3A_105 : vector<16xi32>
      %get3A_107 = arith.index_cast %scan3A_83 : i32 to index
      %get3A_108 = arith.constant 16 : index
      %get3A_109 = tpu.vector_load %arg9[%get3A_107, %get3A_108] {strides = array<i32>} : memref<80x128xi32, #tpu.memory_space<vmem>>, vector<1x16xi32>,
      %get3A_110 = vector.shape_cast %get3A_109 : vector<1x16xi32> to vector<16xi32>
      %add3A_111 = arith.addi %mul3A_106, %get3A_110 : vector<16xi32>
      %swap3A_112 = arith.index_cast %scan3A_83 : i32 to index
      %swap3A_113 = arith.constant 16 : index
      %swap3A_114 = tpu.vector_load %arg9[%swap3A_112, %swap3A_113] {strides = array<i32>} : memref<80x128xi32, #tpu.memory_space<vmem>>, vector<1x16xi32>,
      %swap3A_115 = vector.shape_cast %swap3A_114 : vector<1x16xi32> to vector<16xi32>
      %swap3A_116 = vector.shape_cast %add3A_111 : vector<16xi32> to vector<1x16xi32>
      tpu.vector_store %arg9[%swap3A_112, %swap3A_113], %swap3A_116 {strides = array<i32>} : memref<80x128xi32, #tpu.memory_space<vmem>>, vector<1x16xi32>,
      %get3A_117 = arith.index_cast %scan3A_83 : i32 to index
      %get3A_118 = arith.constant 32 : index
      %get3A_119 = tpu.vector_load %arg8[%get3A_117, %get3A_118] {strides = array<i32>} : memref<80x128xi32, #tpu.memory_space<vmem>>, vector<1x16xi32>,
      %get3A_120 = vector.shape_cast %get3A_119 : vector<1x16xi32> to vector<16xi32>
      %mul3A_121 = arith.constant 64 : i32
      %mul3A_122 = vector.broadcast %mul3A_121 : i32 to vector<16xi32>
      %mul3A_123 = arith.muli %get3A_120, %mul3A_122 : vector<16xi32>
      %get3A_124 = arith.index_cast %scan3A_83 : i32 to index
      %get3A_125 = arith.constant 32 : index
      %get3A_126 = tpu.vector_load %arg9[%get3A_124, %get3A_125] {strides = array<i32>} : memref<80x128xi32, #tpu.memory_space<vmem>>, vector<1x16xi32>,
      %get3A_127 = vector.shape_cast %get3A_126 : vector<1x16xi32> to vector<16xi32>
      %add3A_128 = arith.addi %mul3A_123, %get3A_127 : vector<16xi32>
      %swap3A_129 = arith.index_cast %scan3A_83 : i32 to index
      %swap3A_130 = arith.constant 32 : index
      %swap3A_131 = tpu.vector_load %arg9[%swap3A_129, %swap3A_130] {strides = array<i32>} : memref<80x128xi32, #tpu.memory_space<vmem>>, vector<1x16xi32>,
      %swap3A_132 = vector.shape_cast %swap3A_131 : vector<1x16xi32> to vector<16xi32>
      %swap3A_133 = vector.shape_cast %add3A_128 : vector<16xi32> to vector<1x16xi32>
      tpu.vector_store %arg9[%swap3A_129, %swap3A_130], %swap3A_133 {strides = array<i32>} : memref<80x128xi32, #tpu.memory_space<vmem>>, vector<1x16xi32>,
      %get3A_134 = arith.index_cast %scan3A_83 : i32 to index
      %get3A_135 = arith.constant 48 : index
      %get3A_136 = tpu.vector_load %arg8[%get3A_134, %get3A_135] {strides = array<i32>} : memref<80x128xi32, #tpu.memory_space<vmem>>, vector<1x16xi32>,
      %get3A_137 = vector.shape_cast %get3A_136 : vector<1x16xi32> to vector<16xi32>
      %mul3A_138 = arith.constant 64 : i32
      %mul3A_139 = vector.broadcast %mul3A_138 : i32 to vector<16xi32>
      %mul3A_140 = arith.muli %get3A_137, %mul3A_139 : vector<16xi32>
      %get3A_141 = arith.index_cast %scan3A_83 : i32 to index
      %get3A_142 = arith.constant 48 : index
      %get3A_143 = tpu.vector_load %arg9[%get3A_141, %get3A_142] {strides = array<i32>} : memref<80x128xi32, #tpu.memory_space<vmem>>, vector<1x16xi32>,
      %get3A_144 = vector.shape_cast %get3A_143 : vector<1x16xi32> to vector<16xi32>
      %add3A_145 = arith.addi %mul3A_140, %get3A_144 : vector<16xi32>
      %swap3A_146 = arith.index_cast %scan3A_83 : i32 to index
      %swap3A_147 = arith.constant 48 : index
      %swap3A_148 = tpu.vector_load %arg9[%swap3A_146, %swap3A_147] {strides = array<i32>} : memref<80x128xi32, #tpu.memory_space<vmem>>, vector<1x16xi32>,
      %swap3A_149 = vector.shape_cast %swap3A_148 : vector<1x16xi32> to vector<16xi32>
      %swap3A_150 = vector.shape_cast %add3A_145 : vector<16xi32> to vector<1x16xi32>
      tpu.vector_store %arg9[%swap3A_146, %swap3A_147], %swap3A_150 {strides = array<i32>} : memref<80x128xi32, #tpu.memory_space<vmem>>, vector<1x16xi32>,
      %get3A_151 = arith.index_cast %scan3A_83 : i32 to index
      %get3A_152 = arith.constant 64 : index
      %get3A_153 = tpu.vector_load %arg8[%get3A_151, %get3A_152] {strides = array<i32>} : memref<80x128xi32, #tpu.memory_space<vmem>>, vector<1x16xi32>,
      %get3A_154 = vector.shape_cast %get3A_153 : vector<1x16xi32> to vector<16xi32>
      %mul3A_155 = arith.constant 64 : i32
      %mul3A_156 = vector.broadcast %mul3A_155 : i32 to vector<16xi32>
      %mul3A_157 = arith.muli %get3A_154, %mul3A_156 : vector<16xi32>
      %get3A_158 = arith.index_cast %scan3A_83 : i32 to index
      %get3A_159 = arith.constant 64 : index
      %get3A_160 = tpu.vector_load %arg9[%get3A_158, %get3A_159] {strides = array<i32>} : memref<80x128xi32, #tpu.memory_space<vmem>>, vector<1x16xi32>,
      %get3A_161 = vector.shape_cast %get3A_160 : vector<1x16xi32> to vector<16xi32>
      %add3A_162 = arith.addi %mul3A_157, %get3A_161 : vector<16xi32>
      %swap3A_163 = arith.index_cast %scan3A_83 : i32 to index
      %swap3A_164 = arith.constant 64 : index
      %swap3A_165 = tpu.vector_load %arg9[%swap3A_163, %swap3A_164] {strides = array<i32>} : memref<80x128xi32, #tpu.memory_space<vmem>>, vector<1x16xi32>,
      %swap3A_166 = vector.shape_cast %swap3A_165 : vector<1x16xi32> to vector<16xi32>
      %swap3A_167 = vector.shape_cast %add3A_162 : vector<16xi32> to vector<1x16xi32>
      tpu.vector_store %arg9[%swap3A_163, %swap3A_164], %swap3A_167 {strides = array<i32>} : memref<80x128xi32, #tpu.memory_space<vmem>>, vector<1x16xi32>,
      %get3A_168 = arith.index_cast %scan3A_83 : i32 to index
      %get3A_169 = arith.constant 80 : index
      %get3A_170 = tpu.vector_load %arg8[%get3A_168, %get3A_169] {strides = array<i32>} : memref<80x128xi32, #tpu.memory_space<vmem>>, vector<1x16xi32>,
      %get3A_171 = vector.shape_cast %get3A_170 : vector<1x16xi32> to vector<16xi32>
      %mul3A_172 = arith.constant 64 : i32
      %mul3A_173 = vector.broadcast %mul3A_172 : i32 to vector<16xi32>
      %mul3A_174 = arith.muli %get3A_171, %mul3A_173 : vector<16xi32>
      %get3A_175 = arith.index_cast %scan3A_83 : i32 to index
      %get3A_176 = arith.constant 80 : index
      %get3A_177 = tpu.vector_load %arg9[%get3A_175, %get3A_176] {strides = array<i32>} : memref<80x128xi32, #tpu.memory_space<vmem>>, vector<1x16xi32>,
      %get3A_178 = vector.shape_cast %get3A_177 : vector<1x16xi32> to vector<16xi32>
      %add3A_179 = arith.addi %mul3A_174, %get3A_178 : vector<16xi32>
      %swap3A_180 = arith.index_cast %scan3A_83 : i32 to index
      %swap3A_181 = arith.constant 80 : index
      %swap3A_182 = tpu.vector_load %arg9[%swap3A_180, %swap3A_181] {strides = array<i32>} : memref<80x128xi32, #tpu.memory_space<vmem>>, vector<1x16xi32>,
      %swap3A_183 = vector.shape_cast %swap3A_182 : vector<1x16xi32> to vector<16xi32>
      %swap3A_184 = vector.shape_cast %add3A_179 : vector<16xi32> to vector<1x16xi32>
      tpu.vector_store %arg9[%swap3A_180, %swap3A_181], %swap3A_184 {strides = array<i32>} : memref<80x128xi32, #tpu.memory_space<vmem>>, vector<1x16xi32>,
      %get3A_185 = arith.index_cast %scan3A_83 : i32 to index
      %get3A_186 = arith.constant 96 : index
      %get3A_187 = tpu.vector_load %arg8[%get3A_185, %get3A_186] {strides = array<i32>} : memref<80x128xi32, #tpu.memory_space<vmem>>, vector<1x16xi32>,
      %get3A_188 = vector.shape_cast %get3A_187 : vector<1x16xi32> to vector<16xi32>
      %mul3A_189 = arith.constant 64 : i32
      %mul3A_190 = vector.broadcast %mul3A_189 : i32 to vector<16xi32>
      %mul3A_191 = arith.muli %get3A_188, %mul3A_190 : vector<16xi32>
      %get3A_192 = arith.index_cast %scan3A_83 : i32 to index
      %get3A_193 = arith.constant 96 : index
      %get3A_194 = tpu.vector_load %arg9[%get3A_192, %get3A_193] {strides = array<i32>} : memref<80x128xi32, #tpu.memory_space<vmem>>, vector<1x16xi32>,
      %get3A_195 = vector.shape_cast %get3A_194 : vector<1x16xi32> to vector<16xi32>
      %add3A_196 = arith.addi %mul3A_191, %get3A_195 : vector<16xi32>
      %swap3A_197 = arith.index_cast %scan3A_83 : i32 to index
      %swap3A_198 = arith.constant 96 : index
      %swap3A_199 = tpu.vector_load %arg9[%swap3A_197, %swap3A_198] {strides = array<i32>} : memref<80x128xi32, #tpu.memory_space<vmem>>, vector<1x16xi32>,
      %swap3A_200 = vector.shape_cast %swap3A_199 : vector<1x16xi32> to vector<16xi32>
      %swap3A_201 = vector.shape_cast %add3A_196 : vector<16xi32> to vector<1x16xi32>
      tpu.vector_store %arg9[%swap3A_197, %swap3A_198], %swap3A_201 {strides = array<i32>} : memref<80x128xi32, #tpu.memory_space<vmem>>, vector<1x16xi32>,
      %get3A_202 = arith.index_cast %scan3A_83 : i32 to index
      %get3A_203 = arith.constant 112 : index
      %get3A_204 = tpu.vector_load %arg8[%get3A_202, %get3A_203] {strides = array<i32>} : memref<80x128xi32, #tpu.memory_space<vmem>>, vector<1x16xi32>,
      %get3A_205 = vector.shape_cast %get3A_204 : vector<1x16xi32> to vector<16xi32>
      %mul3A_206 = arith.constant 64 : i32
      %mul3A_207 = vector.broadcast %mul3A_206 : i32 to vector<16xi32>
      %mul3A_208 = arith.muli %get3A_205, %mul3A_207 : vector<16xi32>
      %get3A_209 = arith.index_cast %scan3A_83 : i32 to index
      %get3A_210 = arith.constant 112 : index
      %get3A_211 = tpu.vector_load %arg9[%get3A_209, %get3A_210] {strides = array<i32>} : memref<80x128xi32, #tpu.memory_space<vmem>>, vector<1x16xi32>,
      %get3A_212 = vector.shape_cast %get3A_211 : vector<1x16xi32> to vector<16xi32>
      %add3A_213 = arith.addi %mul3A_208, %get3A_212 : vector<16xi32>
      %swap3A_214 = arith.index_cast %scan3A_83 : i32 to index
      %swap3A_215 = arith.constant 112 : index
      %swap3A_216 = tpu.vector_load %arg9[%swap3A_214, %swap3A_215] {strides = array<i32>} : memref<80x128xi32, #tpu.memory_space<vmem>>, vector<1x16xi32>,
      %swap3A_217 = vector.shape_cast %swap3A_216 : vector<1x16xi32> to vector<16xi32>
      %swap3A_218 = vector.shape_cast %add3A_213 : vector<16xi32> to vector<1x16xi32>
      tpu.vector_store %arg9[%swap3A_214, %swap3A_215], %swap3A_218 {strides = array<i32>} : memref<80x128xi32, #tpu.memory_space<vmem>>, vector<1x16xi32>,
    }
    %scan3A_65 = arith.constant 80 : i32
    %barrier3A = arith.constant 0 : index
    tpu.barrier barrier_id(%barrier3A)
    %scan3A_66 = arith.constant 0 : i32
    %scan3A_67 = arith.constant 0 : i32
    %scan3A_68 = arith.constant 80 : i32
    %scan3A_69 = arith.addi %scan3A_67, %scan3A_68 : i32
    %scan3A_70 = arith.constant 1 : i32
    scf.for %scan3A_83 = %scan3A_67 to %scan3A_69 step %scan3A_70  : i32 {
      %dma_start3A = arith.constant 0 : i32
      %dma_start3A_84 = tpu.memref_slice %arg9[%scan3A_83, %dma_start3A] : memref<80x128xi32, #tpu.memory_space<vmem>> -> memref<1x128xi32, #tpu.memory_space<vmem>>
      %dma_start3A_85 = tpu.memref_squeeze %dma_start3A_84 : memref<1x128xi32, #tpu.memory_space<vmem>> -> memref<128xi32, #tpu.memory_space<vmem>>
      %dma_start3A_86 = arith.constant 0 : i32
      %dma_start3A_87 = tpu.memref_slice %arg12[%dma_start3A_86] : memref<655360xf32, #tpu.memory_space<vmem_shared>> -> memref<655360xf32, #tpu.memory_space<vmem_shared>>
      tpu.enqueue_indirect_dma source(%arg10 : memref<128xf32, #tpu.memory_space<vmem>>) target(%dma_start3A_87 : memref<655360xf32, #tpu.memory_space<vmem_shared>>) offsets(%dma_start3A_85 : memref<128xi32, #tpu.memory_space<vmem>>) semaphore(%arg13 : memref<!tpu.dma_semaphore, #tpu.memory_space<semaphore_mem>>) {add = true}
    }
    %scan3A_71 = arith.constant 80 : i32
    %scan3A_72 = arith.constant 0 : i32
    %scan3A_73 = arith.constant 0 : i32
    %scan3A_74 = arith.constant 80 : i32
    %scan3A_75 = arith.addi %scan3A_73, %scan3A_74 : i32
    %scan3A_76 = arith.constant 1 : i32
    scf.for %scan3A_83 = %scan3A_73 to %scan3A_75 step %scan3A_76  : i32 {
      %dma_wait3A = arith.constant 0 : i32
      %dma_wait3A_84 = tpu.memref_slice %arg9[%scan3A_83, %dma_wait3A] : memref<80x128xi32, #tpu.memory_space<vmem>> -> memref<1x128xi32, #tpu.memory_space<vmem>>
      %dma_wait3A_85 = tpu.memref_squeeze %dma_wait3A_84 : memref<1x128xi32, #tpu.memory_space<vmem>> -> memref<128xi32, #tpu.memory_space<vmem>>
      %dma_wait3A_86 = arith.constant 0 : i32
      %dma_wait3A_87 = tpu.memref_slice %arg12[%dma_wait3A_86] : memref<655360xf32, #tpu.memory_space<vmem_shared>> -> memref<655360xf32, #tpu.memory_space<vmem_shared>>
      tpu.wait_indirect_dma semaphore(%arg13 : memref<!tpu.dma_semaphore, #tpu.memory_space<semaphore_mem>>) src(%arg10 : memref<128xf32, #tpu.memory_space<vmem>>) dst(%dma_wait3A_87 : memref<655360xf32, #tpu.memory_space<vmem_shared>>)
    }
    %scan3A_77 = arith.constant 80 : i32
    %barrier3A_78 = arith.constant 0 : index
    tpu.barrier barrier_id(%barrier3A_78)
    %mul3A_79 = arith.constant 40960 : i32
    %mul3A_80 = arith.muli %arg1, %mul3A_79 : i32
    "tpu.region"() ({
      %run_scoped3A = tpu.sem_alloc : memref<!tpu.dma_semaphore, #tpu.memory_space<semaphore_mem>>
      %dma_start3A = tpu.memref_slice %arg12[%mul3A_80] : memref<655360xf32, #tpu.memory_space<vmem_shared>> -> memref<40960xf32, #tpu.memory_space<vmem_shared>>
      %dma_start3A_83 = tpu.memref_slice %arg12[%mul3A_80] : memref<655360xf32, #tpu.memory_space<vmem_shared>> -> memref<40960xf32, #tpu.memory_space<vmem_shared>>
      tpu.enqueue_dma source(%dma_start3A_83 : memref<40960xf32, #tpu.memory_space<vmem_shared>>) target(%arg11 : memref<40960xf32, #tpu.memory_space<vmem>>) target_semaphore(%run_scoped3A : memref<!tpu.dma_semaphore, #tpu.memory_space<semaphore_mem>>)
      %dma_wait3A = tpu.memref_slice %arg12[%mul3A_80] : memref<655360xf32, #tpu.memory_space<vmem_shared>> -> memref<40960xf32, #tpu.memory_space<vmem_shared>>
      %dma_wait3A_84 = tpu.memref_slice %arg12[%mul3A_80] : memref<655360xf32, #tpu.memory_space<vmem_shared>> -> memref<40960xf32, #tpu.memory_space<vmem_shared>>
      tpu.wait_dma2 semaphore(%run_scoped3A : memref<!tpu.dma_semaphore, #tpu.memory_space<semaphore_mem>>) src(%dma_wait3A_84 : memref<40960xf32, #tpu.memory_space<vmem_shared>>) dst(%arg11 : memref<40960xf32, #tpu.memory_space<vmem>>)
      tpu.yield
    }) : () -> ()
    %mul3A_81 = arith.constant 40960 : i32
    %mul3A_82 = arith.muli %arg1, %mul3A_81 : i32
    "tpu.region"() ({
      %run_scoped3A = tpu.sem_alloc : memref<!tpu.dma_semaphore, #tpu.memory_space<semaphore_mem>>
      %dma_start3A = tpu.memref_slice %arg6[%arg0, %mul3A_82] : memref<2x655360xf32, #tpu.memory_space<hbm>> -> memref<1x40960xf32, #tpu.memory_space<hbm>>
      %dma_start3A_83 = tpu.memref_squeeze %dma_start3A : memref<1x40960xf32, #tpu.memory_space<hbm>> -> memref<40960xf32, #tpu.memory_space<hbm>>
      %dma_start3A_84 = tpu.memref_slice %arg6[%arg0, %mul3A_82] : memref<2x655360xf32, #tpu.memory_space<hbm>> -> memref<1x40960xf32, #tpu.memory_space<hbm>>
      %dma_start3A_85 = tpu.memref_squeeze %dma_start3A_84 : memref<1x40960xf32, #tpu.memory_space<hbm>> -> memref<40960xf32, #tpu.memory_space<hbm>>
      tpu.enqueue_dma source(%arg11 : memref<40960xf32, #tpu.memory_space<vmem>>) target(%dma_start3A_85 : memref<40960xf32, #tpu.memory_space<hbm>>) target_semaphore(%run_scoped3A : memref<!tpu.dma_semaphore, #tpu.memory_space<semaphore_mem>>)
      %dma_wait3A = tpu.memref_slice %arg6[%arg0, %mul3A_82] : memref<2x655360xf32, #tpu.memory_space<hbm>> -> memref<1x40960xf32, #tpu.memory_space<hbm>>
      %dma_wait3A_86 = tpu.memref_squeeze %dma_wait3A : memref<1x40960xf32, #tpu.memory_space<hbm>> -> memref<40960xf32, #tpu.memory_space<hbm>>
      %dma_wait3A_87 = tpu.memref_slice %arg6[%arg0, %mul3A_82] : memref<2x655360xf32, #tpu.memory_space<hbm>> -> memref<1x40960xf32, #tpu.memory_space<hbm>>
      %dma_wait3A_88 = tpu.memref_squeeze %dma_wait3A_87 : memref<1x40960xf32, #tpu.memory_space<hbm>> -> memref<40960xf32, #tpu.memory_space<hbm>>
      tpu.wait_dma2 semaphore(%run_scoped3A : memref<!tpu.dma_semaphore, #tpu.memory_space<semaphore_mem>>) src(%arg11 : memref<40960xf32, #tpu.memory_space<vmem>>) dst(%dma_wait3A_88 : memref<40960xf32, #tpu.memory_space<hbm>>)
      tpu.yield
    }) : () -> ()
    return
  }
}

module attributes {stable_mosaic.version = 14 : i64} {
  func.func @body(%arg0: memref<10000x1xi32, #tpu.memory_space<vmem>>, %arg1: memref<64x128xf32, #tpu.memory_space<vmem>>, %arg2: memref<2x10240x64xf32, #tpu.memory_space<vmem>>, %arg3: memref<1x1xf32, #tpu.memory_space<vmem>>, %arg4: memref<128x128xf32, #tpu.memory_space<vmem>>, %arg5: memref<1x128xf32, #tpu.memory_space<vmem>>, %arg6: memref<1x128xf32, #tpu.memory_space<vmem>>, %arg7: memref<1x128xf32, #tpu.memory_space<vmem>>, %arg8: memref<10000x128xf32, #tpu.memory_space<vmem>>) attributes {dimension_semantics = [], scalar_prefetch = 0 : i64, scratch_operands = 0 : i64, tpu.core_type = #tpu.core_type<tc>} {
    %get3A = arith.constant 0 : index
    %get3A_0 = arith.constant 0 : index
    %get3A_1 = vector.load %arg1[%get3A, %get3A_0] : memref<64x128xf32, #tpu.memory_space<vmem>>, vector<64x128xf32>
    %get3A_2 = arith.constant 0 : index
    %get3A_3 = arith.constant 0 : index
    %get3A_4 = vector.load %arg4[%get3A_2, %get3A_3] : memref<128x128xf32, #tpu.memory_space<vmem>>, vector<128x128xf32>
    %dot_general3A = arith.constant dense<0.000000e+00> : vector<64x128xf32>
    %dot_general3A_5 = tpu.matmul %get3A_1, %get3A_4, %dot_general3A {dimension_numbers = #tpu.dot_dimension_numbers<[1], [0], [0], [1], [0, 0, 1, 1], [], []>, transpose_lhs_hint = false} : vector<64x128xf32>, vector<128x128xf32>, vector<64x128xf32> -> vector<64x128xf32>
    %get3A_6 = arith.constant 0 : index
    %get3A_7 = arith.constant 0 : index
    %get3A_8 = arith.constant 0 : index
    %get3A_9 = vector.load %arg2[%get3A_6, %get3A_7, %get3A_8] : memref<2x10240x64xf32, #tpu.memory_space<vmem>>, vector<1x10000x64xf32>
    %get3A_10 = vector.shape_cast %get3A_9 : vector<1x10000x64xf32> to vector<10000x64xf32>
    %get3A_11 = arith.constant 1 : index
    %get3A_12 = arith.constant 0 : index
    %get3A_13 = arith.constant 0 : index
    %get3A_14 = vector.load %arg2[%get3A_11, %get3A_12, %get3A_13] : memref<2x10240x64xf32, #tpu.memory_space<vmem>>, vector<1x10000x64xf32>
    %get3A_15 = vector.shape_cast %get3A_14 : vector<1x10000x64xf32> to vector<10000x64xf32>
    %add3A = arith.addf %get3A_10, %get3A_15 : vector<10000x64xf32>
    %get3A_16 = arith.constant 0 : index
    %get3A_17 = arith.constant 0 : index
    %get3A_18 = vector.load %arg3[%get3A_16, %get3A_17] : memref<1x1xf32, #tpu.memory_space<vmem>>, vector<1x1xf32>
    %get3A_19 = vector.extract %get3A_18[0, 0] : f32 from vector<1x1xf32>
    %add3A_20 = arith.constant 1.000000e+00 : f32
    %add3A_21 = arith.addf %add3A_20, %get3A_19 : f32
    %get3A_22 = arith.constant 0 : index
    %get3A_23 = arith.constant 0 : index
    %get3A_24 = vector.load %arg0[%get3A_22, %get3A_23] : memref<10000x1xi32, #tpu.memory_space<vmem>>, vector<10000x1xi32>
    %iota3A = tpu.iota {dimensions = array<i32: 1>} : vector<1x64xi32>
    %eq3A = vector.broadcast %get3A_24 : vector<10000x1xi32> to vector<10000x64xi32>
    %eq3A_25 = vector.broadcast %iota3A : vector<1x64xi32> to vector<10000x64xi32>
    %eq3A_26 = arith.cmpi eq, %eq3A, %eq3A_25 : vector<10000x64xi32>
    %convert_element_type3A = arith.extui %eq3A_26 : vector<10000x64xi1> to vector<10000x64xi32>
    %convert_element_type3A_27 = arith.sitofp %convert_element_type3A : vector<10000x64xi32> to vector<10000x64xf32>
    %mul3A = vector.broadcast %add3A_21 : f32 to vector<10000x64xf32>
    %mul3A_28 = arith.mulf %mul3A, %convert_element_type3A_27 : vector<10000x64xf32>
    %add3A_29 = arith.addf %add3A, %mul3A_28 : vector<10000x64xf32>
    %dot_general3A_30 = arith.constant dense<0.000000e+00> : vector<10000x128xf32>
    %dot_general3A_31 = tpu.matmul %add3A_29, %dot_general3A_5, %dot_general3A_30 {dimension_numbers = #tpu.dot_dimension_numbers<[1], [0], [0], [1], [0, 0, 1, 1], [], []>, transpose_lhs_hint = false} : vector<10000x64xf32>, vector<64x128xf32>, vector<10000x128xf32> -> vector<10000x128xf32>
    %get3A_32 = arith.constant 0 : index
    %get3A_33 = arith.constant 0 : index
    %get3A_34 = vector.load %arg5[%get3A_32, %get3A_33] : memref<1x128xf32, #tpu.memory_space<vmem>>, vector<1x128xf32>
    %add3A_35 = vector.broadcast %get3A_34 : vector<1x128xf32> to vector<10000x128xf32>
    %add3A_36 = arith.addf %dot_general3A_31, %add3A_35 : vector<10000x128xf32>
    %get3A_37 = arith.constant 0 : index
    %get3A_38 = arith.constant 0 : index
    %get3A_39 = vector.load %arg6[%get3A_37, %get3A_38] : memref<1x128xf32, #tpu.memory_space<vmem>>, vector<1x128xf32>
    %get3A_40 = arith.constant 0 : index
    %get3A_41 = arith.constant 0 : index
    %get3A_42 = vector.load %arg7[%get3A_40, %get3A_41] : memref<1x128xf32, #tpu.memory_space<vmem>>, vector<1x128xf32>
    %reduce_sum3A = arith.constant dense<0.000000e+00> : vector<128xf32>
    %reduce_sum3A_43 = vector.multi_reduction <add>, %add3A_36, %reduce_sum3A [0] : vector<10000x128xf32> to vector<128xf32>
    %div3A = arith.constant 1.000000e+04 : f32
    %div3A_44 = vector.broadcast %div3A : f32 to vector<128xf32>
    %div3A_45 = arith.divf %reduce_sum3A_43, %div3A_44 : vector<128xf32>
    %jit3A = arith.constant 0 : i32
    %reduce_sum3A_46 = arith.constant dense<0.000000e+00> : vector<128xf32>
    %reduce_sum3A_47 = vector.multi_reduction <add>, %add3A_36, %reduce_sum3A_46 [0] : vector<10000x128xf32> to vector<128xf32>
    %broadcast_in_dim3A = vector.shape_cast %reduce_sum3A_47 : vector<128xf32> to vector<1x128xf32>
    %div3A_48 = arith.constant 1.000000e+04 : f32
    %div3A_49 = vector.broadcast %div3A_48 : f32 to vector<1x128xf32>
    %div3A_50 = arith.divf %broadcast_in_dim3A, %div3A_49 : vector<1x128xf32>
    %sub3A = vector.broadcast %div3A_50 : vector<1x128xf32> to vector<10000x128xf32>
    %sub3A_51 = arith.subf %add3A_36, %sub3A : vector<10000x128xf32>
    %square3A = arith.mulf %sub3A_51, %sub3A_51 : vector<10000x128xf32>
    %convert_element_type3A_52 = arith.sitofp %jit3A : i32 to f32
    %sub3A_53 = arith.constant 1.000000e+04 : f32
    %sub3A_54 = arith.subf %sub3A_53, %convert_element_type3A_52 : f32
    %reduce_sum3A_55 = arith.constant dense<0.000000e+00> : vector<128xf32>
    %reduce_sum3A_56 = vector.multi_reduction <add>, %square3A, %reduce_sum3A_55 [0] : vector<10000x128xf32> to vector<128xf32>
    %div3A_57 = vector.broadcast %sub3A_54 : f32 to vector<128xf32>
    %div3A_58 = arith.divf %reduce_sum3A_56, %div3A_57 : vector<128xf32>
    %gt3A = arith.constant 0.000000e+00 : f32
    %gt3A_59 = arith.cmpf ogt, %sub3A_54, %gt3A : f32
    %jit3A_60 = arith.constant 0x7FC00000 : f32
    %broadcast_in_dim3A_61 = vector.broadcast %jit3A_60 : f32 to vector<128xf32>
    %select_n3A = arith.select %gt3A_59, %div3A_58, %broadcast_in_dim3A_61 : vector<128xf32>
    %broadcast_in_dim3A_62 = vector.shape_cast %div3A_45 : vector<128xf32> to vector<1x128xf32>
    %sub3A_63 = vector.broadcast %broadcast_in_dim3A_62 : vector<1x128xf32> to vector<10000x128xf32>
    %sub3A_64 = arith.subf %add3A_36, %sub3A_63 : vector<10000x128xf32>
    %add3A_65 = arith.constant 9.99999974E-6 : f32
    %add3A_66 = vector.broadcast %add3A_65 : f32 to vector<128xf32>
    %add3A_67 = arith.addf %select_n3A, %add3A_66 : vector<128xf32>
    %sqrt3A = math.sqrt %add3A_67 : vector<128xf32>
    %broadcast_in_dim3A_68 = vector.shape_cast %sqrt3A : vector<128xf32> to vector<1x128xf32>
    %div3A_69 = vector.broadcast %broadcast_in_dim3A_68 : vector<1x128xf32> to vector<10000x128xf32>
    %div3A_70 = arith.divf %sub3A_64, %div3A_69 : vector<10000x128xf32>
    %mul3A_71 = vector.broadcast %get3A_39 : vector<1x128xf32> to vector<10000x128xf32>
    %mul3A_72 = arith.mulf %div3A_70, %mul3A_71 : vector<10000x128xf32>
    %add3A_73 = vector.broadcast %get3A_42 : vector<1x128xf32> to vector<10000x128xf32>
    %add3A_74 = arith.addf %mul3A_72, %add3A_73 : vector<10000x128xf32>
    %ge3A = arith.constant 0.000000e+00 : f32
    %ge3A_75 = vector.broadcast %ge3A : f32 to vector<10000x128xf32>
    %ge3A_76 = arith.cmpf oge, %add3A_74, %ge3A_75 : vector<10000x128xf32>
    %mul3A_77 = arith.constant 0.00999999977 : f32
    %mul3A_78 = vector.broadcast %mul3A_77 : f32 to vector<10000x128xf32>
    %mul3A_79 = arith.mulf %mul3A_78, %add3A_74 : vector<10000x128xf32>
    %select_n3A_80 = arith.select %ge3A_76, %add3A_74, %mul3A_79 : vector<10000x128xi1>, vector<10000x128xf32>
    %swap3A = arith.constant 0 : index
    %swap3A_81 = arith.constant 0 : index
    %swap3A_82 = vector.load %arg8[%swap3A, %swap3A_81] : memref<10000x128xf32, #tpu.memory_space<vmem>>, vector<10000x128xf32>
    tpu.vector_store %arg8[%swap3A, %swap3A_81], %select_n3A_80 {strides = array<i32>} : memref<10000x128xf32, #tpu.memory_space<vmem>>, vector<10000x128xf32>,
    return
  }
}

module attributes {stable_mosaic.version = 14 : i64} {
  func.func @body(%arg0: memref<10000x1xi32, #tpu.memory_space<vmem>>, %arg1: memref<64x128xf32, #tpu.memory_space<vmem>>, %arg2: memref<10000x128xf32, #tpu.memory_space<vmem>>, %arg3: memref<2x10240x128xf32, #tpu.memory_space<vmem>>, %arg4: memref<1x1xf32, #tpu.memory_space<vmem>>, %arg5: memref<128x128xf32, #tpu.memory_space<vmem>>, %arg6: memref<1x128xf32, #tpu.memory_space<vmem>>, %arg7: memref<1x128xf32, #tpu.memory_space<vmem>>, %arg8: memref<1x128xf32, #tpu.memory_space<vmem>>, %arg9: memref<384x128xf32, #tpu.memory_space<vmem>>, %arg10: memref<1x128xf32, #tpu.memory_space<vmem>>, %arg11: memref<1x128xf32, #tpu.memory_space<vmem>>, %arg12: memref<1x128xf32, #tpu.memory_space<vmem>>, %arg13: memref<128x1xf32, #tpu.memory_space<vmem>>, %arg14: memref<1x1xf32, #tpu.memory_space<vmem>>, %arg15: memref<10000x1xf32, #tpu.memory_space<vmem>>) attributes {dimension_semantics = [], scalar_prefetch = 0 : i64, scratch_operands = 0 : i64, tpu.core_type = #tpu.core_type<tc>} {
    %get3A = arith.constant 0 : index
    %get3A_0 = arith.constant 0 : index
    %get3A_1 = arith.constant 0 : index
    %get3A_2 = vector.load %arg3[%get3A, %get3A_0, %get3A_1] : memref<2x10240x128xf32, #tpu.memory_space<vmem>>, vector<1x10000x128xf32>
    %get3A_3 = vector.shape_cast %get3A_2 : vector<1x10000x128xf32> to vector<10000x128xf32>
    %get3A_4 = arith.constant 1 : index
    %get3A_5 = arith.constant 0 : index
    %get3A_6 = arith.constant 0 : index
    %get3A_7 = vector.load %arg3[%get3A_4, %get3A_5, %get3A_6] : memref<2x10240x128xf32, #tpu.memory_space<vmem>>, vector<1x10000x128xf32>
    %get3A_8 = vector.shape_cast %get3A_7 : vector<1x10000x128xf32> to vector<10000x128xf32>
    %add3A = arith.addf %get3A_3, %get3A_8 : vector<10000x128xf32>
    %get3A_9 = arith.constant 0 : index
    %get3A_10 = arith.constant 0 : index
    %get3A_11 = vector.load %arg4[%get3A_9, %get3A_10] : memref<1x1xf32, #tpu.memory_space<vmem>>, vector<1x1xf32>
    %get3A_12 = vector.extract %get3A_11[0, 0] : f32 from vector<1x1xf32>
    %add3A_13 = arith.constant 1.000000e+00 : f32
    %add3A_14 = arith.addf %add3A_13, %get3A_12 : f32
    %get3A_15 = arith.constant 0 : index
    %get3A_16 = arith.constant 0 : index
    %get3A_17 = vector.load %arg2[%get3A_15, %get3A_16] : memref<10000x128xf32, #tpu.memory_space<vmem>>, vector<10000x128xf32>
    %mul3A = vector.broadcast %add3A_14 : f32 to vector<10000x128xf32>
    %mul3A_18 = arith.mulf %mul3A, %get3A_17 : vector<10000x128xf32>
    %add3A_19 = arith.addf %mul3A_18, %add3A : vector<10000x128xf32>
    %get3A_20 = arith.constant 0 : index
    %get3A_21 = arith.constant 0 : index
    %get3A_22 = vector.load %arg5[%get3A_20, %get3A_21] : memref<128x128xf32, #tpu.memory_space<vmem>>, vector<128x128xf32>
    %dot_general3A = arith.constant dense<0.000000e+00> : vector<10000x128xf32>
    %dot_general3A_23 = tpu.matmul %add3A_19, %get3A_22, %dot_general3A {dimension_numbers = #tpu.dot_dimension_numbers<[1], [0], [0], [1], [0, 0, 1, 1], [], []>, transpose_lhs_hint = false} : vector<10000x128xf32>, vector<128x128xf32>, vector<10000x128xf32> -> vector<10000x128xf32>
    %get3A_24 = arith.constant 0 : index
    %get3A_25 = arith.constant 0 : index
    %get3A_26 = vector.load %arg6[%get3A_24, %get3A_25] : memref<1x128xf32, #tpu.memory_space<vmem>>, vector<1x128xf32>
    %add3A_27 = vector.broadcast %get3A_26 : vector<1x128xf32> to vector<10000x128xf32>
    %add3A_28 = arith.addf %dot_general3A_23, %add3A_27 : vector<10000x128xf32>
    %get3A_29 = arith.constant 0 : index
    %get3A_30 = arith.constant 0 : index
    %get3A_31 = vector.load %arg7[%get3A_29, %get3A_30] : memref<1x128xf32, #tpu.memory_space<vmem>>, vector<1x128xf32>
    %get3A_32 = arith.constant 0 : index
    %get3A_33 = arith.constant 0 : index
    %get3A_34 = vector.load %arg8[%get3A_32, %get3A_33] : memref<1x128xf32, #tpu.memory_space<vmem>>, vector<1x128xf32>
    %reduce_sum3A = arith.constant dense<0.000000e+00> : vector<128xf32>
    %reduce_sum3A_35 = vector.multi_reduction <add>, %add3A_28, %reduce_sum3A [0] : vector<10000x128xf32> to vector<128xf32>
    %div3A = arith.constant 1.000000e+04 : f32
    %div3A_36 = vector.broadcast %div3A : f32 to vector<128xf32>
    %div3A_37 = arith.divf %reduce_sum3A_35, %div3A_36 : vector<128xf32>
    %jit3A = arith.constant 0 : i32
    %reduce_sum3A_38 = arith.constant dense<0.000000e+00> : vector<128xf32>
    %reduce_sum3A_39 = vector.multi_reduction <add>, %add3A_28, %reduce_sum3A_38 [0] : vector<10000x128xf32> to vector<128xf32>
    %broadcast_in_dim3A = vector.shape_cast %reduce_sum3A_39 : vector<128xf32> to vector<1x128xf32>
    %div3A_40 = arith.constant 1.000000e+04 : f32
    %div3A_41 = vector.broadcast %div3A_40 : f32 to vector<1x128xf32>
    %div3A_42 = arith.divf %broadcast_in_dim3A, %div3A_41 : vector<1x128xf32>
    %sub3A = vector.broadcast %div3A_42 : vector<1x128xf32> to vector<10000x128xf32>
    %sub3A_43 = arith.subf %add3A_28, %sub3A : vector<10000x128xf32>
    %square3A = arith.mulf %sub3A_43, %sub3A_43 : vector<10000x128xf32>
    %convert_element_type3A = arith.sitofp %jit3A : i32 to f32
    %sub3A_44 = arith.constant 1.000000e+04 : f32
    %sub3A_45 = arith.subf %sub3A_44, %convert_element_type3A : f32
    %reduce_sum3A_46 = arith.constant dense<0.000000e+00> : vector<128xf32>
    %reduce_sum3A_47 = vector.multi_reduction <add>, %square3A, %reduce_sum3A_46 [0] : vector<10000x128xf32> to vector<128xf32>
    %div3A_48 = vector.broadcast %sub3A_45 : f32 to vector<128xf32>
    %div3A_49 = arith.divf %reduce_sum3A_47, %div3A_48 : vector<128xf32>
    %gt3A = arith.constant 0.000000e+00 : f32
    %gt3A_50 = arith.cmpf ogt, %sub3A_45, %gt3A : f32
    %jit3A_51 = arith.constant 0x7FC00000 : f32
    %broadcast_in_dim3A_52 = vector.broadcast %jit3A_51 : f32 to vector<128xf32>
    %select_n3A = arith.select %gt3A_50, %div3A_49, %broadcast_in_dim3A_52 : vector<128xf32>
    %broadcast_in_dim3A_53 = vector.shape_cast %div3A_37 : vector<128xf32> to vector<1x128xf32>
    %sub3A_54 = vector.broadcast %broadcast_in_dim3A_53 : vector<1x128xf32> to vector<10000x128xf32>
    %sub3A_55 = arith.subf %add3A_28, %sub3A_54 : vector<10000x128xf32>
    %add3A_56 = arith.constant 9.99999974E-6 : f32
    %add3A_57 = vector.broadcast %add3A_56 : f32 to vector<128xf32>
    %add3A_58 = arith.addf %select_n3A, %add3A_57 : vector<128xf32>
    %sqrt3A = math.sqrt %add3A_58 : vector<128xf32>
    %broadcast_in_dim3A_59 = vector.shape_cast %sqrt3A : vector<128xf32> to vector<1x128xf32>
    %div3A_60 = vector.broadcast %broadcast_in_dim3A_59 : vector<1x128xf32> to vector<10000x128xf32>
    %div3A_61 = arith.divf %sub3A_55, %div3A_60 : vector<10000x128xf32>
    %mul3A_62 = vector.broadcast %get3A_31 : vector<1x128xf32> to vector<10000x128xf32>
    %mul3A_63 = arith.mulf %div3A_61, %mul3A_62 : vector<10000x128xf32>
    %add3A_64 = vector.broadcast %get3A_34 : vector<1x128xf32> to vector<10000x128xf32>
    %add3A_65 = arith.addf %mul3A_63, %add3A_64 : vector<10000x128xf32>
    %ge3A = arith.constant 0.000000e+00 : f32
    %ge3A_66 = vector.broadcast %ge3A : f32 to vector<10000x128xf32>
    %ge3A_67 = arith.cmpf oge, %add3A_65, %ge3A_66 : vector<10000x128xf32>
    %mul3A_68 = arith.constant 0.00999999977 : f32
    %mul3A_69 = vector.broadcast %mul3A_68 : f32 to vector<10000x128xf32>
    %mul3A_70 = arith.mulf %mul3A_69, %add3A_65 : vector<10000x128xf32>
    %select_n3A_71 = arith.select %ge3A_67, %add3A_65, %mul3A_70 : vector<10000x128xi1>, vector<10000x128xf32>
    %get3A_72 = arith.constant 0 : index
    %get3A_73 = arith.constant 0 : index
    %get3A_74 = vector.load %arg1[%get3A_72, %get3A_73] : memref<64x128xf32, #tpu.memory_space<vmem>>, vector<64x128xf32>
    %get3A_75 = arith.constant 0 : index
    %get3A_76 = arith.constant 0 : index
    %get3A_77 = vector.load %arg9[%get3A_75, %get3A_76] : memref<384x128xf32, #tpu.memory_space<vmem>>, vector<128x128xf32>
    %dot_general3A_78 = arith.constant dense<0.000000e+00> : vector<64x128xf32>
    %dot_general3A_79 = tpu.matmul %get3A_74, %get3A_77, %dot_general3A_78 {dimension_numbers = #tpu.dot_dimension_numbers<[1], [0], [0], [1], [0, 0, 1, 1], [], []>, transpose_lhs_hint = false} : vector<64x128xf32>, vector<128x128xf32>, vector<64x128xf32> -> vector<64x128xf32>
    %get3A_80 = arith.constant 0 : index
    %get3A_81 = arith.constant 0 : index
    %get3A_82 = vector.load %arg0[%get3A_80, %get3A_81] : memref<10000x1xi32, #tpu.memory_space<vmem>>, vector<10000x1xi32>
    %iota3A = tpu.iota {dimensions = array<i32: 1>} : vector<1x64xi32>
    %eq3A = vector.broadcast %get3A_82 : vector<10000x1xi32> to vector<10000x64xi32>
    %eq3A_83 = vector.broadcast %iota3A : vector<1x64xi32> to vector<10000x64xi32>
    %eq3A_84 = arith.cmpi eq, %eq3A, %eq3A_83 : vector<10000x64xi32>
    %convert_element_type3A_85 = arith.extui %eq3A_84 : vector<10000x64xi1> to vector<10000x64xi32>
    %convert_element_type3A_86 = arith.sitofp %convert_element_type3A_85 : vector<10000x64xi32> to vector<10000x64xf32>
    %dot_general3A_87 = arith.constant dense<0.000000e+00> : vector<10000x128xf32>
    %dot_general3A_88 = tpu.matmul %convert_element_type3A_86, %dot_general3A_79, %dot_general3A_87 {dimension_numbers = #tpu.dot_dimension_numbers<[1], [0], [0], [1], [0, 0, 1, 1], [], []>, transpose_lhs_hint = false} : vector<10000x64xf32>, vector<64x128xf32>, vector<10000x128xf32> -> vector<10000x128xf32>
    %get3A_89 = arith.constant 0 : index
    %get3A_90 = arith.constant 0 : index
    %get3A_91 = vector.load %arg2[%get3A_89, %get3A_90] : memref<10000x128xf32, #tpu.memory_space<vmem>>, vector<10000x128xf32>
    %get3A_92 = arith.constant 128 : index
    %get3A_93 = arith.constant 0 : index
    %get3A_94 = vector.load %arg9[%get3A_92, %get3A_93] : memref<384x128xf32, #tpu.memory_space<vmem>>, vector<128x128xf32>
    %dot_general3A_95 = arith.constant dense<0.000000e+00> : vector<10000x128xf32>
    %dot_general3A_96 = tpu.matmul %get3A_91, %get3A_94, %dot_general3A_95 {dimension_numbers = #tpu.dot_dimension_numbers<[1], [0], [0], [1], [0, 0, 1, 1], [], []>, transpose_lhs_hint = false} : vector<10000x128xf32>, vector<128x128xf32>, vector<10000x128xf32> -> vector<10000x128xf32>
    %add3A_97 = arith.addf %dot_general3A_88, %dot_general3A_96 : vector<10000x128xf32>
    %get3A_98 = arith.constant 256 : index
    %get3A_99 = arith.constant 0 : index
    %get3A_100 = vector.load %arg9[%get3A_98, %get3A_99] : memref<384x128xf32, #tpu.memory_space<vmem>>, vector<128x128xf32>
    %dot_general3A_101 = arith.constant dense<0.000000e+00> : vector<10000x128xf32>
    %dot_general3A_102 = tpu.matmul %select_n3A_71, %get3A_100, %dot_general3A_101 {dimension_numbers = #tpu.dot_dimension_numbers<[1], [0], [0], [1], [0, 0, 1, 1], [], []>, transpose_lhs_hint = false} : vector<10000x128xf32>, vector<128x128xf32>, vector<10000x128xf32> -> vector<10000x128xf32>
    %add3A_103 = arith.addf %add3A_97, %dot_general3A_102 : vector<10000x128xf32>
    %get3A_104 = arith.constant 0 : index
    %get3A_105 = arith.constant 0 : index
    %get3A_106 = vector.load %arg10[%get3A_104, %get3A_105] : memref<1x128xf32, #tpu.memory_space<vmem>>, vector<1x128xf32>
    %add3A_107 = vector.broadcast %get3A_106 : vector<1x128xf32> to vector<10000x128xf32>
    %add3A_108 = arith.addf %add3A_103, %add3A_107 : vector<10000x128xf32>
    %get3A_109 = arith.constant 0 : index
    %get3A_110 = arith.constant 0 : index
    %get3A_111 = vector.load %arg11[%get3A_109, %get3A_110] : memref<1x128xf32, #tpu.memory_space<vmem>>, vector<1x128xf32>
    %get3A_112 = arith.constant 0 : index
    %get3A_113 = arith.constant 0 : index
    %get3A_114 = vector.load %arg12[%get3A_112, %get3A_113] : memref<1x128xf32, #tpu.memory_space<vmem>>, vector<1x128xf32>
    %reduce_sum3A_115 = arith.constant dense<0.000000e+00> : vector<128xf32>
    %reduce_sum3A_116 = vector.multi_reduction <add>, %add3A_108, %reduce_sum3A_115 [0] : vector<10000x128xf32> to vector<128xf32>
    %div3A_117 = arith.constant 1.000000e+04 : f32
    %div3A_118 = vector.broadcast %div3A_117 : f32 to vector<128xf32>
    %div3A_119 = arith.divf %reduce_sum3A_116, %div3A_118 : vector<128xf32>
    %jit3A_120 = arith.constant 0 : i32
    %reduce_sum3A_121 = arith.constant dense<0.000000e+00> : vector<128xf32>
    %reduce_sum3A_122 = vector.multi_reduction <add>, %add3A_108, %reduce_sum3A_121 [0] : vector<10000x128xf32> to vector<128xf32>
    %broadcast_in_dim3A_123 = vector.shape_cast %reduce_sum3A_122 : vector<128xf32> to vector<1x128xf32>
    %div3A_124 = arith.constant 1.000000e+04 : f32
    %div3A_125 = vector.broadcast %div3A_124 : f32 to vector<1x128xf32>
    %div3A_126 = arith.divf %broadcast_in_dim3A_123, %div3A_125 : vector<1x128xf32>
    %sub3A_127 = vector.broadcast %div3A_126 : vector<1x128xf32> to vector<10000x128xf32>
    %sub3A_128 = arith.subf %add3A_108, %sub3A_127 : vector<10000x128xf32>
    %square3A_129 = arith.mulf %sub3A_128, %sub3A_128 : vector<10000x128xf32>
    %convert_element_type3A_130 = arith.sitofp %jit3A_120 : i32 to f32
    %sub3A_131 = arith.constant 1.000000e+04 : f32
    %sub3A_132 = arith.subf %sub3A_131, %convert_element_type3A_130 : f32
    %reduce_sum3A_133 = arith.constant dense<0.000000e+00> : vector<128xf32>
    %reduce_sum3A_134 = vector.multi_reduction <add>, %square3A_129, %reduce_sum3A_133 [0] : vector<10000x128xf32> to vector<128xf32>
    %div3A_135 = vector.broadcast %sub3A_132 : f32 to vector<128xf32>
    %div3A_136 = arith.divf %reduce_sum3A_134, %div3A_135 : vector<128xf32>
    %gt3A_137 = arith.constant 0.000000e+00 : f32
    %gt3A_138 = arith.cmpf ogt, %sub3A_132, %gt3A_137 : f32
    %jit3A_139 = arith.constant 0x7FC00000 : f32
    %broadcast_in_dim3A_140 = vector.broadcast %jit3A_139 : f32 to vector<128xf32>
    %select_n3A_141 = arith.select %gt3A_138, %div3A_136, %broadcast_in_dim3A_140 : vector<128xf32>
    %broadcast_in_dim3A_142 = vector.shape_cast %div3A_119 : vector<128xf32> to vector<1x128xf32>
    %sub3A_143 = vector.broadcast %broadcast_in_dim3A_142 : vector<1x128xf32> to vector<10000x128xf32>
    %sub3A_144 = arith.subf %add3A_108, %sub3A_143 : vector<10000x128xf32>
    %add3A_145 = arith.constant 9.99999974E-6 : f32
    %add3A_146 = vector.broadcast %add3A_145 : f32 to vector<128xf32>
    %add3A_147 = arith.addf %select_n3A_141, %add3A_146 : vector<128xf32>
    %sqrt3A_148 = math.sqrt %add3A_147 : vector<128xf32>
    %broadcast_in_dim3A_149 = vector.shape_cast %sqrt3A_148 : vector<128xf32> to vector<1x128xf32>
    %div3A_150 = vector.broadcast %broadcast_in_dim3A_149 : vector<1x128xf32> to vector<10000x128xf32>
    %div3A_151 = arith.divf %sub3A_144, %div3A_150 : vector<10000x128xf32>
    %mul3A_152 = vector.broadcast %get3A_111 : vector<1x128xf32> to vector<10000x128xf32>
    %mul3A_153 = arith.mulf %div3A_151, %mul3A_152 : vector<10000x128xf32>
    %add3A_154 = vector.broadcast %get3A_114 : vector<1x128xf32> to vector<10000x128xf32>
    %add3A_155 = arith.addf %mul3A_153, %add3A_154 : vector<10000x128xf32>
    %ge3A_156 = arith.constant 0.000000e+00 : f32
    %ge3A_157 = vector.broadcast %ge3A_156 : f32 to vector<10000x128xf32>
    %ge3A_158 = arith.cmpf oge, %add3A_155, %ge3A_157 : vector<10000x128xf32>
    %mul3A_159 = arith.constant 0.00999999977 : f32
    %mul3A_160 = vector.broadcast %mul3A_159 : f32 to vector<10000x128xf32>
    %mul3A_161 = arith.mulf %mul3A_160, %add3A_155 : vector<10000x128xf32>
    %select_n3A_162 = arith.select %ge3A_158, %add3A_155, %mul3A_161 : vector<10000x128xi1>, vector<10000x128xf32>
    %get3A_163 = arith.constant 0 : index
    %get3A_164 = arith.constant 0 : index
    %get3A_165 = vector.load %arg13[%get3A_163, %get3A_164] : memref<128x1xf32, #tpu.memory_space<vmem>>, vector<128x1xf32>
    %dot_general3A_166 = arith.constant dense<0.000000e+00> : vector<10000x1xf32>
    %dot_general3A_167 = tpu.matmul %select_n3A_162, %get3A_165, %dot_general3A_166 {dimension_numbers = #tpu.dot_dimension_numbers<[1], [0], [0], [1], [0, 0, 1, 1], [], []>, transpose_lhs_hint = false} : vector<10000x128xf32>, vector<128x1xf32>, vector<10000x1xf32> -> vector<10000x1xf32>
    %get3A_168 = arith.constant 0 : index
    %get3A_169 = arith.constant 0 : index
    %get3A_170 = vector.load %arg14[%get3A_168, %get3A_169] : memref<1x1xf32, #tpu.memory_space<vmem>>, vector<1x1xf32>
    %add3A_171 = vector.broadcast %get3A_170 : vector<1x1xf32> to vector<10000x1xf32>
    %add3A_172 = arith.addf %dot_general3A_167, %add3A_171 : vector<10000x1xf32>
    %logistic3A = arith.negf %add3A_172 : vector<10000x1xf32>
    %logistic3A_173 = math.exp %logistic3A : vector<10000x1xf32>
    %logistic3A_174 = arith.constant 1.000000e+00 : f32
    %logistic3A_175 = vector.broadcast %logistic3A_174 : f32 to vector<10000x1xf32>
    %logistic3A_176 = arith.addf %logistic3A_175, %logistic3A_173 : vector<10000x1xf32>
    %logistic3A_177 = arith.divf %logistic3A_175, %logistic3A_176 : vector<10000x1xf32>
    %swap3A = arith.constant 0 : index
    %swap3A_178 = arith.constant 0 : index
    %swap3A_179 = vector.load %arg15[%swap3A, %swap3A_178] : memref<10000x1xf32, #tpu.memory_space<vmem>>, vector<10000x1xf32>
    tpu.vector_store %arg15[%swap3A, %swap3A_178], %logistic3A_177 {strides = array<i32>} : memref<10000x1xf32, #tpu.memory_space<vmem>>, vector<10000x1xf32>,
    return
  }
}

</mosaic_0001>

<sc_bundles>
// kernel: kernel.6.cloned.1.call-start
scs
__scs_entry_jumppad:
0x0: {  	(pc) =	sbr.rel $0x88, $3  }
0x1: {  	(tag) =	ssettag $0x0;
	lr =	simm.s32 $0x1  }
0x2: {  	[smem:$0x3F8E] =	sst lr;
	_ =	strace $0xD0000000  }
0x3: {  	_ = 	snop  }
0x4: {  	_ = 	snop  }
0x5: {  	_ = 	snop  }
0x6: {  	_ = 	snop  }
0x7: {  	_ = 	snop  }
__scs_overlays_trampoline_lowered:
0x8: {  	[smem:$0x3F9D] =	sst s0  }
0x9: {  	[smem:$0x3F9E] =	sst s1  }
0xa: {  	[smem:$0x3F9F] =	sst s2  }
0xb: {  	[smem:$0x3FA0] =	sst s3  }
0xc: {  	[smem:$0x3FA1] =	sst s4  }
0xd: {  	[smem:$0x3FA2] =	sst s5  }
0xe: {  	[smem:$0x3FA3] =	sst s6  }
0xf: {  	[smem:$0x3FA4] =	sst s7  }
0x10: {  	[smem:$0x3FA5] =	sst s8  }
0x11: {  	[smem:$0x3FA6] =	sst s9;
	s0 =	simm.s32 @!p0 $0x0  }
0x12: {  	s1 =	sld [smem:$0x3F8C];
	s0 =	simm.s32 @p0 $0x1  }
0x13: {  	[smem:$0x3FA7] =	sst s0;
	s0 =	simm.s32 @!p1 $0x0  }
0x14: {  	s2 =	sld [smem:$0x3F8B];
	s0 =	simm.s32 @p1 $0x1  }
0x15: {  	[smem:$0x3FA8] =	sst s0;
	s0 =	simm.s32 @!p2 $0x0  }
0x16: {  	s3 =	sld [smem:$0x3FDB];
	s0 =	simm.s32 @p2 $0x1  }
0x17: {  	s4 =	simm.s32 $0x1BF5;
	[smem:$0x3FAA] =	sst s0  }
0x18: {  	s0 =	sld [smem:$0x3F8D];
	_ =	swait.ge [sflag:s4], $0x0  }
0x19: {  	s7 =	sld [smem:$0x3F8E]  }
0x1a: {  	s8 =	sadd.s32 $0xFFFFE003, lr  }
0x1b: {  	s9 =	sadd.s32 $0xFFFFFEF7, lr;
	s5 =	simm.s32 $0xFFFFFFFF;
	p2 =	slt.u32 s8, $0xFFFFF086  }
0x1c: {  	p1 =	slt.u32 s9, $0xF7A;
	s5 =	simm.s32 @!p2 $0x0  }
0x1d: {  	s5 =	simm.s32 @p1 $0x1;
	p0 =	seq.s32 s7, s2  }
0x1e: {  	s7 =	smul.u32 @!p0 $0xF7A, s2;
	p2 =	seq.s32 @!p0 s5, $0x0  }
0x1f: {  	s9 =	smul.u32 $0xF7A, s1;
	s8 =	simm.s32 @!p0 $0x1BF5;
	p2 =	por !p2, p0  }
0x20: {  	[sflag:s8] =	ssyncset.s32 @!p0 $0xFFFFF086;
	s6 =	sadd.s32 @!p0 s3, s7;
	s7 =	simm.s32 @!p0 $0x108  }
0x21: {  	s3 =	sadd.s32 s3, s9;
	s6 =	sadd.s32 @!p0 $0x88, s6;
	s7 =	simm.s32 @p2 $0x1082  }
0x22: {  	[simem:s7], [sflag:s8] =	dma.local @!p0 [hbm:s6], $0xF7A  }
0x23: {  	s9 =	sor.u32 $0xD0000000, s2;
	s6 =	simm.s32 $0x108;
	_ =	swait.ge @!p0 [sflag:s8], $0x0  }
0x24: {  	s3 =	sadd.s32 $0x88, s3;
	s6 =	simm.s32 @!p1 $0x1082;
	[sflag:s4] =	ssyncset.s32 $0xFFFFF086  }
0x25: {  	[simem:s6], [sflag:s4] =	dma.local [hbm:s3], $0xF7A  }
0x26: {  	[smem:$0x3F8E] =	sst s1;
	(tag) =	ssettag s2;
	_ =	strace s9  }
0x27: {  	s1 =	sld [smem:$0x3F9E]  }
0x28: {  	s2 =	sld [smem:$0x3F9F]  }
0x29: {  	s4 =	sld [smem:$0x3FA1]  }
0x2a: {  	p0 =	seq.s32 s5, $0x0;
	s5 =	sld [smem:$0x3FA2]  }
0x2b: {  	s6 =	sld [smem:$0x3FA3]  }
0x2c: {  	s7 =	sld [smem:$0x3FA4]  }
0x2d: {  	s3 =	simm.s32 $0x108;
	s8 =	sld [smem:$0x3FA5]  }
0x2e: {  	s3 =	simm.s32 @!p0 $0x1082;
	s9 =	sld [smem:$0x3FA6]  }
0x2f: {  	lr =	sadd.s32 s0, s3;
	s0 =	sld [smem:$0x3F9D]  }
0x30: {  	s3 =	sld [smem:$0x3FA0]  }
0x31: {  	[smem:$0x3FA9] =	sst s10  }
0x32: {  	s10 =	sld [smem:$0x3FA7];
	_ =	sdelay $0x3  }
0x33: {  	p0 =	seq.s32 s10, $0x1;
	s10 =	sld [smem:$0x3FA9];
	_ =	sdelay $0x3  }
0x34: {  	[smem:$0x3FA9] =	sst s10  }
0x35: {  	s10 =	sld [smem:$0x3FA8];
	_ =	sdelay $0x3  }
0x36: {  	p1 =	seq.s32 s10, $0x1;
	s10 =	sld [smem:$0x3FA9];
	_ =	sdelay $0x3  }
0x37: {  	[smem:$0x3FA9] =	sst s10  }
0x38: {  	s10 =	sld [smem:$0x3FAA]  }
0x39: {  	_ = 	snop;
	(pc) =	sbr.ind lr, $3  }
0x3a: {  	_ = 	snop  }
0x3b: {  	_ = 	snop  }
0x3c: {  	p2 =	seq.s32 s10, $0x1;
	s10 =	sld [smem:$0x3FA9]  }
0x3d: {  	_ =	shalt  }
0x3e: {  	_ =	shalt  }
0x3f: {  	_ =	shalt  }
0x40: {  	_ =	shalt  }
0x41: {  	_ =	shalt  }
0x42: {  	_ =	shalt  }
0x43: {  	_ =	shalt  }
0x44: {  	_ =	shalt  }
0x45: {  	_ =	shalt  }
0x46: {  	_ =	shalt  }
0x47: {  	_ =	shalt  }
0x48: {  	_ =	shalt  }
0x49: {  	_ =	shalt  }
0x4a: {  	_ =	shalt  }
0x4b: {  	_ =	shalt  }
0x4c: {  	_ =	shalt  }
0x4d: {  	_ =	shalt  }
0x4e: {  	_ =	shalt  }
0x4f: {  	_ =	shalt  }
0x50: {  	_ =	shalt  }
0x51: {  	_ =	shalt  }
0x52: {  	_ =	shalt  }
0x53: {  	_ =	shalt  }
0x54: {  	_ =	shalt  }
0x55: {  	_ =	shalt  }
0x56: {  	_ =	shalt  }
0x57: {  	_ =	shalt  }
0x58: {  	_ =	shalt  }
0x59: {  	_ =	shalt  }
0x5a: {  	_ =	shalt  }
0x5b: {  	_ =	shalt  }
0x5c: {  	_ =	shalt  }
0x5d: {  	_ =	shalt  }
0x5e: {  	_ =	shalt  }
0x5f: {  	_ =	shalt  }
0x60: {  	_ =	shalt  }
0x61: {  	_ =	shalt  }
0x62: {  	_ =	shalt  }
0x63: {  	_ =	shalt  }
0x64: {  	_ =	shalt  }
0x65: {  	_ =	shalt  }
0x66: {  	_ =	shalt  }
0x67: {  	_ =	shalt  }
0x68: {  	_ =	shalt  }
0x69: {  	_ =	shalt  }
0x6a: {  	_ =	shalt  }
0x6b: {  	_ =	shalt  }
0x6c: {  	_ =	shalt  }
0x6d: {  	_ =	shalt  }
0x6e: {  	_ =	shalt  }
0x6f: {  	_ =	shalt  }
0x70: {  	_ =	shalt  }
0x71: {  	_ =	shalt  }
0x72: {  	_ =	shalt  }
0x73: {  	_ =	shalt  }
0x74: {  	_ =	shalt  }
0x75: {  	_ =	shalt  }
0x76: {  	_ =	shalt  }
0x77: {  	_ =	shalt  }
0x78: {  	_ =	shalt  }
0x79: {  	_ =	shalt  }
0x7a: {  	_ =	shalt  }
0x7b: {  	_ =	shalt  }
0x7c: {  	_ =	shalt  }
0x7d: {  	_ =	shalt  }
0x7e: {  	_ =	shalt  }
0x7f: {  	_ =	shalt  }
0x80: {  	_ =	shalt  }
0x81: {  	_ =	shalt  }
0x82: {  	_ =	shalt  }
0x83: {  	_ =	shalt  }
0x84: {  	_ =	shalt  }
0x85: {  	_ =	shalt  }
0x86: {  	_ =	shalt  }
0x87: {  	_ =	shalt  }
.Lfunc_end0:
.L_simem_size_0:
called_computation_lowered:
.L_overlay_start_0:
0x88: {  	s2 =	sld [smem:$0x3FD9]  }
0x89: {  	s3 =	sld [smem:$0x3FFE];
	_ =	sdelay $0x1  }
0x8a: {  	s1 =	srdreg.scid  }
0x8b: {  	s0 =	sand.u32 $0x1, s1  }
0x8c: {  	s17 =	sshll.u32 s0, $0xA;
	s2 =	sadd.s32 s3, s2  }
0x8d: {  	s2 =	sadd.s32 s2, s17  }
0x8e: {  	[smem:$0x3FB5] =	sst s2  }
0x8f: {  	_ = 	snop  }
0x90: {  	s2 =	sld [smem:$0x3FD0];
	(tm) =	ssettm $0x1  }
0x91: {  	s18 =	sld [smem:$0x3FFB];
	_ =	sdelay $0x3  }
0x92: {  	_ =	strace s18  }
0x93: {  	s3 =	sld [smem:$0x3FFC];
	_ =	sdelay $0x3  }
0x94: {  	_ =	strace s3  }
0x95: {  	s3 =	sld [smem:$0x3FFD];
	_ =	sdelay $0x3  }
0x96: {  	_ =	strace s3  }
0x97: {  	_ =	strace $0x8FFFFFFF  }
0x98: {  	s19 =	sld [smem:$0x3FDB];
	_ =	sdelay $0x1  }
0x99: {  	s4 =	simm.s32 $_scs_section_size  }
0x9a: {  	s5 =	simm.s32 $_size__tile_overlayer_lowered;
	s6 =	simm.s32 $_tile_overlayer_lowered  }
0x9b: {  	s22 =	simm.s32 $0x1BFF;
	s21 =	sshll.u32 s6, $0x1;
	s3 =	sadd.s32 s4, s19  }
0x9c: {  	s7 =	simm.s32 $0x0;
	s20 =	sshll.u32 s5, $0x1;
	s5 =	sadd.s32 s21, s3  }
0x9d: {  	[timem:s7], [sflag:s22] =	dma.local [hbm:s5], s20  }
0x9e: {  	_ =	swait.ge [sflag:s22], s20  }
0x9f: {  	s4 =	ssub.s32 $0x0, s20;
	[sflag:s22] =	ssyncset.done $0x0  }
0xa0: {  	[sflag:s22] =	ssyncadd.s32 s4;
	_ =	sdelay $0x1  }
0xa1: {  	s23 =	simm.s32 $0x1B8B  }
0xa2: {  	_ =	swait.ge [sflag:s23], $0x1  }
0xa3: {  	[sflag:s23] =	ssyncset.done $0x0  }
0xa4: {  	s25 =	simm.s32 $0x1B8E;
	s24 =	sld [smem:$0x3FFE];
	[sflag:s23] =	ssyncadd.s32 $0xFFFFFFFF  }
0xa5: {  	s26 =	simm.s32 $execute0_lowered;
	[smem:$0x3FD2] =	sst s25  }
0xa6: {  	s5 =	sshll.u32 s26, $0x1;
	_ =	strace $0x80000046;
	[dreg:$0x1] =	wrdreg $0xFFFFFFFF  }
0xa7: {  	s28 =	simm.s32 $_size_execute0_lowered;
	s3 =	sadd.s32 s3, s5;
	[dreg:$0x0] =	wrdreg $0x0  }
0xa8: {  	s5 =	sshll.u32 s28, $0x1;
	[dreg:$0x2] =	wrdreg s3  }
0xa9: {  	[dreg:$0x3] =	wrdreg s5  }
0xaa: {  	[dreg:$0x4] =	wrdreg $0xC0  }
0xab: {  	_ =	task [dreg:s7], $0x5FFFF  }
0xac: {  	[dreg:$0x1] =	wrdreg $0xFFFFFFFF  }
0xad: {  	[dreg:$0x0] =	wrdreg $0x60  }
0xae: {  	[dreg:$0x2] =	wrdreg s2  }
0xaf: {  	[dreg:$0x3] =	wrdreg s24  }
0xb0: {  	[dreg:$0x4] =	wrdreg $0x118800  }
0xb1: {  	[dreg:$0x5] =	wrdreg $0x9  }
0xb2: {  	_ =	task.clear_ibuf [dreg:s7], $0x6FFFF;
	_ =	strace $0x90000046  }
0xb3: {  	s29 =	simm.s32 $0x9;
	_ =	strace $0x80000048  }
0xb4: {  	_ =	swait.ge [sflag:s29], $0x1  }
0xb5: {  	[sflag:s29] =	ssyncadd.s32 $0xFFFFFFFF  }
0xb6: {  	_ =	strace $0x90000048  }
0xb7: {  	_ =	sfence  }
0xb8: {  	s30 =	sld [smem:$0x0];
	_ =	sdelay $0x2  }
0xb9: {  	s31 =	sshll.u32 s1, $0xD;
	s1 =	sshrl.u32 s1, $0x2  }
0xba: {  	s3 =	sand.u32 $0x4000, s31;
	s1 =	sadd.s32 s1, s30  }
0xbb: {  	s0 =	sor.u32 s3, s0;
	s1 =	sshll.u32 s1, $0x11  }
0xbc: {  	s0 =	sor.u32 s1, s0  }
0xbd: {  	s0 =	sadd.s32 $0x8F2B, s0  }
0xbe: {  	[sflag:s0] =	ssyncadd.remote.s32 $0x1  }
0xbf: {  	_ =	sfence.sel $0xFFFF  }
0xc0: {  	[dreg:$0x0] =	wrdreg $0xFFFFFFFF;
	(pc) =	sbr.abs _section_cstart, $3  }
0xc1: {  	[dreg:$0x1] =	wrdreg $0xFFFFFFFF  }
0xc2: {  	_ =	task.clear_ibuf [dreg:s7], $0x2FFFF;
	_ =	strace $0x9FFFFFFF  }
0xc3: {  	(tm) =	ssettm $0x7FFFFFFF  }
tec
execute0_lowered:
.L_overlay_start_1:
0x0: {  	(tag) =	ssettag $0x1  }
0x1: {  	s1 =	rddreg [dreg:$0x0]  }
0x2: {  	s2 =	srdreg.scid;
	s6 =	rddreg [dreg:$0x1]  }
0x3: {  	s0 =	stileid.u32;
	s3 =	rddreg [dreg:$0x2]  }
0x4: {  	s4 =	simm.s32 $0x0;
	s13 =	simm.s32 $0x7880;
	s14 =	simm.s32 $0x80  }
0x5: {  	s15 =	simm.s32 $0x1;
	s16 =	simm.s32 $0x7800;
	s17 =	simm.s32 $0x100  }
0x6: {  	s18 =	simm.s32 $0x0;
	s5 =	sand.u32 $0x1, s2;
	s8 =	smul.u32 $0x14000, s0  }
0x7: {  	s28 =	sshll.u32 s0, $0x1;
	[smem:$0x7FF] =	sst s4;
	s10 =	smul.u32 $0x28000, s0  }
0x8: {  	s2 =	sor.u32 s5, s28;
	s9 =	sshll.u32 s5, $0x7;
	s29 =	ssub.s32 $0x2, s5  }
0x9: {  	s5 =	sadd.s32 $0x16200, s6;
	s7 =	smul.u32 $0x500, s2;
	s2 =	rddreg [dreg:$0x3]  }
0xa: {  	_ =	strace $0x80000047;
	s8 =	sor.u32 s9, s8;
	s30 =	sshrl.u32 s29, $0x1  }
0xb: {  	s31 =	sshrl.u32 s10, $0x2;
	s8 =	sshrl.u32 s8, $0x3;
	s12 =	ssub.s32 s29, s30  }
0xc: {  	s7 =	sadd.s32 s7, s6;
	s11 =	sadd.s32 s8, s6;
	s8 =	sadd.s32 s31, s3  }
0xd: {  	s10 =	smax.u32 s12, $0x1;
	s12 =	simm.s32 $0x2800;
	s6 =	sadd.s32 $0x2200, s7  }
0xe: {  	v0 =	vimm.f32 $1.000000000e+00;
	s7 =	sadd.s32 $0xC200, s7;
	s9 =	sadd.s32 $0x17600, s11;
	s11 =	simm.s32 $0x2  }
.LBB2_1:
0xf: {  	[tilespmem:s4], [sflag:$0x2] =	stream.linear.gather [hbm4b:s6+s4], $0x2800, $0x38;
	[tilespmem:$0x1B880] =	vst v63  }
0x10: {  	_ =	swait.ge [sflag:s11], $0x2800  }
0x11: {  	[sflag:s11] =	ssyncset.done $0x0  }
0x12: {  	[sflag:s11] =	ssyncadd.s32 $0xFFFFD800  }
0x13: {  	[tilespmem:s12], [sflag:$0x2] =	stream.linear.gather [hbm4b:s7+s4], $0x2800, $0x38;
	[tilespmem:$0x1B880] =	vst v63  }
0x14: {  	_ =	swait.ge [sflag:s11], $0x2800  }
0x15: {  	[sflag:s11] =	ssyncset.done $0x0  }
0x16: {  	[sflag:s11] =	ssyncadd.s32 $0xFFFFD800  }
0x17: {  	[tilespmem:s13], [sflag:$0x2] =	stream.linear.gather [hbm4b:s5+s4], $0xA000, $0x38;
	[tilespmem:$0x1B880] =	vst v63  }
0x18: {  	_ =	swait.ge [sflag:s11], $0xA000  }
0x19: {  	[sflag:s11] =	ssyncset.done $0x0  }
0x1a: {  	[sflag:s11] =	ssyncadd.s32 $0xFFFF6000  }
0x1b: {  	[tilespmem:$0x7800] =	vst v0  }
0x1c: {  	[tilespmem:$0x7810] =	vst v0  }
0x1d: {  	[tilespmem:$0x7820] =	vst v0  }
0x1e: {  	[tilespmem:$0x7830] =	vst v0  }
0x1f: {  	[tilespmem:$0x7840] =	vst v0  }
0x20: {  	[tilespmem:$0x7850] =	vst v0  }
0x21: {  	[tilespmem:$0x7860] =	vst v0  }
0x22: {  	[tilespmem:$0x7870] =	vst v0  }
0x23: {  	[spmem:s8] =	stream.linear.scatter [tilespmem:s13], [sflag:$0x2], $0xA000, $0x38;
	[tilespmem:$0x1B880] =	vst v63  }
0x24: {  	_ =	swait.ge [sflag:s11], $0xA000  }
0x25: {  	[sflag:s11] =	ssyncset.done $0x0  }
0x26: {  	s19 =	simm.s32 $0x0;
	[sflag:s11] =	ssyncadd.s32 $0xFFFF6000  }
.LBB2_2:
0x27: {  	p0 =	sne.s32 s19, $0x9E00  }
.Ltmp0:
0x28: {  	_ = 	snop;
	(pc) =	sbr.rel @p0 .LBB2_2-.Ltmp0, $4  }
0x29: {  	_ = 	snop  }
0x2a: {  	s20 =	sshra.s32 s19, $0x2  }
0x2b: {  	s19 =	sadd.s32 $0x200, s19;
	s21 =	sadd.s32 $0x5000, s20  }
0x2c: {  	[tilespmem:s21], [sflag:$0x1] =	stream.indirect.gather [hbm4b:s1+s14], $0x1, s20, s14, $0xb8;
	[tilespmem:$0x1B880] =	vst v63  }
0x2d: {  	s19 =	simm.s32 $0x50  }
.LBB2_4:
0x2e: {  	p0 =	sne.s32 s19, $0x1  }
.Ltmp1:
0x2f: {  	_ = 	snop;
	(pc) =	sbr.rel @p0 .LBB2_4-.Ltmp1, $4  }
0x30: {  	_ = 	snop  }
0x31: {  	_ =	swait.ge [sflag:s15], $0x80  }
0x32: {  	[sflag:s15] =	ssyncset.done $0x0  }
0x33: {  	s19 =	sadd.s32 $0xFFFFFFFF, s19;
	[sflag:s15] =	ssyncadd.s32 $0xFFFFFF80  }
0x34: {  	s19 =	simm.s32 $0x0  }
0x35: {  	v7 =	vld [tilespmem:s19+$0x2800]  }
0x36: {  	v13 =	vld [tilespmem:s19+$0x2810]  }
0x37: {  	v6 =	vld [tilespmem:s19+$0x2820]  }
0x38: {  	v5 =	vld [tilespmem:s19+$0x2830]  }
0x39: {  	v4 =	vld [tilespmem:s19+$0x2840]  }
0x3a: {  	v3 =	vld [tilespmem:s19+$0x2850]  }
0x3b: {  	v2 =	vld [tilespmem:s19+$0x2860]  }
0x3c: {  	v1 =	vld [tilespmem:s19+$0x2870]  }
0x3d: {  	v12 =	vld [tilespmem:s19+$0x5000]  }
0x3e: {  	v11 =	vld [tilespmem:s19+$0x5010]  }
0x3f: {  	v10 =	vld [tilespmem:s19+$0x5020]  }
0x40: {  	v9 =	vld [tilespmem:s19+$0x5030]  }
0x41: {  	v8 =	vld [tilespmem:s19+$0x5040];
	v7 =	vshll.u32 v7, $0x6  }
0x42: {  	s20 =	simm.s32 $0x200;
	v13 =	vshll.u32 v13, $0x6;
	v12 =	vadd.s32 v12, v7;
	v7 =	vld [tilespmem:s19+$0x5050]  }
.LBB2_6:
0x43: {  	p0 =	sne.s32 s20, $0x9E00;
	[tilespmem:s19+$0x5000] =	vst v12;
	v11 =	vadd.s32 v11, v13;
	v6 =	vshll.u32 v6, $0x6;
	v12 =	vld [tilespmem:s19+$0x5060]  }
0x44: {  	s21 =	sshra.s32 s20, $0x2;
	v5 =	vshll.u32 v5, $0x6;
	[tilespmem:s19+$0x5010] =	vst v11;
	v6 =	vadd.s32 v10, v6;
	v10 =	vld [tilespmem:s19+$0x5070]  }
0x45: {  	v4 =	vshll.u32 v4, $0x6;
	v13 =	vld [tilespmem:s21+$0x2800];
	[tilespmem:s19+$0x5020] =	vst v6;
	v5 =	vadd.s32 v9, v5  }
0x46: {  	v3 =	vshll.u32 v3, $0x6;
	v14 =	vld [tilespmem:s21+$0x2810];
	[tilespmem:s19+$0x5030] =	vst v5;
	v4 =	vadd.s32 v8, v4  }
0x47: {  	v2 =	vshll.u32 v2, $0x6;
	v6 =	vld [tilespmem:s21+$0x2820];
	[tilespmem:s19+$0x5040] =	vst v4;
	v3 =	vadd.s32 v7, v3  }
0x48: {  	v1 =	vshll.u32 v1, $0x6;
	v5 =	vld [tilespmem:s21+$0x2830];
	[tilespmem:s19+$0x5050] =	vst v3;
	v2 =	vadd.s32 v12, v2  }
0x49: {  	v4 =	vld [tilespmem:s21+$0x2840];
	[tilespmem:s19+$0x5060] =	vst v2;
	v1 =	vadd.s32 v10, v1  }
0x4a: {  	v3 =	vld [tilespmem:s21+$0x2850];
	[tilespmem:s19+$0x5070] =	vst v1;
	s19 =	smov.u32 s21  }
0x4b: {  	v2 =	vld [tilespmem:s19+$0x2860]  }
0x4c: {  	v1 =	vld [tilespmem:s19+$0x2870]  }
0x4d: {  	v7 =	vld [tilespmem:s19+$0x5000]  }
.Ltmp2:
0x4e: {  	v11 =	vld [tilespmem:s19+$0x5010];
	(pc) =	sbr.rel @p0 .LBB2_6-.Ltmp2, $4  }
0x4f: {  	v10 =	vld [tilespmem:s19+$0x5020]  }
0x50: {  	v9 =	vld [tilespmem:s19+$0x5030]  }
0x51: {  	v12 =	vshll.u32 v13, $0x6;
	v8 =	vld [tilespmem:s19+$0x5040]  }
0x52: {  	s20 =	sadd.s32 $0x200, s20;
	v13 =	vshll.u32 v14, $0x6;
	v12 =	vadd.s32 v7, v12;
	v7 =	vld [tilespmem:s19+$0x5050]  }
0x53: {  	[tilespmem:s19+$0x5000] =	vst v12;
	v11 =	vadd.s32 v11, v13;
	v62 =	vld [tilespmem:s19+$0x5060];
	v6 =	vshll.u32 v6, $0x6  }
0x54: {  	v5 =	vshll.u32 v5, $0x6;
	v63 =	vld [tilespmem:s19+$0x5070];
	[tilespmem:s19+$0x5010] =	vst v11;
	v6 =	vadd.s32 v10, v6  }
0x55: {  	v4 =	vshll.u32 v4, $0x6;
	[tilespmem:s19+$0x5020] =	vst v6;
	v5 =	vadd.s32 v9, v5  }
0x56: {  	v3 =	vshll.u32 v3, $0x6;
	[tilespmem:s19+$0x5030] =	vst v5;
	v4 =	vadd.s32 v8, v4  }
0x57: {  	v2 =	vshll.u32 v2, $0x6;
	[tilespmem:s19+$0x5040] =	vst v4;
	v3 =	vadd.s32 v7, v3  }
0x58: {  	v1 =	vshll.u32 v1, $0x6;
	[tilespmem:s19+$0x5050] =	vst v3;
	v2 =	vadd.s32 v62, v2  }
0x59: {  	v1 =	vadd.s32 v63, v1;
	[tilespmem:s19+$0x5060] =	vst v2  }
0x5a: {  	[tilespmem:s19+$0x5070] =	vst v1  }
0x5b: {  	s19 =	simm.s32 $0x0;
	[bflag:$0x0] =	sbarrier.arrive $0xFFFF  }
.LBB2_8:
0x5c: {  	p0 =	sne.s32 s19, $0x9E00  }
.Ltmp3:
0x5d: {  	_ = 	snop;
	(pc) =	sbr.rel @p0 .LBB2_8-.Ltmp3, $4  }
0x5e: {  	_ = 	snop  }
0x5f: {  	s20 =	sshra.s32 s19, $0x2  }
0x60: {  	s19 =	sadd.s32 $0x200, s19;
	s20 =	sadd.s32 $0x5000, s20  }
0x61: {  	[spmem:s3] =	stream.indirect.scatter.add.f32 [tilespmem:s16], [sflag:$0x1], $0x1, s20, s14, $0xb8;
	[tilespmem:$0x1B880] =	vst v63  }
0x62: {  	_ =	swait.ge [sflag:s15], $0x80  }
0x63: {  	s19 =	simm.s32 $0x4F;
	[sflag:s15] =	ssyncset.done $0x0  }
.LBB2_10:
0x64: {  	p0 =	sne.s32 s19, $0x1;
	s19 =	sadd.s32 $0xFFFFFFFF, s19;
	[sflag:s15] =	ssyncadd.s32 $0xFFFFFF80  }
.Ltmp4:
0x65: {  	(pc) =	sbr.rel @p0 .LBB2_10-.Ltmp4, $3  }
0x66: {  	_ =	sdelay $0x1  }
0x67: {  	_ =	swait.ge [sflag:s15], $0x80  }
0x68: {  	[sflag:s15] =	ssyncset.done $0x0  }
0x69: {  	[sflag:s15] =	ssyncadd.s32 $0xFFFFFF80  }
0x6a: {  	[bflag:$0x0] =	sbarrier.arrive $0xFFFF  }
0x6b: {  	[tilespmem:s13], [sflag:$0x2] =	stream.linear.gather [spmem:s8], $0xA000, $0x38;
	[tilespmem:$0x1B880] =	vst v63  }
0x6c: {  	s18 =	sadd.s32 $0x1, s18;
	_ =	swait.ge [sflag:s11], $0xA000  }
0x6d: {  	p0 =	sne.s32 s18, s10;
	[sflag:s11] =	ssyncset.done $0x0  }
.Ltmp5:
0x6e: {  	[sflag:s11] =	ssyncadd.s32 $0xFFFF6000;
	(pc) =	sbr.rel @p0 .LBB2_1-.Ltmp5, $4  }
0x6f: {  	[hbm4b:s9+s14] =	stream.strided.scatter [tilespmem:s13], [sflag:$0x2], $0xA000, s17, s14, $0x38;
	[tilespmem:$0x1B880] =	vst v63  }
0x70: {  	_ =	swait.ge [sflag:s11], $0xA000  }
0x71: {  	[sflag:s11] =	ssyncset.done $0x0  }
0x72: {  	[sflag:s11] =	ssyncadd.s32 $0xFFFF6000  }
0x73: {  	_ =	sfence.sel $0x180000  }
0x74: {  	[bflag:$0x0] =	sbarrier.arrive $0xFFFF  }
0x75: {  	p0 =	sne.s32 s0, $0x0;
	_ =	strace $0x90000047  }
0x76: {  	s0 =	sadd.s32 @!p0 $0x100000, s2;
	[bflag:$0x2] =	sbarrier.arrive $0xFFFF  }
0x77: {  	[sflag:s0] =	ssyncadd.tile.s32 @!p0 $0x1;
	_ =	shalt  }
.Lfunc_end2:
_tile_overlayer_lowered:
.L_overlay_start_2:
0x78: {  	(tag) =	ssettag $0x2  }
0x79: {  	s0 =	rddreg [dreg:$0x0];
	s2 =	stileid.u32  }
0x7a: {  	s1 =	rddreg [dreg:$0x1];
	p0 =	sne.s32 s2, $0x0  }
0x7b: {  	s3 =	rddreg [dreg:$0x2];
	[bflag:$0x3] =	sbarrier.arrive $0xFFFF;
	s2 =	simm.s32 @!p0 $0x1C02  }
0x7c: {  	[timem:s3], [sflag:s2] =	dma.local @!p0 [hbm:s0], s1  }
0x7d: {  	s0 =	simm.s32 @!p0 $0x2  }
0x7e: {  	_ =	swait.ge @!p0 [sflag:s0], s1  }
0x7f: {  	s1 =	ssub.s32 @!p0 $0x0, s1;
	[sflag:s0] =	ssyncset.done @!p0 $0x0  }
0x80: {  	[sflag:s0] =	ssyncadd.s32 @!p0 s1  }
0x81: {  	[bflag:$0x3] =	sbarrier.arrive $0xFFFF  }
0x82: {  	_ =	shalt  }

// kernel: kernel.9.cloned.1.call-start
scs
__scs_entry_jumppad:
0x0: {  	(pc) =	sbr.rel $0x88, $3  }
0x1: {  	(tag) =	ssettag $0x0;
	lr =	simm.s32 $0x1  }
0x2: {  	[smem:$0x3F8E] =	sst lr;
	_ =	strace $0xD0000000  }
0x3: {  	_ = 	snop  }
0x4: {  	_ = 	snop  }
0x5: {  	_ = 	snop  }
0x6: {  	_ = 	snop  }
0x7: {  	_ = 	snop  }
__scs_overlays_trampoline_lowered:
0x8: {  	[smem:$0x3F9D] =	sst s0  }
0x9: {  	[smem:$0x3F9E] =	sst s1  }
0xa: {  	[smem:$0x3F9F] =	sst s2  }
0xb: {  	[smem:$0x3FA0] =	sst s3  }
0xc: {  	[smem:$0x3FA1] =	sst s4  }
0xd: {  	[smem:$0x3FA2] =	sst s5  }
0xe: {  	[smem:$0x3FA3] =	sst s6  }
0xf: {  	[smem:$0x3FA4] =	sst s7  }
0x10: {  	[smem:$0x3FA5] =	sst s8  }
0x11: {  	[smem:$0x3FA6] =	sst s9;
	s0 =	simm.s32 @!p0 $0x0  }
0x12: {  	s1 =	sld [smem:$0x3F8C];
	s0 =	simm.s32 @p0 $0x1  }
0x13: {  	[smem:$0x3FA7] =	sst s0;
	s0 =	simm.s32 @!p1 $0x0  }
0x14: {  	s2 =	sld [smem:$0x3F8B];
	s0 =	simm.s32 @p1 $0x1  }
0x15: {  	[smem:$0x3FA8] =	sst s0;
	s0 =	simm.s32 @!p2 $0x0  }
0x16: {  	s3 =	sld [smem:$0x3FDB];
	s0 =	simm.s32 @p2 $0x1  }
0x17: {  	s4 =	simm.s32 $0x1BF5;
	[smem:$0x3FAA] =	sst s0  }
0x18: {  	s0 =	sld [smem:$0x3F8D];
	_ =	swait.ge [sflag:s4], $0x0  }
0x19: {  	s7 =	sld [smem:$0x3F8E]  }
0x1a: {  	s8 =	sadd.s32 $0xFFFFE003, lr  }
0x1b: {  	s9 =	sadd.s32 $0xFFFFFEF7, lr;
	s5 =	simm.s32 $0xFFFFFFFF;
	p2 =	slt.u32 s8, $0xFFFFF086  }
0x1c: {  	p1 =	slt.u32 s9, $0xF7A;
	s5 =	simm.s32 @!p2 $0x0  }
0x1d: {  	s5 =	simm.s32 @p1 $0x1;
	p0 =	seq.s32 s7, s2  }
0x1e: {  	s7 =	smul.u32 @!p0 $0xF7A, s2;
	p2 =	seq.s32 @!p0 s5, $0x0  }
0x1f: {  	s9 =	smul.u32 $0xF7A, s1;
	s8 =	simm.s32 @!p0 $0x1BF5;
	p2 =	por !p2, p0  }
0x20: {  	[sflag:s8] =	ssyncset.s32 @!p0 $0xFFFFF086;
	s6 =	sadd.s32 @!p0 s3, s7;
	s7 =	simm.s32 @!p0 $0x108  }
0x21: {  	s3 =	sadd.s32 s3, s9;
	s6 =	sadd.s32 @!p0 $0x88, s6;
	s7 =	simm.s32 @p2 $0x1082  }
0x22: {  	[simem:s7], [sflag:s8] =	dma.local @!p0 [hbm:s6], $0xF7A  }
0x23: {  	s9 =	sor.u32 $0xD0000000, s2;
	s6 =	simm.s32 $0x108;
	_ =	swait.ge @!p0 [sflag:s8], $0x0  }
0x24: {  	s3 =	sadd.s32 $0x88, s3;
	s6 =	simm.s32 @!p1 $0x1082;
	[sflag:s4] =	ssyncset.s32 $0xFFFFF086  }
0x25: {  	[simem:s6], [sflag:s4] =	dma.local [hbm:s3], $0xF7A  }
0x26: {  	[smem:$0x3F8E] =	sst s1;
	(tag) =	ssettag s2;
	_ =	strace s9  }
0x27: {  	s1 =	sld [smem:$0x3F9E]  }
0x28: {  	s2 =	sld [smem:$0x3F9F]  }
0x29: {  	s4 =	sld [smem:$0x3FA1]  }
0x2a: {  	p0 =	seq.s32 s5, $0x0;
	s5 =	sld [smem:$0x3FA2]  }
0x2b: {  	s6 =	sld [smem:$0x3FA3]  }
0x2c: {  	s7 =	sld [smem:$0x3FA4]  }
0x2d: {  	s3 =	simm.s32 $0x108;
	s8 =	sld [smem:$0x3FA5]  }
0x2e: {  	s3 =	simm.s32 @!p0 $0x1082;
	s9 =	sld [smem:$0x3FA6]  }
0x2f: {  	lr =	sadd.s32 s0, s3;
	s0 =	sld [smem:$0x3F9D]  }
0x30: {  	s3 =	sld [smem:$0x3FA0]  }
0x31: {  	[smem:$0x3FA9] =	sst s10  }
0x32: {  	s10 =	sld [smem:$0x3FA7];
	_ =	sdelay $0x3  }
0x33: {  	p0 =	seq.s32 s10, $0x1;
	s10 =	sld [smem:$0x3FA9];
	_ =	sdelay $0x3  }
0x34: {  	[smem:$0x3FA9] =	sst s10  }
0x35: {  	s10 =	sld [smem:$0x3FA8];
	_ =	sdelay $0x3  }
0x36: {  	p1 =	seq.s32 s10, $0x1;
	s10 =	sld [smem:$0x3FA9];
	_ =	sdelay $0x3  }
0x37: {  	[smem:$0x3FA9] =	sst s10  }
0x38: {  	s10 =	sld [smem:$0x3FAA]  }
0x39: {  	_ = 	snop;
	(pc) =	sbr.ind lr, $3  }
0x3a: {  	_ = 	snop  }
0x3b: {  	_ = 	snop  }
0x3c: {  	p2 =	seq.s32 s10, $0x1;
	s10 =	sld [smem:$0x3FA9]  }
0x3d: {  	_ =	shalt  }
0x3e: {  	_ =	shalt  }
0x3f: {  	_ =	shalt  }
0x40: {  	_ =	shalt  }
0x41: {  	_ =	shalt  }
0x42: {  	_ =	shalt  }
0x43: {  	_ =	shalt  }
0x44: {  	_ =	shalt  }
0x45: {  	_ =	shalt  }
0x46: {  	_ =	shalt  }
0x47: {  	_ =	shalt  }
0x48: {  	_ =	shalt  }
0x49: {  	_ =	shalt  }
0x4a: {  	_ =	shalt  }
0x4b: {  	_ =	shalt  }
0x4c: {  	_ =	shalt  }
0x4d: {  	_ =	shalt  }
0x4e: {  	_ =	shalt  }
0x4f: {  	_ =	shalt  }
0x50: {  	_ =	shalt  }
0x51: {  	_ =	shalt  }
0x52: {  	_ =	shalt  }
0x53: {  	_ =	shalt  }
0x54: {  	_ =	shalt  }
0x55: {  	_ =	shalt  }
0x56: {  	_ =	shalt  }
0x57: {  	_ =	shalt  }
0x58: {  	_ =	shalt  }
0x59: {  	_ =	shalt  }
0x5a: {  	_ =	shalt  }
0x5b: {  	_ =	shalt  }
0x5c: {  	_ =	shalt  }
0x5d: {  	_ =	shalt  }
0x5e: {  	_ =	shalt  }
0x5f: {  	_ =	shalt  }
0x60: {  	_ =	shalt  }
0x61: {  	_ =	shalt  }
0x62: {  	_ =	shalt  }
0x63: {  	_ =	shalt  }
0x64: {  	_ =	shalt  }
0x65: {  	_ =	shalt  }
0x66: {  	_ =	shalt  }
0x67: {  	_ =	shalt  }
0x68: {  	_ =	shalt  }
0x69: {  	_ =	shalt  }
0x6a: {  	_ =	shalt  }
0x6b: {  	_ =	shalt  }
0x6c: {  	_ =	shalt  }
0x6d: {  	_ =	shalt  }
0x6e: {  	_ =	shalt  }
0x6f: {  	_ =	shalt  }
0x70: {  	_ =	shalt  }
0x71: {  	_ =	shalt  }
0x72: {  	_ =	shalt  }
0x73: {  	_ =	shalt  }
0x74: {  	_ =	shalt  }
0x75: {  	_ =	shalt  }
0x76: {  	_ =	shalt  }
0x77: {  	_ =	shalt  }
0x78: {  	_ =	shalt  }
0x79: {  	_ =	shalt  }
0x7a: {  	_ =	shalt  }
0x7b: {  	_ =	shalt  }
0x7c: {  	_ =	shalt  }
0x7d: {  	_ =	shalt  }
0x7e: {  	_ =	shalt  }
0x7f: {  	_ =	shalt  }
0x80: {  	_ =	shalt  }
0x81: {  	_ =	shalt  }
0x82: {  	_ =	shalt  }
0x83: {  	_ =	shalt  }
0x84: {  	_ =	shalt  }
0x85: {  	_ =	shalt  }
0x86: {  	_ =	shalt  }
0x87: {  	_ =	shalt  }
.Lfunc_end0:
.L_simem_size_0:
called_computation.1_lowered:
.L_overlay_start_0:
0x88: {  	s2 =	sld [smem:$0x3FD9]  }
0x89: {  	s3 =	sld [smem:$0x3FFE];
	_ =	sdelay $0x1  }
0x8a: {  	s1 =	srdreg.scid  }
0x8b: {  	s0 =	sand.u32 $0x1, s1  }
0x8c: {  	s16 =	sshll.u32 s0, $0xA;
	s2 =	sadd.s32 s3, s2  }
0x8d: {  	s2 =	sadd.s32 s2, s16  }
0x8e: {  	[smem:$0x3FB5] =	sst s2  }
0x8f: {  	_ = 	snop  }
0x90: {  	(tm) =	ssettm $0x1  }
0x91: {  	s17 =	sld [smem:$0x3FFB];
	_ =	sdelay $0x3  }
0x92: {  	_ =	strace s17  }
0x93: {  	s2 =	sld [smem:$0x3FFC];
	_ =	sdelay $0x3  }
0x94: {  	_ =	strace s2  }
0x95: {  	s2 =	sld [smem:$0x3FFD];
	_ =	sdelay $0x3  }
0x96: {  	_ =	strace s2  }
0x97: {  	_ =	strace $0x8FFFFFFF  }
0x98: {  	s18 =	sld [smem:$0x3FDB];
	_ =	sdelay $0x1  }
0x99: {  	s19 =	simm.s32 $_scs_section_size  }
0x9a: {  	s4 =	simm.s32 $_size__tile_overlayer_lowered;
	s5 =	simm.s32 $_tile_overlayer_lowered  }
0x9b: {  	s22 =	simm.s32 $0x1BFF;
	s21 =	sshll.u32 s5, $0x1;
	s2 =	sadd.s32 s19, s18  }
0x9c: {  	s6 =	simm.s32 $0x0;
	s20 =	sshll.u32 s4, $0x1;
	s4 =	sadd.s32 s21, s2  }
0x9d: {  	[timem:s6], [sflag:s22] =	dma.local [hbm:s4], s20  }
0x9e: {  	_ =	swait.ge [sflag:s22], s20  }
0x9f: {  	s3 =	ssub.s32 $0x0, s20;
	[sflag:s22] =	ssyncset.done $0x0  }
0xa0: {  	[sflag:s22] =	ssyncadd.s32 s3;
	_ =	sdelay $0x1  }
0xa1: {  	s23 =	simm.s32 $0x1B8B  }
0xa2: {  	_ =	swait.ge [sflag:s23], $0x1  }
0xa3: {  	[sflag:s23] =	ssyncset.done $0x0  }
0xa4: {  	s25 =	simm.s32 $0x1B8E;
	s24 =	sld [smem:$0x3FFE];
	[sflag:s23] =	ssyncadd.s32 $0xFFFFFFFF  }
0xa5: {  	s26 =	simm.s32 $execute0_lowered;
	[smem:$0x3FD2] =	sst s25  }
0xa6: {  	s4 =	sshll.u32 s26, $0x1;
	_ =	strace $0x80000049;
	[dreg:$0x1] =	wrdreg $0xFFFFFFFF  }
0xa7: {  	s28 =	simm.s32 $_size_execute0_lowered;
	s2 =	sadd.s32 s2, s4;
	[dreg:$0x0] =	wrdreg $0x0  }
0xa8: {  	s4 =	sshll.u32 s28, $0x1;
	[dreg:$0x2] =	wrdreg s2  }
0xa9: {  	[dreg:$0x3] =	wrdreg s4  }
0xaa: {  	[dreg:$0x4] =	wrdreg $0xC0  }
0xab: {  	_ =	task [dreg:s6], $0x5FFFF  }
0xac: {  	[dreg:$0x1] =	wrdreg $0xFFFFFFFF  }
0xad: {  	[dreg:$0x0] =	wrdreg $0x60  }
0xae: {  	[dreg:$0x2] =	wrdreg s24  }
0xaf: {  	[dreg:$0x3] =	wrdreg $0xAC000  }
0xb0: {  	[dreg:$0x4] =	wrdreg $0x9  }
0xb1: {  	_ =	task.clear_ibuf [dreg:s6], $0x5FFFF;
	_ =	strace $0x90000049  }
0xb2: {  	s29 =	simm.s32 $0x9;
	_ =	strace $0x8000004B  }
0xb3: {  	_ =	swait.ge [sflag:s29], $0x1  }
0xb4: {  	[sflag:s29] =	ssyncadd.s32 $0xFFFFFFFF  }
0xb5: {  	_ =	strace $0x9000004B  }
0xb6: {  	_ =	sfence  }
0xb7: {  	s30 =	sld [smem:$0x0];
	_ =	sdelay $0x2  }
0xb8: {  	s31 =	sshll.u32 s1, $0xD;
	s1 =	sshrl.u32 s1, $0x2  }
0xb9: {  	s3 =	sand.u32 $0x4000, s31;
	s1 =	sadd.s32 s1, s30  }
0xba: {  	s0 =	sor.u32 s3, s0;
	s1 =	sshll.u32 s1, $0x11  }
0xbb: {  	s0 =	sor.u32 s1, s0  }
0xbc: {  	s0 =	sadd.s32 $0x8F2B, s0  }
0xbd: {  	[sflag:s0] =	ssyncadd.remote.s32 $0x1  }
0xbe: {  	_ =	sfence.sel $0xFFFF  }
0xbf: {  	[dreg:$0x0] =	wrdreg $0xFFFFFFFF;
	(pc) =	sbr.abs _section_cstart, $3  }
0xc0: {  	[dreg:$0x1] =	wrdreg $0xFFFFFFFF  }
0xc1: {  	_ =	task.clear_ibuf [dreg:s6], $0x2FFFF;
	_ =	strace $0x9FFFFFFF  }
0xc2: {  	(tm) =	ssettm $0x7FFFFFFF  }
0xc3: {  	_ =	shalt  }
tec
execute0_lowered:
.L_overlay_start_1:
0x0: {  	(tag) =	ssettag $0x1  }
0x1: {  	s0 =	srdreg.scid  }
0x2: {  	s18 =	stileid.u32;
	s1 =	rddreg [dreg:$0x0]  }
0x3: {  	s2 =	rddreg [dreg:$0x1];
	s28 =	simm.s32 $0xB;
	s20 =	smul.u32 $0x14000, s18  }
0x4: {  	s29 =	simm.s32 $0x2800;
	s30 =	simm.s32 $0x2880;
	s23 =	smul.u32 $0x50000, s18  }
0x5: {  	s0 =	sand.u32 $0x1, s0;
	s3 =	sshll.u32 s18, $0x1;
	s18 =	smul.u32 $0x5000, s18  }
0x6: {  	s31 =	simm.s32 $0x2900;
	s4 =	sor.u32 s0, s3;
	s22 =	smul.u32 $0x140000, s0  }
0x7: {  	s3 =	simm.s32 $0x0;
	s7 =	ssub.s32 $0x2, s0;
	s0 =	smul.u32 $0x2800, s0  }
0x8: {  	s8 =	sadd.s32 $0x3D400, s1;
	s4 =	smul.u32 $0x2800, s4;
	[smem:$0x7FF] =	sst s3  }
0x9: {  	s9 =	sshrl.u32 s7, $0x1;
	s12 =	sadd.s32 $0x4000, s20;
	s13 =	sadd.s32 $0x8000, s20  }
0xa: {  	s15 =	sadd.s32 $0xC000, s20;
	_ =	strace $0x8000004A;
	[dreg:$0x3] =	wrdreg s8  }
0xb: {  	s8 =	sadd.s32 $0x3DC00, s1;
	s7 =	ssub.s32 s7, s9;
	s14 =	sadd.s32 s20, s22  }
0xc: {  	s9 =	sadd.s32 $0x10000, s20;
	s16 =	sadd.s32 s22, s12;
	s17 =	sadd.s32 s22, s13  }
0xd: {  	s0 =	sadd.s32 s0, s18;
	s26 =	sadd.s32 s22, s15;
	s18 =	sshrl.u32 s23, $0x2  }
0xe: {  	s23 =	sadd.s32 s12, s2;
	s12 =	simm.s32 $0x6C00;
	s5 =	sshrl.u32 s4, $0x3  }
0xf: {  	s4 =	sadd.s32 $0x16200, s1;
	s14 =	sshrl.u32 s14, $0x3;
	s16 =	sshrl.u32 s16, $0x3  }
0x10: {  	s17 =	sshrl.u32 s17, $0x3;
	s0 =	sor.u32 $0x400, s0;
	[dreg:$0x14] =	wrdreg s23  }
0x11: {  	s6 =	sadd.s32 s5, s1;
	s1 =	sadd.s32 $0xC270, s1;
	s14 =	sadd.s32 s8, s14  }
0x12: {  	s24 =	sadd.s32 s8, s16;
	s25 =	sadd.s32 s8, s17;
	[dreg:$0x8] =	wrdreg s14  }
0x13: {  	s0 =	sshrl.u32 s0, $0x3;
	s19 =	sadd.s32 $0x2200, s6;
	[dreg:$0x9] =	wrdreg s24  }
0x14: {  	s10 =	sadd.s32 $0xC200, s6;
	s21 =	sadd.s32 $0xC210, s6;
	[dreg:$0xa] =	wrdreg s25  }
0x15: {  	s11 =	sadd.s32 $0xC220, s6;
	s14 =	sshrl.u32 s26, $0x3;
	[dreg:$0x4] =	wrdreg s19  }
0x16: {  	s16 =	sadd.s32 $0xC230, s6;
	s5 =	sadd.s32 s5, s1;
	[dreg:$0x5] =	wrdreg s10  }
0x17: {  	s0 =	sadd.s32 s0, s1;
	s17 =	sadd.s32 $0xC240, s6;
	[dreg:$0x6] =	wrdreg s21  }
0x18: {  	s20 =	sadd.s32 $0xC260, s6;
	s24 =	sadd.s32 s13, s2;
	[dreg:$0x7] =	wrdreg s11  }
0x19: {  	s25 =	sadd.s32 s15, s2;
	s26 =	sadd.s32 s9, s2;
	[dreg:$0xd] =	wrdreg s16  }
0x1a: {  	s1 =	simm.s32 $0x2980;
	s13 =	simm.s32 $0xA;
	[dreg:$0xe] =	wrdreg s5  }
0x1b: {  	s15 =	simm.s32 $0x3;
	s10 =	sadd.s32 s22, s9;
	[dreg:$0xf] =	wrdreg s0  }
0x1c: {  	s14 =	sadd.s32 s8, s14;
	[dreg:$0x10] =	wrdreg s17;
	s19 =	sadd.s32 $0xC250, s6  }
0x1d: {  	[dreg:$0x12] =	wrdreg s20;
	s22 =	sadd.s32 s18, s2;
	s21 =	smax.u32 s7, $0x1  }
0x1e: {  	s0 =	simm.s32 $0x2A00;
	s5 =	simm.s32 $0x2A80;
	[dreg:$0x15] =	wrdreg s24  }
0x1f: {  	s6 =	simm.s32 $0x2B00;
	s7 =	simm.s32 $0x2B80;
	[dreg:$0x16] =	wrdreg s25  }
0x20: {  	s9 =	simm.s32 $0x80;
	s11 =	simm.s32 $0x1;
	[dreg:$0x17] =	wrdreg s26  }
0x21: {  	s16 =	simm.s32 $0x4;
	s18 =	simm.s32 $0x5;
	[dreg:$0xb] =	wrdreg s14  }
.Ltmp0:
0x22: {  	s17 =	simm.s32 $0x6;
	[dreg:$0x11] =	wrdreg s19;
	(pc) =	sbr.rel .LBB2_1-.Ltmp0, $4  }
0x23: {  	s20 =	simm.s32 $0x8;
	s10 =	sshrl.u32 s10, $0x3;
	[dreg:$0x18] =	wrdreg s21  }
0x24: {  	s14 =	simm.s32 $0x2;
	s21 =	simm.s32 $0x0;
	[dreg:$0x13] =	wrdreg s22  }
0x25: {  	s19 =	simm.s32 $0x7;
	s8 =	sadd.s32 s8, s10;
	[dreg:$0x19] =	wrdreg s21  }
0x26: {  	s10 =	simm.s32 $0x9;
	[dreg:$0xc] =	wrdreg s8;
	s8 =	simm.s32 $0x2C00  }
.LBB2_4:
0x27: {  	[bflag:$0x0] =	sbarrier.arrive $0xFFFF  }
0x28: {  	s21 =	rddreg [dreg:$0x13]  }
0x29: {  	[tilespmem:s8], [sflag:$0xB] =	stream.linear.gather [spmem:s21], $0x4000, $0x38;
	[tilespmem:$0x1EC00] =	vst v63  }
0x2a: {  	_ =	swait.ge [sflag:s28], $0x4000  }
0x2b: {  	[sflag:s28] =	ssyncset.done $0x0  }
0x2c: {  	s23 =	rddreg [dreg:$0x8];
	[sflag:s28] =	ssyncadd.s32 $0xFFFFC000  }
0x2d: {  	[hbm4b:s23+s3] =	stream.linear.scatter [tilespmem:s8], [sflag:$0xB], $0x4000, $0x38;
	[tilespmem:$0x1EC00] =	vst v63  }
0x2e: {  	_ =	swait.ge [sflag:s28], $0x4000  }
0x2f: {  	[sflag:s28] =	ssyncset.done $0x0  }
0x30: {  	s23 =	rddreg [dreg:$0x14];
	[sflag:s28] =	ssyncadd.s32 $0xFFFFC000  }
0x31: {  	[tilespmem:s8], [sflag:$0xB] =	stream.linear.gather [spmem:s23], $0x4000, $0x38;
	[tilespmem:$0x1EC00] =	vst v63  }
0x32: {  	_ =	swait.ge [sflag:s28], $0x4000  }
0x33: {  	[sflag:s28] =	ssyncset.done $0x0  }
0x34: {  	s24 =	rddreg [dreg:$0x9];
	[sflag:s28] =	ssyncadd.s32 $0xFFFFC000  }
0x35: {  	[hbm4b:s24+s3] =	stream.linear.scatter [tilespmem:s8], [sflag:$0xB], $0x4000, $0x38;
	[tilespmem:$0x1EC00] =	vst v63  }
0x36: {  	_ =	swait.ge [sflag:s28], $0x4000  }
0x37: {  	[sflag:s28] =	ssyncset.done $0x0  }
0x38: {  	s24 =	rddreg [dreg:$0x15];
	[sflag:s28] =	ssyncadd.s32 $0xFFFFC000  }
0x39: {  	[tilespmem:s8], [sflag:$0xB] =	stream.linear.gather [spmem:s24], $0x4000, $0x38;
	[tilespmem:$0x1EC00] =	vst v63  }
0x3a: {  	_ =	swait.ge [sflag:s28], $0x4000  }
0x3b: {  	[sflag:s28] =	ssyncset.done $0x0  }
0x3c: {  	s25 =	rddreg [dreg:$0xa];
	[sflag:s28] =	ssyncadd.s32 $0xFFFFC000  }
0x3d: {  	[hbm4b:s25+s3] =	stream.linear.scatter [tilespmem:s8], [sflag:$0xB], $0x4000, $0x38;
	[tilespmem:$0x1EC00] =	vst v63  }
0x3e: {  	_ =	swait.ge [sflag:s28], $0x4000  }
0x3f: {  	[sflag:s28] =	ssyncset.done $0x0  }
0x40: {  	s25 =	rddreg [dreg:$0x16];
	[sflag:s28] =	ssyncadd.s32 $0xFFFFC000  }
0x41: {  	[tilespmem:s8], [sflag:$0xB] =	stream.linear.gather [spmem:s25], $0x4000, $0x38;
	[tilespmem:$0x1EC00] =	vst v63  }
0x42: {  	_ =	swait.ge [sflag:s28], $0x4000  }
0x43: {  	[sflag:s28] =	ssyncset.done $0x0  }
0x44: {  	s26 =	rddreg [dreg:$0xb];
	[sflag:s28] =	ssyncadd.s32 $0xFFFFC000  }
0x45: {  	[hbm4b:s26+s3] =	stream.linear.scatter [tilespmem:s8], [sflag:$0xB], $0x4000, $0x38;
	[tilespmem:$0x1EC00] =	vst v63  }
0x46: {  	_ =	swait.ge [sflag:s28], $0x4000  }
0x47: {  	[sflag:s28] =	ssyncset.done $0x0  }
0x48: {  	s26 =	rddreg [dreg:$0x17];
	[sflag:s28] =	ssyncadd.s32 $0xFFFFC000  }
0x49: {  	[tilespmem:s8], [sflag:$0xB] =	stream.linear.gather [spmem:s26], $0x4000, $0x38;
	[tilespmem:$0x1EC00] =	vst v63  }
0x4a: {  	_ =	swait.ge [sflag:s28], $0x4000  }
0x4b: {  	[sflag:s28] =	ssyncset.done $0x0  }
0x4c: {  	s22 =	rddreg [dreg:$0xc];
	[sflag:s28] =	ssyncadd.s32 $0xFFFFC000  }
0x4d: {  	[hbm4b:s22+s3] =	stream.linear.scatter [tilespmem:s8], [sflag:$0xB], $0x4000, $0x38;
	[tilespmem:$0x1EC00] =	vst v63  }
0x4e: {  	_ =	swait.ge [sflag:s28], $0x4000  }
0x4f: {  	s22 =	rddreg [dreg:$0x19]  }
0x50: {  	s21 =	rddreg [dreg:$0x18];
	s22 =	sadd.s32 $0x1, s22  }
0x51: {  	p0 =	sne.s32 s22, s21  }
.Ltmp1:
0x52: {  	_ = 	snop;
	(pc) =	sbr.rel @!p0 .LBB2_5-.Ltmp1, $3  }
0x53: {  	_ =	sdelay $0x1  }
0x54: {  	[sflag:s28] =	ssyncset.done $0x0;
	[dreg:$0x19] =	wrdreg s22  }
0x55: {  	[sflag:s28] =	ssyncadd.s32 $0xFFFFC000;
	s22 =	rddreg [dreg:$0x13]  }
.LBB2_1:
0x56: {  	s21 =	rddreg [dreg:$0x4]  }
0x57: {  	[tilespmem:s3], [sflag:$0xB] =	stream.linear.gather [hbm4b:s21+s3], $0x2800, $0x38;
	[tilespmem:$0x1EC00] =	vst v63  }
0x58: {  	_ =	swait.ge [sflag:s28], $0x2800  }
0x59: {  	[sflag:s28] =	ssyncset.done $0x0  }
0x5a: {  	s21 =	rddreg [dreg:$0x5];
	[sflag:s28] =	ssyncadd.s32 $0xFFFFD800  }
0x5b: {  	[tilespmem:s29], [sflag:$0x1] =	stream.linear.gather [hbm4b:s21+s3], $0x80, $0x38;
	[tilespmem:$0x1EC00] =	vst v63  }
0x5c: {  	s21 =	rddreg [dreg:$0x6]  }
0x5d: {  	[tilespmem:s30], [sflag:$0x2] =	stream.linear.gather [hbm4b:s21+s3], $0x80, $0x38;
	[tilespmem:$0x1EC00] =	vst v63  }
0x5e: {  	s21 =	rddreg [dreg:$0x7]  }
0x5f: {  	[tilespmem:s31], [sflag:$0x3] =	stream.linear.gather [hbm4b:s21+s3], $0x80, $0x38;
	[tilespmem:$0x1EC00] =	vst v63  }
0x60: {  	s21 =	rddreg [dreg:$0xd]  }
0x61: {  	[tilespmem:s1], [sflag:$0x4] =	stream.linear.gather [hbm4b:s21+s3], $0x80, $0x38;
	[tilespmem:$0x1EC00] =	vst v63  }
0x62: {  	s21 =	rddreg [dreg:$0x10]  }
0x63: {  	[tilespmem:s0], [sflag:$0x5] =	stream.linear.gather [hbm4b:s21+s3], $0x80, $0x38;
	[tilespmem:$0x1EC00] =	vst v63  }
0x64: {  	s21 =	rddreg [dreg:$0x11]  }
0x65: {  	[tilespmem:s5], [sflag:$0x6] =	stream.linear.gather [hbm4b:s21+s3], $0x80, $0x38;
	[tilespmem:$0x1EC00] =	vst v63  }
0x66: {  	s21 =	rddreg [dreg:$0x12]  }
0x67: {  	[tilespmem:s6], [sflag:$0x7] =	stream.linear.gather [hbm4b:s21+s3], $0x80, $0x38;
	[tilespmem:$0x1EC00] =	vst v63  }
0x68: {  	s21 =	rddreg [dreg:$0xe]  }
0x69: {  	[tilespmem:s7], [sflag:$0x8] =	stream.linear.gather [hbm4b:s21+s3], $0x80, $0x38;
	[tilespmem:$0x1EC00] =	vst v63  }
0x6a: {  	s21 =	rddreg [dreg:$0x3]  }
0x6b: {  	[tilespmem:s8], [sflag:$0xB] =	stream.linear.gather [hbm4b:s21+s3], $0x4000, $0x38;
	[tilespmem:$0x1EC00] =	vst v63  }
0x6c: {  	_ =	swait.ge [sflag:s28], $0x4000  }
0x6d: {  	[sflag:s28] =	ssyncset.done $0x0  }
0x6e: {  	[sflag:s28] =	ssyncadd.s32 $0xFFFFC000  }
0x6f: {  	[spmem:s22] =	stream.linear.scatter [tilespmem:s8], [sflag:$0xB], $0x4000, $0x38;
	[tilespmem:$0x1EC00] =	vst v63  }
0x70: {  	_ =	swait.ge [sflag:s28], $0x4000  }
0x71: {  	[sflag:s28] =	ssyncset.done $0x0  }
0x72: {  	[sflag:s28] =	ssyncadd.s32 $0xFFFFC000  }
0x73: {  	[spmem:s23] =	stream.linear.scatter [tilespmem:s8], [sflag:$0xB], $0x4000, $0x38;
	[tilespmem:$0x1EC00] =	vst v63  }
0x74: {  	_ =	swait.ge [sflag:s28], $0x4000  }
0x75: {  	[sflag:s28] =	ssyncset.done $0x0  }
0x76: {  	[sflag:s28] =	ssyncadd.s32 $0xFFFFC000  }
0x77: {  	[spmem:s24] =	stream.linear.scatter [tilespmem:s8], [sflag:$0xB], $0x4000, $0x38;
	[tilespmem:$0x1EC00] =	vst v63  }
0x78: {  	_ =	swait.ge [sflag:s28], $0x4000  }
0x79: {  	[sflag:s28] =	ssyncset.done $0x0  }
0x7a: {  	[sflag:s28] =	ssyncadd.s32 $0xFFFFC000  }
0x7b: {  	[spmem:s25] =	stream.linear.scatter [tilespmem:s8], [sflag:$0xB], $0x4000, $0x38;
	[tilespmem:$0x1EC00] =	vst v63  }
0x7c: {  	_ =	swait.ge [sflag:s28], $0x4000  }
0x7d: {  	[sflag:s28] =	ssyncset.done $0x0  }
0x7e: {  	[sflag:s28] =	ssyncadd.s32 $0xFFFFC000  }
0x7f: {  	[spmem:s26] =	stream.linear.scatter [tilespmem:s8], [sflag:$0xB], $0x4000, $0x38;
	[tilespmem:$0x1EC00] =	vst v63  }
0x80: {  	_ =	swait.ge [sflag:s28], $0x4000  }
0x81: {  	[sflag:s28] =	ssyncset.done $0x0  }
0x82: {  	[sflag:s28] =	ssyncadd.s32 $0xFFFFC000  }
0x83: {  	[bflag:$0x0] =	sbarrier.arrive $0xFFFF  }
0x84: {  	s22 =	simm.s32 $0x0;
	s21 =	rddreg [dreg:$0xf]  }
.LBB2_2:
0x85: {  	s23 =	sshra.s32 s22, $0x2  }
0x86: {  	[tilespmem:s8], [sflag:$0x9] =	stream.indirect.gather [hbm4b:s4+s9], $0x80, s23, s9, $0xb8;
	[tilespmem:$0x1EC00] =	vst v63  }
0x87: {  	_ =	swait.ge [sflag:s10], $0x4000  }
0x88: {  	[sflag:s10] =	ssyncset.done $0x0  }
0x89: {  	[sflag:s10] =	ssyncadd.s32 $0xFFFFC000  }
0x8a: {  	_ =	swait.ge [sflag:s11], $0x80  }
0x8b: {  	[sflag:s11] =	ssyncset.done $0x0  }
0x8c: {  	[sflag:s11] =	ssyncadd.s32 $0xFFFFFF80  }
0x8d: {  	[spmem:s2] =	stream.indirect.scatter.add.f32 [tilespmem:s8], [sflag:$0xB], $0x80, s29, s9, $0xb8;
	[tilespmem:$0x1EC00] =	vst v63  }
0x8e: {  	p0 =	seq.s32 s22, $0x9000;
	_ =	swait.ge [sflag:s28], $0x4000  }
0x8f: {  	s25 =	sadd.s32 @!p0 $0xFFFFFF90, s21;
	[sflag:s28] =	ssyncset.done $0x0  }
0x90: {  	s24 =	simm.s32 @!p0 $0x0;
	s26 =	simm.s32 @!p0 $0x2800;
	[sflag:s28] =	ssyncadd.s32 $0xFFFFC000  }
0x91: {  	[tilespmem:s26], [sflag:$0x1] =	stream.linear.gather @!p0 [hbm4b:s25+s24], $0x80, $0x38;
	[tilespmem:$0x1EC00] =	vst v63  }
0x92: {  	s26 =	sadd.s32 $0x80, s23  }
0x93: {  	[tilespmem:s12], [sflag:$0xA] =	stream.indirect.gather [hbm4b:s4+s9], $0x80, s26, s9, $0xb8;
	[tilespmem:$0x1EC00] =	vst v63  }
0x94: {  	_ =	swait.ge [sflag:s13], $0x4000  }
0x95: {  	[sflag:s13] =	ssyncset.done $0x0  }
0x96: {  	[sflag:s13] =	ssyncadd.s32 $0xFFFFC000  }
0x97: {  	_ =	swait.ge [sflag:s14], $0x80  }
0x98: {  	[sflag:s14] =	ssyncset.done $0x0  }
0x99: {  	[sflag:s14] =	ssyncadd.s32 $0xFFFFFF80  }
0x9a: {  	[spmem:s2] =	stream.indirect.scatter.add.f32 [tilespmem:s12], [sflag:$0xB], $0x80, s30, s9, $0xb8;
	[tilespmem:$0x1EC00] =	vst v63  }
0x9b: {  	_ =	swait.ge [sflag:s28], $0x4000  }
0x9c: {  	[sflag:s28] =	ssyncset.done $0x0  }
0x9d: {  	s25 =	sadd.s32 @!p0 $0xFFFFFFA0, s21;
	s26 =	simm.s32 @!p0 $0x2880;
	[sflag:s28] =	ssyncadd.s32 $0xFFFFC000  }
0x9e: {  	[tilespmem:s26], [sflag:$0x2] =	stream.linear.gather @!p0 [hbm4b:s25+s24], $0x80, $0x38;
	[tilespmem:$0x1EC00] =	vst v63  }
0x9f: {  	s26 =	sadd.s32 $0x100, s23  }
0xa0: {  	[tilespmem:s8], [sflag:$0x9] =	stream.indirect.gather [hbm4b:s4+s9], $0x80, s26, s9, $0xb8;
	[tilespmem:$0x1EC00] =	vst v63  }
0xa1: {  	_ =	swait.ge [sflag:s10], $0x4000  }
0xa2: {  	[sflag:s10] =	ssyncset.done $0x0  }
0xa3: {  	[sflag:s10] =	ssyncadd.s32 $0xFFFFC000  }
0xa4: {  	_ =	swait.ge [sflag:s15], $0x80  }
0xa5: {  	[sflag:s15] =	ssyncset.done $0x0  }
0xa6: {  	[sflag:s15] =	ssyncadd.s32 $0xFFFFFF80  }
0xa7: {  	[spmem:s2] =	stream.indirect.scatter.add.f32 [tilespmem:s8], [sflag:$0xB], $0x80, s31, s9, $0xb8;
	[tilespmem:$0x1EC00] =	vst v63  }
0xa8: {  	_ =	swait.ge [sflag:s28], $0x4000  }
0xa9: {  	[sflag:s28] =	ssyncset.done $0x0  }
0xaa: {  	s25 =	sadd.s32 @!p0 $0xFFFFFFB0, s21;
	s26 =	simm.s32 @!p0 $0x2900;
	[sflag:s28] =	ssyncadd.s32 $0xFFFFC000  }
0xab: {  	[tilespmem:s26], [sflag:$0x3] =	stream.linear.gather @!p0 [hbm4b:s25+s24], $0x80, $0x38;
	[tilespmem:$0x1EC00] =	vst v63  }
0xac: {  	s26 =	sadd.s32 $0x180, s23  }
0xad: {  	[tilespmem:s12], [sflag:$0xA] =	stream.indirect.gather [hbm4b:s4+s9], $0x80, s26, s9, $0xb8;
	[tilespmem:$0x1EC00] =	vst v63  }
0xae: {  	_ =	swait.ge [sflag:s13], $0x4000  }
0xaf: {  	[sflag:s13] =	ssyncset.done $0x0  }
0xb0: {  	[sflag:s13] =	ssyncadd.s32 $0xFFFFC000  }
0xb1: {  	_ =	swait.ge [sflag:s16], $0x80  }
0xb2: {  	[sflag:s16] =	ssyncset.done $0x0  }
0xb3: {  	[sflag:s16] =	ssyncadd.s32 $0xFFFFFF80  }
0xb4: {  	[spmem:s2] =	stream.indirect.scatter.add.f32 [tilespmem:s12], [sflag:$0xB], $0x80, s1, s9, $0xb8;
	[tilespmem:$0x1EC00] =	vst v63  }
0xb5: {  	_ =	swait.ge [sflag:s28], $0x4000  }
0xb6: {  	[sflag:s28] =	ssyncset.done $0x0  }
0xb7: {  	s25 =	sadd.s32 @!p0 $0xFFFFFFC0, s21;
	s26 =	simm.s32 @!p0 $0x2980;
	[sflag:s28] =	ssyncadd.s32 $0xFFFFC000  }
0xb8: {  	[tilespmem:s26], [sflag:$0x4] =	stream.linear.gather @!p0 [hbm4b:s25+s24], $0x80, $0x38;
	[tilespmem:$0x1EC00] =	vst v63  }
0xb9: {  	s26 =	sadd.s32 $0x200, s23  }
0xba: {  	[tilespmem:s8], [sflag:$0x9] =	stream.indirect.gather [hbm4b:s4+s9], $0x80, s26, s9, $0xb8;
	[tilespmem:$0x1EC00] =	vst v63  }
0xbb: {  	_ =	swait.ge [sflag:s10], $0x4000  }
0xbc: {  	[sflag:s10] =	ssyncset.done $0x0  }
0xbd: {  	[sflag:s10] =	ssyncadd.s32 $0xFFFFC000  }
0xbe: {  	_ =	swait.ge [sflag:s18], $0x80  }
0xbf: {  	[sflag:s18] =	ssyncset.done $0x0  }
0xc0: {  	[sflag:s18] =	ssyncadd.s32 $0xFFFFFF80  }
0xc1: {  	[spmem:s2] =	stream.indirect.scatter.add.f32 [tilespmem:s8], [sflag:$0xB], $0x80, s0, s9, $0xb8;
	[tilespmem:$0x1EC00] =	vst v63  }
0xc2: {  	_ =	swait.ge [sflag:s28], $0x4000  }
0xc3: {  	[sflag:s28] =	ssyncset.done $0x0  }
0xc4: {  	s25 =	sadd.s32 @!p0 $0xFFFFFFD0, s21;
	s26 =	simm.s32 @!p0 $0x2A00;
	[sflag:s28] =	ssyncadd.s32 $0xFFFFC000  }
0xc5: {  	[tilespmem:s26], [sflag:$0x5] =	stream.linear.gather @!p0 [hbm4b:s25+s24], $0x80, $0x38;
	[tilespmem:$0x1EC00] =	vst v63  }
0xc6: {  	s26 =	sadd.s32 $0x280, s23  }
0xc7: {  	[tilespmem:s12], [sflag:$0xA] =	stream.indirect.gather [hbm4b:s4+s9], $0x80, s26, s9, $0xb8;
	[tilespmem:$0x1EC00] =	vst v63  }
0xc8: {  	_ =	swait.ge [sflag:s13], $0x4000  }
0xc9: {  	[sflag:s13] =	ssyncset.done $0x0  }
0xca: {  	[sflag:s13] =	ssyncadd.s32 $0xFFFFC000  }
0xcb: {  	_ =	swait.ge [sflag:s17], $0x80  }
0xcc: {  	[sflag:s17] =	ssyncset.done $0x0  }
0xcd: {  	[sflag:s17] =	ssyncadd.s32 $0xFFFFFF80  }
0xce: {  	[spmem:s2] =	stream.indirect.scatter.add.f32 [tilespmem:s12], [sflag:$0xB], $0x80, s5, s9, $0xb8;
	[tilespmem:$0x1EC00] =	vst v63  }
0xcf: {  	_ =	swait.ge [sflag:s28], $0x4000  }
0xd0: {  	[sflag:s28] =	ssyncset.done $0x0  }
0xd1: {  	s25 =	sadd.s32 @!p0 $0xFFFFFFE0, s21;
	s26 =	simm.s32 @!p0 $0x2A80;
	[sflag:s28] =	ssyncadd.s32 $0xFFFFC000  }
0xd2: {  	[tilespmem:s26], [sflag:$0x6] =	stream.linear.gather @!p0 [hbm4b:s25+s24], $0x80, $0x38;
	[tilespmem:$0x1EC00] =	vst v63  }
0xd3: {  	s26 =	sadd.s32 $0x300, s23  }
0xd4: {  	[tilespmem:s8], [sflag:$0x9] =	stream.indirect.gather [hbm4b:s4+s9], $0x80, s26, s9, $0xb8;
	[tilespmem:$0x1EC00] =	vst v63  }
0xd5: {  	_ =	swait.ge [sflag:s10], $0x4000  }
0xd6: {  	[sflag:s10] =	ssyncset.done $0x0  }
0xd7: {  	[sflag:s10] =	ssyncadd.s32 $0xFFFFC000  }
0xd8: {  	_ =	swait.ge [sflag:s19], $0x80  }
0xd9: {  	[sflag:s19] =	ssyncset.done $0x0  }
0xda: {  	[sflag:s19] =	ssyncadd.s32 $0xFFFFFF80  }
0xdb: {  	[spmem:s2] =	stream.indirect.scatter.add.f32 [tilespmem:s8], [sflag:$0xB], $0x80, s6, s9, $0xb8;
	[tilespmem:$0x1EC00] =	vst v63  }
0xdc: {  	_ =	swait.ge [sflag:s28], $0x4000  }
0xdd: {  	[sflag:s28] =	ssyncset.done $0x0  }
0xde: {  	s25 =	sadd.s32 @!p0 $0xFFFFFFF0, s21;
	s26 =	simm.s32 @!p0 $0x2B00;
	[sflag:s28] =	ssyncadd.s32 $0xFFFFC000  }
0xdf: {  	[tilespmem:s26], [sflag:$0x7] =	stream.linear.gather @!p0 [hbm4b:s25+s24], $0x80, $0x38;
	[tilespmem:$0x1EC00] =	vst v63  }
0xe0: {  	s23 =	sadd.s32 $0x380, s23  }
0xe1: {  	[tilespmem:s12], [sflag:$0xA] =	stream.indirect.gather [hbm4b:s4+s9], $0x80, s23, s9, $0xb8;
	[tilespmem:$0x1EC00] =	vst v63  }
0xe2: {  	_ =	swait.ge [sflag:s13], $0x4000  }
0xe3: {  	[sflag:s13] =	ssyncset.done $0x0  }
0xe4: {  	[sflag:s13] =	ssyncadd.s32 $0xFFFFC000  }
0xe5: {  	_ =	swait.ge [sflag:s20], $0x80  }
0xe6: {  	[sflag:s20] =	ssyncset.done $0x0  }
.Ltmp2:
0xe7: {  	[sflag:s20] =	ssyncadd.s32 $0xFFFFFF80;
	(pc) =	sbr.rel @p0 .LBB2_4-.Ltmp2, $4  }
0xe8: {  	[spmem:s2] =	stream.indirect.scatter.add.f32 [tilespmem:s12], [sflag:$0xB], $0x80, s7, s9, $0xb8;
	[tilespmem:$0x1EC00] =	vst v63  }
0xe9: {  	_ =	swait.ge [sflag:s28], $0x4000  }
0xea: {  	[sflag:s28] =	ssyncset.done $0x0  }
0xeb: {  	[sflag:s28] =	ssyncadd.s32 $0xFFFFC000  }
.Ltmp3:
0xec: {  	(pc) =	sbr.rel .LBB2_2-.Ltmp3, $3  }
0xed: {  	_ =	sdelay $0x1  }
0xee: {  	[tilespmem:s7], [sflag:$0x8] =	stream.linear.gather [hbm4b:s21+s3], $0x80, $0x38;
	[tilespmem:$0x1EC00] =	vst v63  }
0xef: {  	s22 =	sadd.s32 $0x1000, s22;
	s21 =	sadd.s32 $0x80, s21  }
.LBB2_5:
0xf0: {  	_ =	sfence.sel $0x180000  }
0xf1: {  	[bflag:$0x0] =	sbarrier.arrive $0xFFFF  }
0xf2: {  	_ =	strace $0x9000004A  }
0xf3: {  	s0 =	stileid.u32;
	[bflag:$0x2] =	sbarrier.arrive $0xFFFF  }
0xf4: {  	p0 =	sne.s32 s0, $0x0;
	s0 =	rddreg [dreg:$0x2]  }
0xf5: {  	s0 =	sadd.s32 @!p0 $0x100000, s0  }
0xf6: {  	[sflag:s0] =	ssyncadd.tile.s32 @!p0 $0x1;
	_ =	shalt  }
.Lfunc_end2:
_tile_overlayer_lowered:
.L_overlay_start_2:
0xf7: {  	(tag) =	ssettag $0x2  }
0xf8: {  	s0 =	rddreg [dreg:$0x0];
	s2 =	stileid.u32  }
0xf9: {  	s1 =	rddreg [dreg:$0x1];
	p0 =	sne.s32 s2, $0x0  }
0xfa: {  	s3 =	rddreg [dreg:$0x2];
	[bflag:$0x3] =	sbarrier.arrive $0xFFFF;
	s2 =	simm.s32 @!p0 $0x1C0B  }
0xfb: {  	[timem:s3], [sflag:s2] =	dma.local @!p0 [hbm:s0], s1  }
0xfc: {  	s0 =	simm.s32 @!p0 $0xB  }
0xfd: {  	_ =	swait.ge @!p0 [sflag:s0], s1  }
0xfe: {  	s1 =	ssub.s32 @!p0 $0x0, s1;
	[sflag:s0] =	ssyncset.done @!p0 $0x0  }
0xff: {  	[sflag:s0] =	ssyncadd.s32 @!p0 s1  }
0x100: {  	[bflag:$0x3] =	sbarrier.arrive $0xFFFF  }
0x101: {  	_ =	shalt  }

</sc_bundles>
